<compile_context>
chip_gen: v7x
topology: tpu7x:2x2x1
jax: 0.10.2.dev20260603
libtpu: 0.0.44.dev20260713+nightly
codegen_flags: <defaults>
</compile_context>

<pallas_src>
import functools

import jax
import jax.numpy as jnp
from jax import lax
from jax.experimental import pallas as pl
from jax.experimental.pallas import tpu as pltpu
from jax.experimental.pallas import tpu_sc as plsc

N = 10000
E = 320000
D = 128
T = 4
NSTEPS = 8
NGRAPHS = 16
HID = 256

NCORES = 2
NSUB = 16
NWORKERS = NCORES * NSUB
CHUNK = 128
CPW = 79
EPAD = NWORKERS * CPW * CHUNK
ROWS_PT = 632
ACC_ROWS = NSUB * ROWS_PT
LAST_ROWS = N - 15 * ROWS_PT


@functools.lru_cache(maxsize=None)
def _make_sc_edge():
    @functools.partial(
        pl.kernel,
        mesh=plsc.VectorSubcoreMesh(core_axis_name="c", subcore_axis_name="s"),
        out_type=jax.ShapeDtypeStruct((NCORES, N, D), jnp.float32),
        scratch_types=[
            pltpu.VMEM((CPW, CHUNK), jnp.int32),
            pltpu.VMEM((CPW, CHUNK), jnp.int32),
            pltpu.VMEM((CHUNK, D), jnp.float32),
            pltpu.VMEM_SHARED((ACC_ROWS, D), jnp.float32),
            pltpu.SemaphoreType.DMA,
        ],
    )
    def _sc_edge(table_hbm, gidx_hbm, dst_hbm, zeros_hbm, out_hbm,
                 idx_v, dst_v, rows_v, acc, sem):
        c = lax.axis_index("c")
        s = lax.axis_index("s")
        wid = c * NSUB + s
        pltpu.sync_copy(gidx_hbm.at[wid], idx_v)
        pltpu.sync_copy(dst_hbm.at[wid], dst_v)
        pltpu.sync_copy(zeros_hbm, acc.at[pl.ds(s * ROWS_PT, ROWS_PT)])
        plsc.subcore_barrier()

        def chunk_body(g, carry):
            pltpu.async_copy(table_hbm.at[idx_v.at[g]], rows_v, sem).wait()
            pltpu.sync_copy(rows_v, acc.at[dst_v.at[g]], add=True)
            return carry

        lax.fori_loop(0, CPW, chunk_body, 0)
        plsc.subcore_barrier()

        @pl.when(s < NSUB - 1)
        def _():
            pltpu.sync_copy(acc.at[pl.ds(s * ROWS_PT, ROWS_PT)],
                            out_hbm.at[c, pl.ds(s * ROWS_PT, ROWS_PT)])

        @pl.when(s == NSUB - 1)
        def _():
            pltpu.sync_copy(acc.at[pl.ds((NSUB - 1) * ROWS_PT, LAST_ROWS)],
                            out_hbm.at[c, pl.ds((NSUB - 1) * ROWS_PT, LAST_ROWS)])

    return _sc_edge


RB = 1000


def _wh_body(h_ref, w_ref, b_ref, o_ref):
    o_ref[...] = (jnp.dot(h_ref[...], w_ref[...],
                          preferred_element_type=jnp.float32) + b_ref[...])


def _tc_wh(h, wcat, bcat):
    return pl.pallas_call(
        _wh_body,
        grid=(N // RB,),
        in_specs=[
            pl.BlockSpec((RB, D), lambda i: (i, 0)),
            pl.BlockSpec((D, T * D), lambda i: (0, 0)),
            pl.BlockSpec((1, T * D), lambda i: (0, 0)),
        ],
        out_specs=pl.BlockSpec((RB, T * D), lambda i: (i, 0)),
        out_shape=jax.ShapeDtypeStruct((N, T * D), jnp.float32),
    )(h, wcat, bcat)


def _gru_core(h_ref, a_ref, wih_ref, whh_ref, bih_ref, bhh_ref):
    hb = h_ref[...]
    av = a_ref[...].astype(jnp.float32)
    ab = av[0] + av[1]
    gi = jnp.dot(ab, wih_ref[...], preferred_element_type=jnp.float32) + bih_ref[...]
    gh = jnp.dot(hb, whh_ref[...], preferred_element_type=jnp.float32) + bhh_ref[...]
    r = jax.nn.sigmoid(gi[:, :D] + gh[:, :D])
    z = jax.nn.sigmoid(gi[:, D:2 * D] + gh[:, D:2 * D])
    n = jnp.tanh(gi[:, 2 * D:] + r * gh[:, 2 * D:])
    return (1.0 - z) * n + z * hb


def _gru_body(h_ref, a_ref, wih_ref, whh_ref, bih_ref, bhh_ref, o_ref):
    o_ref[...] = _gru_core(h_ref, a_ref, wih_ref, whh_ref, bih_ref, bhh_ref)


def _tc_gru(h, a2, wiht, whht, bih, bhh):
    return pl.pallas_call(
        _gru_body,
        grid=(N // RB,),
        in_specs=[
            pl.BlockSpec((RB, D), lambda i: (i, 0)),
            pl.BlockSpec((NCORES, RB, D), lambda i: (0, i, 0)),
            pl.BlockSpec((D, 3 * D), lambda i: (0, 0)),
            pl.BlockSpec((D, 3 * D), lambda i: (0, 0)),
            pl.BlockSpec((1, 3 * D), lambda i: (0, 0)),
            pl.BlockSpec((1, 3 * D), lambda i: (0, 0)),
        ],
        out_specs=pl.BlockSpec((RB, D), lambda i: (i, 0)),
        out_shape=jax.ShapeDtypeStruct((N, D), jnp.float32),
    )(h, a2, wiht, whht, bih, bhh)


def _gruwh_body(h_ref, a_ref, wih_ref, whh_ref, bih_ref, bhh_ref,
                w_ref, b_ref, oh_ref, ow_ref):
    hn = _gru_core(h_ref, a_ref, wih_ref, whh_ref, bih_ref, bhh_ref)
    oh_ref[...] = hn
    ow_ref[...] = (jnp.dot(hn, w_ref[...],
                           preferred_element_type=jnp.float32) + b_ref[...])


def _tc_gruwh(h, a2, wiht, whht, bih, bhh, wcat, bcat):
    return pl.pallas_call(
        _gruwh_body,
        grid=(N // RB,),
        in_specs=[
            pl.BlockSpec((RB, D), lambda i: (i, 0)),
            pl.BlockSpec((NCORES, RB, D), lambda i: (0, i, 0)),
            pl.BlockSpec((D, 3 * D), lambda i: (0, 0)),
            pl.BlockSpec((D, 3 * D), lambda i: (0, 0)),
            pl.BlockSpec((1, 3 * D), lambda i: (0, 0)),
            pl.BlockSpec((1, 3 * D), lambda i: (0, 0)),
            pl.BlockSpec((D, T * D), lambda i: (0, 0)),
            pl.BlockSpec((1, T * D), lambda i: (0, 0)),
        ],
        out_specs=[
            pl.BlockSpec((RB, D), lambda i: (i, 0)),
            pl.BlockSpec((RB, T * D), lambda i: (i, 0)),
        ],
        out_shape=[
            jax.ShapeDtypeStruct((N, D), jnp.float32),
            jax.ShapeDtypeStruct((N, T * D), jnp.float32),
        ],
    )(h, a2, wiht, whht, bih, bhh, wcat, bcat)


def _pool_body(h_ref, gid_ref, w1_ref, b1_ref, w2_ref, b2_ref, o_ref):
    hv = h_ref[...]
    gid = gid_ref[...]
    gids = lax.broadcasted_iota(jnp.int32, (1, NGRAPHS), 1)
    onehot = (gid == gids).astype(jnp.float32)
    sums = lax.dot_general(onehot, hv, (((0,), (0,)), ((), ())),
                           preferred_element_type=jnp.float32)
    cnt = jnp.sum(onehot, axis=0)[:, None]
    feat = sums / jnp.maximum(cnt, 1.0)
    hid = jax.nn.relu(jnp.dot(feat, w1_ref[...],
                              preferred_element_type=jnp.float32) + b1_ref[...])
    logits = jnp.dot(hid, w2_ref[...],
                     preferred_element_type=jnp.float32) + b2_ref[...]
    o_ref[...] = jax.nn.sigmoid(logits)


def _tc_pool(h, gid2d, w1, b1, w2, b2):
    return pl.pallas_call(
        _pool_body,
        out_shape=jax.ShapeDtypeStruct((NGRAPHS, 1), jnp.float32),
    )(h, gid2d, w1, b1, w2, b2)


def kernel(x, edge_index, edge_types, graph_ids, We, be, w_ih, w_hh,
           b_ih, b_hh, W1, b1, W2, b2):
    src = edge_index[0].astype(jnp.int32)
    dst = edge_index[1].astype(jnp.int32)
    et = edge_types.astype(jnp.int32)

    gidx = src * T + et
    pad = EPAD - E
    gidx_p = jnp.concatenate([gidx, jnp.zeros((pad,), jnp.int32)])
    dst_p = jnp.concatenate([dst, jnp.full((pad,), N, jnp.int32)])
    gidx_p = gidx_p.reshape(NWORKERS, CPW, CHUNK)
    dst_p = dst_p.reshape(NWORKERS, CPW, CHUNK)
    zeros = jnp.zeros((ROWS_PT, D), jnp.float32)

    wcat = jnp.transpose(We, (2, 0, 1)).reshape(D, T * D)
    bcat = be.reshape(1, T * D)
    wiht = w_ih.T
    whht = w_hh.T
    bih = b_ih.reshape(1, 3 * D)
    bhh = b_hh.reshape(1, 3 * D)

    h = x
    wh = _tc_wh(h, wcat, bcat)
    for step in range(NSTEPS):
        table = wh.reshape(N * T, D)
        a2 = _make_sc_edge()(table, gidx_p, dst_p, zeros)
        if step < NSTEPS - 1:
            h, wh = _tc_gruwh(h, a2, wiht, whht, bih, bhh, wcat, bcat)
        else:
            h = _tc_gru(h, a2, wiht, whht, bih, bhh)

    gid2d = graph_ids.astype(jnp.int32).reshape(N, 1)
    return _tc_pool(h, gid2d, W1, b1.reshape(1, HID), W2, b2.reshape(1, 1))

# --- scband reference (transcript-rebuilt; emitter-appended) ---
"""Pipeline reference for scband-ggnnmean-end2-end-v2-3298534883492 (READ-ONLY COPY).

The authoritative reference and input builder live on the scoring server;
editing this copy changes nothing except your own understanding.
"""

import jax, jax.numpy as jnp
import numpy as np

N = 10000
E = 320000
D = 128
N_ETYPES = 4
N_STEPS = 8
N_GRAPHS = 16
HIDDEN = 256


def setup_inputs(seed: int = 0) -> dict:
    key = jax.random.key(seed)
    ks = jax.random.split(key, 16)
    s = 0.05
    x = jax.random.normal(ks[0], (N, D), dtype=jnp.float32)
    edge_index = jax.random.randint(ks[1], (2, E), 0, N)
    edge_types = jax.random.randint(ks[2], (E,), 0, N_ETYPES)
    graph_ids = jnp.sort(jax.random.randint(ks[3], (N,), 0, N_GRAPHS))
    # GatedGraphConv params: one Linear(D, D) per edge type, stacked
    We = jax.random.normal(ks[4], (N_ETYPES, D, D), dtype=jnp.float32) * s
    be = jax.random.normal(ks[5], (N_ETYPES, D), dtype=jnp.float32) * s
    # GRUCell params (torch layout: [3*D, D] for r|z|n)
    w_ih = jax.random.normal(ks[6], (3 * D, D), dtype=jnp.float32) * s
    w_hh = jax.random.normal(ks[7], (3 * D, D), dtype=jnp.float32) * s
    b_ih = jax.random.normal(ks[8], (3 * D,), dtype=jnp.float32) * s
    b_hh = jax.random.normal(ks[9], (3 * D,), dtype=jnp.float32) * s
    # LinearSigmoidClassifier: D -> 256 -> 1 (dropout is identity at eval)
    W1 = jax.random.normal(ks[10], (D, HIDDEN), dtype=jnp.float32) * s
    b1 = jnp.zeros((HIDDEN,), dtype=jnp.float32)
    W2 = jax.random.normal(ks[11], (HIDDEN, 1), dtype=jnp.float32) * s
    b2 = jnp.zeros((1,), dtype=jnp.float32)
    return {"x": x, "edge_index": edge_index, "edge_types": edge_types,
            "graph_ids": graph_ids, "We": We, "be": be, "w_ih": w_ih,
            "w_hh": w_hh, "b_ih": b_ih, "b_hh": b_hh, "W1": W1, "b1": b1,
            "W2": W2, "b2": b2}


def reference(x, edge_index, edge_types, graph_ids, We, be, w_ih, w_hh, b_ih, b_hh, W1, b1, W2, b2):
    src = edge_index[0]
    dst = edge_index[1]
    h = x  # in_feats == out_feats, so no zero-padding needed
    for _ in range(N_STEPS):
        # per-etype linear applied to all node states: [N_ETYPES, N, D]
        Wh = jnp.einsum('nd,efd->enf', h, We) + be[:, None, :]
        # per-edge message: linear_{etype(e)}(h[src(e)])  -> gather
        msg = Wh[edge_types, src]  # [E, D]
        # sum aggregation at destination nodes -> scatter-add
        a = jax.ops.segment_sum(msg, dst, num_segments=N)
        # GRUCell(a, h)
        gi = a @ w_ih.T + b_ih
        gh = h @ w_hh.T + b_hh
        i_r, i_z, i_n = gi[:, :D], gi[:, D:2 * D], gi[:, 2 * D:]
        h_r, h_z, h_n = gh[:, :D], gh[:, D:2 * D], gh[:, 2 * D:]
        r = jax.nn.sigmoid(i_r + h_r)
        z = jax.nn.sigmoid(i_z + h_z)
        n = jnp.tanh(i_n + r * h_n)
        h = (1.0 - z) * n + z * h
    # de-batchify + masked mean pool over each graph's nodes
    sums = jax.ops.segment_sum(h, graph_ids, num_segments=N_GRAPHS)
    cnt = jax.ops.segment_sum(jnp.ones((N,), dtype=jnp.float32), graph_ids, num_segments=N_GRAPHS)
    feat = sums / jnp.maximum(cnt, 1.0)[:, None]
    # classifier: Linear -> ReLU -> Linear -> Sigmoid (dropouts are eval no-ops)
    hid = jax.nn.relu(feat @ W1 + b1)
    logits = hid @ W2 + b2
    return jax.nn.sigmoid(logits)

if __name__ == "__main__":
    import jax
    _d = setup_inputs()
    print(jax.jit(kernel)(*tuple(_d.values())))

</pallas_src>

<mosaic_0001>
#map = affine_map<(d0, d1) -> (0, 0)>
#map1 = affine_map<(d0, d1) -> (0, 0, 0)>
module attributes {stable_mosaic.version = 14 : i64} {
  func.func @_sc_edge(%arg0: i32, %arg1: i32, %arg2: memref<40000x128xf32, #tpu.memory_space<hbm>>, %arg3: memref<32x79x128xi32, #tpu.memory_space<hbm>>, %arg4: memref<32x79x128xi32, #tpu.memory_space<hbm>>, %arg5: memref<632x128xf32, #tpu.memory_space<hbm>>, %arg6: memref<2x10000x128xf32, #tpu.memory_space<hbm>>, %arg7: memref<79x128xi32, #tpu.memory_space<vmem>>, %arg8: memref<79x128xi32, #tpu.memory_space<vmem>>, %arg9: memref<128x128xf32, #tpu.memory_space<vmem>>, %arg10: memref<10112x128xf32, #tpu.memory_space<vmem_shared>>, %arg11: memref<!tpu.dma_semaphore, #tpu.memory_space<semaphore_mem>>) attributes {dimension_semantics = [#tpu.dimension_semantics<core_parallel>, #tpu.dimension_semantics<subcore_parallel>], iteration_bounds = array<i64: 2, 16>, scalar_prefetch = 0 : i64, scratch_operands = 5 : i64, tpu.core_type = #tpu.core_type<sc_vector_subcore>, window_params = [{transform_indices = #map}, {transform_indices = #map1}, {transform_indices = #map1}, {transform_indices = #map}, {transform_indices = #map1}]} {
    %mul3A = arith.constant 16 : i32
    %mul3A_0 = arith.muli %arg0, %mul3A : i32
    %add3A = arith.addi %mul3A_0, %arg1 : i32
    "tpu.region"() ({
      %run_scoped3A = tpu.sem_alloc : memref<!tpu.dma_semaphore, #tpu.memory_space<semaphore_mem>>
      %dma_start3A = arith.constant 0 : i32
      %dma_start3A_15 = arith.constant 0 : i32
      %dma_start3A_16 = tpu.memref_slice %arg3[%add3A, %dma_start3A, %dma_start3A_15] : memref<32x79x128xi32, #tpu.memory_space<hbm>> -> memref<1x79x128xi32, #tpu.memory_space<hbm>>
      %dma_start3A_17 = tpu.memref_squeeze %dma_start3A_16 : memref<1x79x128xi32, #tpu.memory_space<hbm>> -> memref<79x128xi32, #tpu.memory_space<hbm>>
      %dma_start3A_18 = arith.constant 0 : i32
      %dma_start3A_19 = arith.constant 0 : i32
      %dma_start3A_20 = tpu.memref_slice %arg3[%add3A, %dma_start3A_18, %dma_start3A_19] : memref<32x79x128xi32, #tpu.memory_space<hbm>> -> memref<1x79x128xi32, #tpu.memory_space<hbm>>
      %dma_start3A_21 = tpu.memref_squeeze %dma_start3A_20 : memref<1x79x128xi32, #tpu.memory_space<hbm>> -> memref<79x128xi32, #tpu.memory_space<hbm>>
      tpu.enqueue_dma source(%dma_start3A_21 : memref<79x128xi32, #tpu.memory_space<hbm>>) target(%arg7 : memref<79x128xi32, #tpu.memory_space<vmem>>) target_semaphore(%run_scoped3A : memref<!tpu.dma_semaphore, #tpu.memory_space<semaphore_mem>>)
      %dma_wait3A = arith.constant 0 : i32
      %dma_wait3A_22 = arith.constant 0 : i32
      %dma_wait3A_23 = tpu.memref_slice %arg3[%add3A, %dma_wait3A, %dma_wait3A_22] : memref<32x79x128xi32, #tpu.memory_space<hbm>> -> memref<1x79x128xi32, #tpu.memory_space<hbm>>
      %dma_wait3A_24 = tpu.memref_squeeze %dma_wait3A_23 : memref<1x79x128xi32, #tpu.memory_space<hbm>> -> memref<79x128xi32, #tpu.memory_space<hbm>>
      %dma_wait3A_25 = arith.constant 0 : i32
      %dma_wait3A_26 = arith.constant 0 : i32
      %dma_wait3A_27 = tpu.memref_slice %arg3[%add3A, %dma_wait3A_25, %dma_wait3A_26] : memref<32x79x128xi32, #tpu.memory_space<hbm>> -> memref<1x79x128xi32, #tpu.memory_space<hbm>>
      %dma_wait3A_28 = tpu.memref_squeeze %dma_wait3A_27 : memref<1x79x128xi32, #tpu.memory_space<hbm>> -> memref<79x128xi32, #tpu.memory_space<hbm>>
      tpu.wait_dma2 semaphore(%run_scoped3A : memref<!tpu.dma_semaphore, #tpu.memory_space<semaphore_mem>>) src(%dma_wait3A_28 : memref<79x128xi32, #tpu.memory_space<hbm>>) dst(%arg7 : memref<79x128xi32, #tpu.memory_space<vmem>>)
      tpu.yield
    }) : () -> ()
    "tpu.region"() ({
      %run_scoped3A = tpu.sem_alloc : memref<!tpu.dma_semaphore, #tpu.memory_space<semaphore_mem>>
      %dma_start3A = arith.constant 0 : i32
      %dma_start3A_15 = arith.constant 0 : i32
      %dma_start3A_16 = tpu.memref_slice %arg4[%add3A, %dma_start3A, %dma_start3A_15] : memref<32x79x128xi32, #tpu.memory_space<hbm>> -> memref<1x79x128xi32, #tpu.memory_space<hbm>>
      %dma_start3A_17 = tpu.memref_squeeze %dma_start3A_16 : memref<1x79x128xi32, #tpu.memory_space<hbm>> -> memref<79x128xi32, #tpu.memory_space<hbm>>
      %dma_start3A_18 = arith.constant 0 : i32
      %dma_start3A_19 = arith.constant 0 : i32
      %dma_start3A_20 = tpu.memref_slice %arg4[%add3A, %dma_start3A_18, %dma_start3A_19] : memref<32x79x128xi32, #tpu.memory_space<hbm>> -> memref<1x79x128xi32, #tpu.memory_space<hbm>>
      %dma_start3A_21 = tpu.memref_squeeze %dma_start3A_20 : memref<1x79x128xi32, #tpu.memory_space<hbm>> -> memref<79x128xi32, #tpu.memory_space<hbm>>
      tpu.enqueue_dma source(%dma_start3A_21 : memref<79x128xi32, #tpu.memory_space<hbm>>) target(%arg8 : memref<79x128xi32, #tpu.memory_space<vmem>>) target_semaphore(%run_scoped3A : memref<!tpu.dma_semaphore, #tpu.memory_space<semaphore_mem>>)
      %dma_wait3A = arith.constant 0 : i32
      %dma_wait3A_22 = arith.constant 0 : i32
      %dma_wait3A_23 = tpu.memref_slice %arg4[%add3A, %dma_wait3A, %dma_wait3A_22] : memref<32x79x128xi32, #tpu.memory_space<hbm>> -> memref<1x79x128xi32, #tpu.memory_space<hbm>>
      %dma_wait3A_24 = tpu.memref_squeeze %dma_wait3A_23 : memref<1x79x128xi32, #tpu.memory_space<hbm>> -> memref<79x128xi32, #tpu.memory_space<hbm>>
      %dma_wait3A_25 = arith.constant 0 : i32
      %dma_wait3A_26 = arith.constant 0 : i32
      %dma_wait3A_27 = tpu.memref_slice %arg4[%add3A, %dma_wait3A_25, %dma_wait3A_26] : memref<32x79x128xi32, #tpu.memory_space<hbm>> -> memref<1x79x128xi32, #tpu.memory_space<hbm>>
      %dma_wait3A_28 = tpu.memref_squeeze %dma_wait3A_27 : memref<1x79x128xi32, #tpu.memory_space<hbm>> -> memref<79x128xi32, #tpu.memory_space<hbm>>
      tpu.wait_dma2 semaphore(%run_scoped3A : memref<!tpu.dma_semaphore, #tpu.memory_space<semaphore_mem>>) src(%dma_wait3A_28 : memref<79x128xi32, #tpu.memory_space<hbm>>) dst(%arg8 : memref<79x128xi32, #tpu.memory_space<vmem>>)
      tpu.yield
    }) : () -> ()
    %mul3A_1 = arith.constant 632 : i32
    %mul3A_2 = arith.muli %arg1, %mul3A_1 : i32
    "tpu.region"() ({
      %run_scoped3A = tpu.sem_alloc : memref<!tpu.dma_semaphore, #tpu.memory_space<semaphore_mem>>
      %dma_start3A = arith.constant 0 : i32
      %dma_start3A_15 = tpu.memref_slice %arg10[%mul3A_2, %dma_start3A] : memref<10112x128xf32, #tpu.memory_space<vmem_shared>> -> memref<632x128xf32, #tpu.memory_space<vmem_shared>>
      tpu.enqueue_dma source(%arg5 : memref<632x128xf32, #tpu.memory_space<hbm>>) target(%dma_start3A_15 : memref<632x128xf32, #tpu.memory_space<vmem_shared>>) target_semaphore(%run_scoped3A : memref<!tpu.dma_semaphore, #tpu.memory_space<semaphore_mem>>)
      %dma_wait3A = arith.constant 0 : i32
      %dma_wait3A_16 = tpu.memref_slice %arg10[%mul3A_2, %dma_wait3A] : memref<10112x128xf32, #tpu.memory_space<vmem_shared>> -> memref<632x128xf32, #tpu.memory_space<vmem_shared>>
      tpu.wait_dma2 semaphore(%run_scoped3A : memref<!tpu.dma_semaphore, #tpu.memory_space<semaphore_mem>>) src(%arg5 : memref<632x128xf32, #tpu.memory_space<hbm>>) dst(%dma_wait3A_16 : memref<632x128xf32, #tpu.memory_space<vmem_shared>>)
      tpu.yield
    }) : () -> ()
    %barrier3A = arith.constant 0 : index
    tpu.barrier barrier_id(%barrier3A)
    %scan3A = arith.constant 0 : i32
    %scan3A_3 = arith.constant 0 : i32
    %scan3A_4 = arith.constant 79 : i32
    %scan3A_5 = arith.addi %scan3A_3, %scan3A_4 : i32
    %scan3A_6 = arith.constant 1 : i32
    scf.for %scan3A_15 = %scan3A_3 to %scan3A_5 step %scan3A_6  : i32 {
      %dma_start3A = arith.constant 0 : i32
      %dma_start3A_16 = tpu.memref_slice %arg7[%scan3A_15, %dma_start3A] : memref<79x128xi32, #tpu.memory_space<vmem>> -> memref<1x128xi32, #tpu.memory_space<vmem>>
      %dma_start3A_17 = tpu.memref_squeeze %dma_start3A_16 : memref<1x128xi32, #tpu.memory_space<vmem>> -> memref<128xi32, #tpu.memory_space<vmem>>
      %dma_start3A_18 = arith.constant 0 : i32
      %dma_start3A_19 = arith.constant 0 : i32
      %dma_start3A_20 = tpu.memref_slice %arg2[%dma_start3A_18, %dma_start3A_19] : memref<40000x128xf32, #tpu.memory_space<hbm>> -> memref<40000x128xf32, #tpu.memory_space<hbm>>
      tpu.enqueue_indirect_dma source(%dma_start3A_20 : memref<40000x128xf32, #tpu.memory_space<hbm>>) target(%arg9 : memref<128x128xf32, #tpu.memory_space<vmem>>) offsets(%dma_start3A_17 : memref<128xi32, #tpu.memory_space<vmem>>) semaphore(%arg11 : memref<!tpu.dma_semaphore, #tpu.memory_space<semaphore_mem>>)
      %dma_wait3A = arith.constant 0 : i32
      %dma_wait3A_21 = tpu.memref_slice %arg7[%scan3A_15, %dma_wait3A] : memref<79x128xi32, #tpu.memory_space<vmem>> -> memref<1x128xi32, #tpu.memory_space<vmem>>
      %dma_wait3A_22 = tpu.memref_squeeze %dma_wait3A_21 : memref<1x128xi32, #tpu.memory_space<vmem>> -> memref<128xi32, #tpu.memory_space<vmem>>
      %dma_wait3A_23 = arith.constant 0 : i32
      %dma_wait3A_24 = arith.constant 0 : i32
      %dma_wait3A_25 = tpu.memref_slice %arg2[%dma_wait3A_23, %dma_wait3A_24] : memref<40000x128xf32, #tpu.memory_space<hbm>> -> memref<40000x128xf32, #tpu.memory_space<hbm>>
      tpu.wait_indirect_dma semaphore(%arg11 : memref<!tpu.dma_semaphore, #tpu.memory_space<semaphore_mem>>) src(%dma_wait3A_25 : memref<40000x128xf32, #tpu.memory_space<hbm>>) dst(%arg9 : memref<128x128xf32, #tpu.memory_space<vmem>>)
      "tpu.region"() ({
        %run_scoped3A = tpu.sem_alloc : memref<!tpu.dma_semaphore, #tpu.memory_space<semaphore_mem>>
        %dma_start3A_26 = arith.constant 0 : i32
        %dma_start3A_27 = tpu.memref_slice %arg8[%scan3A_15, %dma_start3A_26] : memref<79x128xi32, #tpu.memory_space<vmem>> -> memref<1x128xi32, #tpu.memory_space<vmem>>
        %dma_start3A_28 = tpu.memref_squeeze %dma_start3A_27 : memref<1x128xi32, #tpu.memory_space<vmem>> -> memref<128xi32, #tpu.memory_space<vmem>>
        %dma_start3A_29 = arith.constant 0 : i32
        %dma_start3A_30 = arith.constant 0 : i32
        %dma_start3A_31 = tpu.memref_slice %arg10[%dma_start3A_29, %dma_start3A_30] : memref<10112x128xf32, #tpu.memory_space<vmem_shared>> -> memref<10112x128xf32, #tpu.memory_space<vmem_shared>>
        tpu.enqueue_indirect_dma source(%arg9 : memref<128x128xf32, #tpu.memory_space<vmem>>) target(%dma_start3A_31 : memref<10112x128xf32, #tpu.memory_space<vmem_shared>>) offsets(%dma_start3A_28 : memref<128xi32, #tpu.memory_space<vmem>>) semaphore(%run_scoped3A : memref<!tpu.dma_semaphore, #tpu.memory_space<semaphore_mem>>) {add = true}
        %dma_wait3A_32 = arith.constant 0 : i32
        %dma_wait3A_33 = tpu.memref_slice %arg8[%scan3A_15, %dma_wait3A_32] : memref<79x128xi32, #tpu.memory_space<vmem>> -> memref<1x128xi32, #tpu.memory_space<vmem>>
        %dma_wait3A_34 = tpu.memref_squeeze %dma_wait3A_33 : memref<1x128xi32, #tpu.memory_space<vmem>> -> memref<128xi32, #tpu.memory_space<vmem>>
        %dma_wait3A_35 = arith.constant 0 : i32
        %dma_wait3A_36 = arith.constant 0 : i32
        %dma_wait3A_37 = tpu.memref_slice %arg10[%dma_wait3A_35, %dma_wait3A_36] : memref<10112x128xf32, #tpu.memory_space<vmem_shared>> -> memref<10112x128xf32, #tpu.memory_space<vmem_shared>>
        tpu.wait_indirect_dma semaphore(%run_scoped3A : memref<!tpu.dma_semaphore, #tpu.memory_space<semaphore_mem>>) src(%arg9 : memref<128x128xf32, #tpu.memory_space<vmem>>) dst(%dma_wait3A_37 : memref<10112x128xf32, #tpu.memory_space<vmem_shared>>)
        tpu.yield
      }) : () -> ()
    }
    %scan3A_7 = arith.constant 79 : i32
    %barrier3A_8 = arith.constant 0 : index
    tpu.barrier barrier_id(%barrier3A_8)
    %lt3A = arith.constant 15 : i32
    %lt3A_9 = arith.cmpi slt, %arg1, %lt3A : i32
    %convert_element_type3A = arith.extui %lt3A_9 : i1 to i32
    %cond3A = arith.constant 0 : i32
    %cond3A_10 = arith.cmpi ne, %convert_element_type3A, %cond3A : i32
    scf.if %cond3A_10 {
      %mul3A_15 = arith.constant 632 : i32
      %mul3A_16 = arith.muli %arg1, %mul3A_15 : i32
      %mul3A_17 = arith.constant 632 : i32
      %mul3A_18 = arith.muli %arg1, %mul3A_17 : i32
      "tpu.region"() ({
        %run_scoped3A = tpu.sem_alloc : memref<!tpu.dma_semaphore, #tpu.memory_space<semaphore_mem>>
        %dma_start3A = arith.constant 0 : i32
        %dma_start3A_19 = tpu.memref_slice %arg6[%arg0, %mul3A_18, %dma_start3A] : memref<2x10000x128xf32, #tpu.memory_space<hbm>> -> memref<1x632x128xf32, #tpu.memory_space<hbm>>
        %dma_start3A_20 = tpu.memref_squeeze %dma_start3A_19 : memref<1x632x128xf32, #tpu.memory_space<hbm>> -> memref<632x128xf32, #tpu.memory_space<hbm>>
        %dma_start3A_21 = arith.constant 0 : i32
        %dma_start3A_22 = tpu.memref_slice %arg10[%mul3A_16, %dma_start3A_21] : memref<10112x128xf32, #tpu.memory_space<vmem_shared>> -> memref<632x128xf32, #tpu.memory_space<vmem_shared>>
        tpu.enqueue_dma source(%dma_start3A_22 : memref<632x128xf32, #tpu.memory_space<vmem_shared>>) target(%dma_start3A_20 : memref<632x128xf32, #tpu.memory_space<hbm>>) target_semaphore(%run_scoped3A : memref<!tpu.dma_semaphore, #tpu.memory_space<semaphore_mem>>)
        %dma_wait3A = arith.constant 0 : i32
        %dma_wait3A_23 = tpu.memref_slice %arg6[%arg0, %mul3A_18, %dma_wait3A] : memref<2x10000x128xf32, #tpu.memory_space<hbm>> -> memref<1x632x128xf32, #tpu.memory_space<hbm>>
        %dma_wait3A_24 = tpu.memref_squeeze %dma_wait3A_23 : memref<1x632x128xf32, #tpu.memory_space<hbm>> -> memref<632x128xf32, #tpu.memory_space<hbm>>
        %dma_wait3A_25 = arith.constant 0 : i32
        %dma_wait3A_26 = tpu.memref_slice %arg10[%mul3A_16, %dma_wait3A_25] : memref<10112x128xf32, #tpu.memory_space<vmem_shared>> -> memref<632x128xf32, #tpu.memory_space<vmem_shared>>
        tpu.wait_dma2 semaphore(%run_scoped3A : memref<!tpu.dma_semaphore, #tpu.memory_space<semaphore_mem>>) src(%dma_wait3A_26 : memref<632x128xf32, #tpu.memory_space<vmem_shared>>) dst(%dma_wait3A_24 : memref<632x128xf32, #tpu.memory_space<hbm>>)
        tpu.yield
      }) : () -> ()
    } else {
    }
    %eq3A = arith.constant 15 : i32
    %eq3A_11 = arith.cmpi eq, %arg1, %eq3A : i32
    %convert_element_type3A_12 = arith.extui %eq3A_11 : i1 to i32
    %cond3A_13 = arith.constant 0 : i32
    %cond3A_14 = arith.cmpi ne, %convert_element_type3A_12, %cond3A_13 : i32
    scf.if %cond3A_14 {
      "tpu.region"() ({
        %run_scoped3A = tpu.sem_alloc : memref<!tpu.dma_semaphore, #tpu.memory_space<semaphore_mem>>
        %dma_start3A = arith.constant 9480 : i32
        %dma_start3A_15 = arith.constant 0 : i32
        %dma_start3A_16 = tpu.memref_slice %arg6[%arg0, %dma_start3A, %dma_start3A_15] : memref<2x10000x128xf32, #tpu.memory_space<hbm>> -> memref<1x520x128xf32, #tpu.memory_space<hbm>>
        %dma_start3A_17 = tpu.memref_squeeze %dma_start3A_16 : memref<1x520x128xf32, #tpu.memory_space<hbm>> -> memref<520x128xf32, #tpu.memory_space<hbm>>
        %dma_start3A_18 = arith.constant 9480 : i32
        %dma_start3A_19 = arith.constant 0 : i32
        %dma_start3A_20 = tpu.memref_slice %arg10[%dma_start3A_18, %dma_start3A_19] : memref<10112x128xf32, #tpu.memory_space<vmem_shared>> -> memref<520x128xf32, #tpu.memory_space<vmem_shared>>
        tpu.enqueue_dma source(%dma_start3A_20 : memref<520x128xf32, #tpu.memory_space<vmem_shared>>) target(%dma_start3A_17 : memref<520x128xf32, #tpu.memory_space<hbm>>) target_semaphore(%run_scoped3A : memref<!tpu.dma_semaphore, #tpu.memory_space<semaphore_mem>>)
        %dma_wait3A = arith.constant 9480 : i32
        %dma_wait3A_21 = arith.constant 0 : i32
        %dma_wait3A_22 = tpu.memref_slice %arg6[%arg0, %dma_wait3A, %dma_wait3A_21] : memref<2x10000x128xf32, #tpu.memory_space<hbm>> -> memref<1x520x128xf32, #tpu.memory_space<hbm>>
        %dma_wait3A_23 = tpu.memref_squeeze %dma_wait3A_22 : memref<1x520x128xf32, #tpu.memory_space<hbm>> -> memref<520x128xf32, #tpu.memory_space<hbm>>
        %dma_wait3A_24 = arith.constant 9480 : i32
        %dma_wait3A_25 = arith.constant 0 : i32
        %dma_wait3A_26 = tpu.memref_slice %arg10[%dma_wait3A_24, %dma_wait3A_25] : memref<10112x128xf32, #tpu.memory_space<vmem_shared>> -> memref<520x128xf32, #tpu.memory_space<vmem_shared>>
        tpu.wait_dma2 semaphore(%run_scoped3A : memref<!tpu.dma_semaphore, #tpu.memory_space<semaphore_mem>>) src(%dma_wait3A_26 : memref<520x128xf32, #tpu.memory_space<vmem_shared>>) dst(%dma_wait3A_23 : memref<520x128xf32, #tpu.memory_space<hbm>>)
        tpu.yield
      }) : () -> ()
    } else {
    }
    return
  }
}

#map = affine_map<(d0, d1) -> (0, 0)>
#map1 = affine_map<(d0, d1) -> (0, 0, 0)>
module attributes {stable_mosaic.version = 14 : i64} {
  func.func @_sc_edge(%arg0: i32, %arg1: i32, %arg2: memref<40000x128xf32, #tpu.memory_space<hbm>>, %arg3: memref<32x79x128xi32, #tpu.memory_space<hbm>>, %arg4: memref<32x79x128xi32, #tpu.memory_space<hbm>>, %arg5: memref<632x128xf32, #tpu.memory_space<hbm>>, %arg6: memref<2x10000x128xf32, #tpu.memory_space<hbm>>, %arg7: memref<79x128xi32, #tpu.memory_space<vmem>>, %arg8: memref<79x128xi32, #tpu.memory_space<vmem>>, %arg9: memref<128x128xf32, #tpu.memory_space<vmem>>, %arg10: memref<10112x128xf32, #tpu.memory_space<vmem_shared>>, %arg11: memref<!tpu.dma_semaphore, #tpu.memory_space<semaphore_mem>>) attributes {dimension_semantics = [#tpu.dimension_semantics<core_parallel>, #tpu.dimension_semantics<subcore_parallel>], iteration_bounds = array<i64: 2, 16>, scalar_prefetch = 0 : i64, scratch_operands = 5 : i64, tpu.core_type = #tpu.core_type<sc_vector_subcore>, window_params = [{transform_indices = #map}, {transform_indices = #map1}, {transform_indices = #map1}, {transform_indices = #map}, {transform_indices = #map1}]} {
    %mul3A = arith.constant 16 : i32
    %mul3A_0 = arith.muli %arg0, %mul3A : i32
    %add3A = arith.addi %mul3A_0, %arg1 : i32
    "tpu.region"() ({
      %run_scoped3A = tpu.sem_alloc : memref<!tpu.dma_semaphore, #tpu.memory_space<semaphore_mem>>
      %dma_start3A = arith.constant 0 : i32
      %dma_start3A_15 = arith.constant 0 : i32
      %dma_start3A_16 = tpu.memref_slice %arg3[%add3A, %dma_start3A, %dma_start3A_15] : memref<32x79x128xi32, #tpu.memory_space<hbm>> -> memref<1x79x128xi32, #tpu.memory_space<hbm>>
      %dma_start3A_17 = tpu.memref_squeeze %dma_start3A_16 : memref<1x79x128xi32, #tpu.memory_space<hbm>> -> memref<79x128xi32, #tpu.memory_space<hbm>>
      %dma_start3A_18 = arith.constant 0 : i32
      %dma_start3A_19 = arith.constant 0 : i32
      %dma_start3A_20 = tpu.memref_slice %arg3[%add3A, %dma_start3A_18, %dma_start3A_19] : memref<32x79x128xi32, #tpu.memory_space<hbm>> -> memref<1x79x128xi32, #tpu.memory_space<hbm>>
      %dma_start3A_21 = tpu.memref_squeeze %dma_start3A_20 : memref<1x79x128xi32, #tpu.memory_space<hbm>> -> memref<79x128xi32, #tpu.memory_space<hbm>>
      tpu.enqueue_dma source(%dma_start3A_21 : memref<79x128xi32, #tpu.memory_space<hbm>>) target(%arg7 : memref<79x128xi32, #tpu.memory_space<vmem>>) target_semaphore(%run_scoped3A : memref<!tpu.dma_semaphore, #tpu.memory_space<semaphore_mem>>)
      %dma_wait3A = arith.constant 0 : i32
      %dma_wait3A_22 = arith.constant 0 : i32
      %dma_wait3A_23 = tpu.memref_slice %arg3[%add3A, %dma_wait3A, %dma_wait3A_22] : memref<32x79x128xi32, #tpu.memory_space<hbm>> -> memref<1x79x128xi32, #tpu.memory_space<hbm>>
      %dma_wait3A_24 = tpu.memref_squeeze %dma_wait3A_23 : memref<1x79x128xi32, #tpu.memory_space<hbm>> -> memref<79x128xi32, #tpu.memory_space<hbm>>
      %dma_wait3A_25 = arith.constant 0 : i32
      %dma_wait3A_26 = arith.constant 0 : i32
      %dma_wait3A_27 = tpu.memref_slice %arg3[%add3A, %dma_wait3A_25, %dma_wait3A_26] : memref<32x79x128xi32, #tpu.memory_space<hbm>> -> memref<1x79x128xi32, #tpu.memory_space<hbm>>
      %dma_wait3A_28 = tpu.memref_squeeze %dma_wait3A_27 : memref<1x79x128xi32, #tpu.memory_space<hbm>> -> memref<79x128xi32, #tpu.memory_space<hbm>>
      tpu.wait_dma2 semaphore(%run_scoped3A : memref<!tpu.dma_semaphore, #tpu.memory_space<semaphore_mem>>) src(%dma_wait3A_28 : memref<79x128xi32, #tpu.memory_space<hbm>>) dst(%arg7 : memref<79x128xi32, #tpu.memory_space<vmem>>)
      tpu.yield
    }) : () -> ()
    "tpu.region"() ({
      %run_scoped3A = tpu.sem_alloc : memref<!tpu.dma_semaphore, #tpu.memory_space<semaphore_mem>>
      %dma_start3A = arith.constant 0 : i32
      %dma_start3A_15 = arith.constant 0 : i32
      %dma_start3A_16 = tpu.memref_slice %arg4[%add3A, %dma_start3A, %dma_start3A_15] : memref<32x79x128xi32, #tpu.memory_space<hbm>> -> memref<1x79x128xi32, #tpu.memory_space<hbm>>
      %dma_start3A_17 = tpu.memref_squeeze %dma_start3A_16 : memref<1x79x128xi32, #tpu.memory_space<hbm>> -> memref<79x128xi32, #tpu.memory_space<hbm>>
      %dma_start3A_18 = arith.constant 0 : i32
      %dma_start3A_19 = arith.constant 0 : i32
      %dma_start3A_20 = tpu.memref_slice %arg4[%add3A, %dma_start3A_18, %dma_start3A_19] : memref<32x79x128xi32, #tpu.memory_space<hbm>> -> memref<1x79x128xi32, #tpu.memory_space<hbm>>
      %dma_start3A_21 = tpu.memref_squeeze %dma_start3A_20 : memref<1x79x128xi32, #tpu.memory_space<hbm>> -> memref<79x128xi32, #tpu.memory_space<hbm>>
      tpu.enqueue_dma source(%dma_start3A_21 : memref<79x128xi32, #tpu.memory_space<hbm>>) target(%arg8 : memref<79x128xi32, #tpu.memory_space<vmem>>) target_semaphore(%run_scoped3A : memref<!tpu.dma_semaphore, #tpu.memory_space<semaphore_mem>>)
      %dma_wait3A = arith.constant 0 : i32
      %dma_wait3A_22 = arith.constant 0 : i32
      %dma_wait3A_23 = tpu.memref_slice %arg4[%add3A, %dma_wait3A, %dma_wait3A_22] : memref<32x79x128xi32, #tpu.memory_space<hbm>> -> memref<1x79x128xi32, #tpu.memory_space<hbm>>
      %dma_wait3A_24 = tpu.memref_squeeze %dma_wait3A_23 : memref<1x79x128xi32, #tpu.memory_space<hbm>> -> memref<79x128xi32, #tpu.memory_space<hbm>>
      %dma_wait3A_25 = arith.constant 0 : i32
      %dma_wait3A_26 = arith.constant 0 : i32
      %dma_wait3A_27 = tpu.memref_slice %arg4[%add3A, %dma_wait3A_25, %dma_wait3A_26] : memref<32x79x128xi32, #tpu.memory_space<hbm>> -> memref<1x79x128xi32, #tpu.memory_space<hbm>>
      %dma_wait3A_28 = tpu.memref_squeeze %dma_wait3A_27 : memref<1x79x128xi32, #tpu.memory_space<hbm>> -> memref<79x128xi32, #tpu.memory_space<hbm>>
      tpu.wait_dma2 semaphore(%run_scoped3A : memref<!tpu.dma_semaphore, #tpu.memory_space<semaphore_mem>>) src(%dma_wait3A_28 : memref<79x128xi32, #tpu.memory_space<hbm>>) dst(%arg8 : memref<79x128xi32, #tpu.memory_space<vmem>>)
      tpu.yield
    }) : () -> ()
    %mul3A_1 = arith.constant 632 : i32
    %mul3A_2 = arith.muli %arg1, %mul3A_1 : i32
    "tpu.region"() ({
      %run_scoped3A = tpu.sem_alloc : memref<!tpu.dma_semaphore, #tpu.memory_space<semaphore_mem>>
      %dma_start3A = arith.constant 0 : i32
      %dma_start3A_15 = tpu.memref_slice %arg10[%mul3A_2, %dma_start3A] : memref<10112x128xf32, #tpu.memory_space<vmem_shared>> -> memref<632x128xf32, #tpu.memory_space<vmem_shared>>
      tpu.enqueue_dma source(%arg5 : memref<632x128xf32, #tpu.memory_space<hbm>>) target(%dma_start3A_15 : memref<632x128xf32, #tpu.memory_space<vmem_shared>>) target_semaphore(%run_scoped3A : memref<!tpu.dma_semaphore, #tpu.memory_space<semaphore_mem>>)
      %dma_wait3A = arith.constant 0 : i32
      %dma_wait3A_16 = tpu.memref_slice %arg10[%mul3A_2, %dma_wait3A] : memref<10112x128xf32, #tpu.memory_space<vmem_shared>> -> memref<632x128xf32, #tpu.memory_space<vmem_shared>>
      tpu.wait_dma2 semaphore(%run_scoped3A : memref<!tpu.dma_semaphore, #tpu.memory_space<semaphore_mem>>) src(%arg5 : memref<632x128xf32, #tpu.memory_space<hbm>>) dst(%dma_wait3A_16 : memref<632x128xf32, #tpu.memory_space<vmem_shared>>)
      tpu.yield
    }) : () -> ()
    %barrier3A = arith.constant 0 : index
    tpu.barrier barrier_id(%barrier3A)
    %scan3A = arith.constant 0 : i32
    %scan3A_3 = arith.constant 0 : i32
    %scan3A_4 = arith.constant 79 : i32
    %scan3A_5 = arith.addi %scan3A_3, %scan3A_4 : i32
    %scan3A_6 = arith.constant 1 : i32
    scf.for %scan3A_15 = %scan3A_3 to %scan3A_5 step %scan3A_6  : i32 {
      %dma_start3A = arith.constant 0 : i32
      %dma_start3A_16 = tpu.memref_slice %arg7[%scan3A_15, %dma_start3A] : memref<79x128xi32, #tpu.memory_space<vmem>> -> memref<1x128xi32, #tpu.memory_space<vmem>>
      %dma_start3A_17 = tpu.memref_squeeze %dma_start3A_16 : memref<1x128xi32, #tpu.memory_space<vmem>> -> memref<128xi32, #tpu.memory_space<vmem>>
      %dma_start3A_18 = arith.constant 0 : i32
      %dma_start3A_19 = arith.constant 0 : i32
      %dma_start3A_20 = tpu.memref_slice %arg2[%dma_start3A_18, %dma_start3A_19] : memref<40000x128xf32, #tpu.memory_space<hbm>> -> memref<40000x128xf32, #tpu.memory_space<hbm>>
      tpu.enqueue_indirect_dma source(%dma_start3A_20 : memref<40000x128xf32, #tpu.memory_space<hbm>>) target(%arg9 : memref<128x128xf32, #tpu.memory_space<vmem>>) offsets(%dma_start3A_17 : memref<128xi32, #tpu.memory_space<vmem>>) semaphore(%arg11 : memref<!tpu.dma_semaphore, #tpu.memory_space<semaphore_mem>>)
      %dma_wait3A = arith.constant 0 : i32
      %dma_wait3A_21 = tpu.memref_slice %arg7[%scan3A_15, %dma_wait3A] : memref<79x128xi32, #tpu.memory_space<vmem>> -> memref<1x128xi32, #tpu.memory_space<vmem>>
      %dma_wait3A_22 = tpu.memref_squeeze %dma_wait3A_21 : memref<1x128xi32, #tpu.memory_space<vmem>> -> memref<128xi32, #tpu.memory_space<vmem>>
      %dma_wait3A_23 = arith.constant 0 : i32
      %dma_wait3A_24 = arith.constant 0 : i32
      %dma_wait3A_25 = tpu.memref_slice %arg2[%dma_wait3A_23, %dma_wait3A_24] : memref<40000x128xf32, #tpu.memory_space<hbm>> -> memref<40000x128xf32, #tpu.memory_space<hbm>>
      tpu.wait_indirect_dma semaphore(%arg11 : memref<!tpu.dma_semaphore, #tpu.memory_space<semaphore_mem>>) src(%dma_wait3A_25 : memref<40000x128xf32, #tpu.memory_space<hbm>>) dst(%arg9 : memref<128x128xf32, #tpu.memory_space<vmem>>)
      "tpu.region"() ({
        %run_scoped3A = tpu.sem_alloc : memref<!tpu.dma_semaphore, #tpu.memory_space<semaphore_mem>>
        %dma_start3A_26 = arith.constant 0 : i32
        %dma_start3A_27 = tpu.memref_slice %arg8[%scan3A_15, %dma_start3A_26] : memref<79x128xi32, #tpu.memory_space<vmem>> -> memref<1x128xi32, #tpu.memory_space<vmem>>
        %dma_start3A_28 = tpu.memref_squeeze %dma_start3A_27 : memref<1x128xi32, #tpu.memory_space<vmem>> -> memref<128xi32, #tpu.memory_space<vmem>>
        %dma_start3A_29 = arith.constant 0 : i32
        %dma_start3A_30 = arith.constant 0 : i32
        %dma_start3A_31 = tpu.memref_slice %arg10[%dma_start3A_29, %dma_start3A_30] : memref<10112x128xf32, #tpu.memory_space<vmem_shared>> -> memref<10112x128xf32, #tpu.memory_space<vmem_shared>>
        tpu.enqueue_indirect_dma source(%arg9 : memref<128x128xf32, #tpu.memory_space<vmem>>) target(%dma_start3A_31 : memref<10112x128xf32, #tpu.memory_space<vmem_shared>>) offsets(%dma_start3A_28 : memref<128xi32, #tpu.memory_space<vmem>>) semaphore(%run_scoped3A : memref<!tpu.dma_semaphore, #tpu.memory_space<semaphore_mem>>) {add = true}
        %dma_wait3A_32 = arith.constant 0 : i32
        %dma_wait3A_33 = tpu.memref_slice %arg8[%scan3A_15, %dma_wait3A_32] : memref<79x128xi32, #tpu.memory_space<vmem>> -> memref<1x128xi32, #tpu.memory_space<vmem>>
        %dma_wait3A_34 = tpu.memref_squeeze %dma_wait3A_33 : memref<1x128xi32, #tpu.memory_space<vmem>> -> memref<128xi32, #tpu.memory_space<vmem>>
        %dma_wait3A_35 = arith.constant 0 : i32
        %dma_wait3A_36 = arith.constant 0 : i32
        %dma_wait3A_37 = tpu.memref_slice %arg10[%dma_wait3A_35, %dma_wait3A_36] : memref<10112x128xf32, #tpu.memory_space<vmem_shared>> -> memref<10112x128xf32, #tpu.memory_space<vmem_shared>>
        tpu.wait_indirect_dma semaphore(%run_scoped3A : memref<!tpu.dma_semaphore, #tpu.memory_space<semaphore_mem>>) src(%arg9 : memref<128x128xf32, #tpu.memory_space<vmem>>) dst(%dma_wait3A_37 : memref<10112x128xf32, #tpu.memory_space<vmem_shared>>)
        tpu.yield
      }) : () -> ()
    }
    %scan3A_7 = arith.constant 79 : i32
    %barrier3A_8 = arith.constant 0 : index
    tpu.barrier barrier_id(%barrier3A_8)
    %lt3A = arith.constant 15 : i32
    %lt3A_9 = arith.cmpi slt, %arg1, %lt3A : i32
    %convert_element_type3A = arith.extui %lt3A_9 : i1 to i32
    %cond3A = arith.constant 0 : i32
    %cond3A_10 = arith.cmpi ne, %convert_element_type3A, %cond3A : i32
    scf.if %cond3A_10 {
      %mul3A_15 = arith.constant 632 : i32
      %mul3A_16 = arith.muli %arg1, %mul3A_15 : i32
      %mul3A_17 = arith.constant 632 : i32
      %mul3A_18 = arith.muli %arg1, %mul3A_17 : i32
      "tpu.region"() ({
        %run_scoped3A = tpu.sem_alloc : memref<!tpu.dma_semaphore, #tpu.memory_space<semaphore_mem>>
        %dma_start3A = arith.constant 0 : i32
        %dma_start3A_19 = tpu.memref_slice %arg6[%arg0, %mul3A_18, %dma_start3A] : memref<2x10000x128xf32, #tpu.memory_space<hbm>> -> memref<1x632x128xf32, #tpu.memory_space<hbm>>
        %dma_start3A_20 = tpu.memref_squeeze %dma_start3A_19 : memref<1x632x128xf32, #tpu.memory_space<hbm>> -> memref<632x128xf32, #tpu.memory_space<hbm>>
        %dma_start3A_21 = arith.constant 0 : i32
        %dma_start3A_22 = tpu.memref_slice %arg10[%mul3A_16, %dma_start3A_21] : memref<10112x128xf32, #tpu.memory_space<vmem_shared>> -> memref<632x128xf32, #tpu.memory_space<vmem_shared>>
        tpu.enqueue_dma source(%dma_start3A_22 : memref<632x128xf32, #tpu.memory_space<vmem_shared>>) target(%dma_start3A_20 : memref<632x128xf32, #tpu.memory_space<hbm>>) target_semaphore(%run_scoped3A : memref<!tpu.dma_semaphore, #tpu.memory_space<semaphore_mem>>)
        %dma_wait3A = arith.constant 0 : i32
        %dma_wait3A_23 = tpu.memref_slice %arg6[%arg0, %mul3A_18, %dma_wait3A] : memref<2x10000x128xf32, #tpu.memory_space<hbm>> -> memref<1x632x128xf32, #tpu.memory_space<hbm>>
        %dma_wait3A_24 = tpu.memref_squeeze %dma_wait3A_23 : memref<1x632x128xf32, #tpu.memory_space<hbm>> -> memref<632x128xf32, #tpu.memory_space<hbm>>
        %dma_wait3A_25 = arith.constant 0 : i32
        %dma_wait3A_26 = tpu.memref_slice %arg10[%mul3A_16, %dma_wait3A_25] : memref<10112x128xf32, #tpu.memory_space<vmem_shared>> -> memref<632x128xf32, #tpu.memory_space<vmem_shared>>
        tpu.wait_dma2 semaphore(%run_scoped3A : memref<!tpu.dma_semaphore, #tpu.memory_space<semaphore_mem>>) src(%dma_wait3A_26 : memref<632x128xf32, #tpu.memory_space<vmem_shared>>) dst(%dma_wait3A_24 : memref<632x128xf32, #tpu.memory_space<hbm>>)
        tpu.yield
      }) : () -> ()
    } else {
    }
    %eq3A = arith.constant 15 : i32
    %eq3A_11 = arith.cmpi eq, %arg1, %eq3A : i32
    %convert_element_type3A_12 = arith.extui %eq3A_11 : i1 to i32
    %cond3A_13 = arith.constant 0 : i32
    %cond3A_14 = arith.cmpi ne, %convert_element_type3A_12, %cond3A_13 : i32
    scf.if %cond3A_14 {
      "tpu.region"() ({
        %run_scoped3A = tpu.sem_alloc : memref<!tpu.dma_semaphore, #tpu.memory_space<semaphore_mem>>
        %dma_start3A = arith.constant 9480 : i32
        %dma_start3A_15 = arith.constant 0 : i32
        %dma_start3A_16 = tpu.memref_slice %arg6[%arg0, %dma_start3A, %dma_start3A_15] : memref<2x10000x128xf32, #tpu.memory_space<hbm>> -> memref<1x520x128xf32, #tpu.memory_space<hbm>>
        %dma_start3A_17 = tpu.memref_squeeze %dma_start3A_16 : memref<1x520x128xf32, #tpu.memory_space<hbm>> -> memref<520x128xf32, #tpu.memory_space<hbm>>
        %dma_start3A_18 = arith.constant 9480 : i32
        %dma_start3A_19 = arith.constant 0 : i32
        %dma_start3A_20 = tpu.memref_slice %arg10[%dma_start3A_18, %dma_start3A_19] : memref<10112x128xf32, #tpu.memory_space<vmem_shared>> -> memref<520x128xf32, #tpu.memory_space<vmem_shared>>
        tpu.enqueue_dma source(%dma_start3A_20 : memref<520x128xf32, #tpu.memory_space<vmem_shared>>) target(%dma_start3A_17 : memref<520x128xf32, #tpu.memory_space<hbm>>) target_semaphore(%run_scoped3A : memref<!tpu.dma_semaphore, #tpu.memory_space<semaphore_mem>>)
        %dma_wait3A = arith.constant 9480 : i32
        %dma_wait3A_21 = arith.constant 0 : i32
        %dma_wait3A_22 = tpu.memref_slice %arg6[%arg0, %dma_wait3A, %dma_wait3A_21] : memref<2x10000x128xf32, #tpu.memory_space<hbm>> -> memref<1x520x128xf32, #tpu.memory_space<hbm>>
        %dma_wait3A_23 = tpu.memref_squeeze %dma_wait3A_22 : memref<1x520x128xf32, #tpu.memory_space<hbm>> -> memref<520x128xf32, #tpu.memory_space<hbm>>
        %dma_wait3A_24 = arith.constant 9480 : i32
        %dma_wait3A_25 = arith.constant 0 : i32
        %dma_wait3A_26 = tpu.memref_slice %arg10[%dma_wait3A_24, %dma_wait3A_25] : memref<10112x128xf32, #tpu.memory_space<vmem_shared>> -> memref<520x128xf32, #tpu.memory_space<vmem_shared>>
        tpu.wait_dma2 semaphore(%run_scoped3A : memref<!tpu.dma_semaphore, #tpu.memory_space<semaphore_mem>>) src(%dma_wait3A_26 : memref<520x128xf32, #tpu.memory_space<vmem_shared>>) dst(%dma_wait3A_23 : memref<520x128xf32, #tpu.memory_space<hbm>>)
        tpu.yield
      }) : () -> ()
    } else {
    }
    return
  }
}

#map = affine_map<(d0, d1) -> (0, 0)>
#map1 = affine_map<(d0, d1) -> (0, 0, 0)>
module attributes {stable_mosaic.version = 14 : i64} {
  func.func @_sc_edge(%arg0: i32, %arg1: i32, %arg2: memref<40000x128xf32, #tpu.memory_space<hbm>>, %arg3: memref<32x79x128xi32, #tpu.memory_space<hbm>>, %arg4: memref<32x79x128xi32, #tpu.memory_space<hbm>>, %arg5: memref<632x128xf32, #tpu.memory_space<hbm>>, %arg6: memref<2x10000x128xf32, #tpu.memory_space<hbm>>, %arg7: memref<79x128xi32, #tpu.memory_space<vmem>>, %arg8: memref<79x128xi32, #tpu.memory_space<vmem>>, %arg9: memref<128x128xf32, #tpu.memory_space<vmem>>, %arg10: memref<10112x128xf32, #tpu.memory_space<vmem_shared>>, %arg11: memref<!tpu.dma_semaphore, #tpu.memory_space<semaphore_mem>>) attributes {dimension_semantics = [#tpu.dimension_semantics<core_parallel>, #tpu.dimension_semantics<subcore_parallel>], iteration_bounds = array<i64: 2, 16>, scalar_prefetch = 0 : i64, scratch_operands = 5 : i64, tpu.core_type = #tpu.core_type<sc_vector_subcore>, window_params = [{transform_indices = #map}, {transform_indices = #map1}, {transform_indices = #map1}, {transform_indices = #map}, {transform_indices = #map1}]} {
    %mul3A = arith.constant 16 : i32
    %mul3A_0 = arith.muli %arg0, %mul3A : i32
    %add3A = arith.addi %mul3A_0, %arg1 : i32
    "tpu.region"() ({
      %run_scoped3A = tpu.sem_alloc : memref<!tpu.dma_semaphore, #tpu.memory_space<semaphore_mem>>
      %dma_start3A = arith.constant 0 : i32
      %dma_start3A_15 = arith.constant 0 : i32
      %dma_start3A_16 = tpu.memref_slice %arg3[%add3A, %dma_start3A, %dma_start3A_15] : memref<32x79x128xi32, #tpu.memory_space<hbm>> -> memref<1x79x128xi32, #tpu.memory_space<hbm>>
      %dma_start3A_17 = tpu.memref_squeeze %dma_start3A_16 : memref<1x79x128xi32, #tpu.memory_space<hbm>> -> memref<79x128xi32, #tpu.memory_space<hbm>>
      %dma_start3A_18 = arith.constant 0 : i32
      %dma_start3A_19 = arith.constant 0 : i32
      %dma_start3A_20 = tpu.memref_slice %arg3[%add3A, %dma_start3A_18, %dma_start3A_19] : memref<32x79x128xi32, #tpu.memory_space<hbm>> -> memref<1x79x128xi32, #tpu.memory_space<hbm>>
      %dma_start3A_21 = tpu.memref_squeeze %dma_start3A_20 : memref<1x79x128xi32, #tpu.memory_space<hbm>> -> memref<79x128xi32, #tpu.memory_space<hbm>>
      tpu.enqueue_dma source(%dma_start3A_21 : memref<79x128xi32, #tpu.memory_space<hbm>>) target(%arg7 : memref<79x128xi32, #tpu.memory_space<vmem>>) target_semaphore(%run_scoped3A : memref<!tpu.dma_semaphore, #tpu.memory_space<semaphore_mem>>)
      %dma_wait3A = arith.constant 0 : i32
      %dma_wait3A_22 = arith.constant 0 : i32
      %dma_wait3A_23 = tpu.memref_slice %arg3[%add3A, %dma_wait3A, %dma_wait3A_22] : memref<32x79x128xi32, #tpu.memory_space<hbm>> -> memref<1x79x128xi32, #tpu.memory_space<hbm>>
      %dma_wait3A_24 = tpu.memref_squeeze %dma_wait3A_23 : memref<1x79x128xi32, #tpu.memory_space<hbm>> -> memref<79x128xi32, #tpu.memory_space<hbm>>
      %dma_wait3A_25 = arith.constant 0 : i32
      %dma_wait3A_26 = arith.constant 0 : i32
      %dma_wait3A_27 = tpu.memref_slice %arg3[%add3A, %dma_wait3A_25, %dma_wait3A_26] : memref<32x79x128xi32, #tpu.memory_space<hbm>> -> memref<1x79x128xi32, #tpu.memory_space<hbm>>
      %dma_wait3A_28 = tpu.memref_squeeze %dma_wait3A_27 : memref<1x79x128xi32, #tpu.memory_space<hbm>> -> memref<79x128xi32, #tpu.memory_space<hbm>>
      tpu.wait_dma2 semaphore(%run_scoped3A : memref<!tpu.dma_semaphore, #tpu.memory_space<semaphore_mem>>) src(%dma_wait3A_28 : memref<79x128xi32, #tpu.memory_space<hbm>>) dst(%arg7 : memref<79x128xi32, #tpu.memory_space<vmem>>)
      tpu.yield
    }) : () -> ()
    "tpu.region"() ({
      %run_scoped3A = tpu.sem_alloc : memref<!tpu.dma_semaphore, #tpu.memory_space<semaphore_mem>>
      %dma_start3A = arith.constant 0 : i32
      %dma_start3A_15 = arith.constant 0 : i32
      %dma_start3A_16 = tpu.memref_slice %arg4[%add3A, %dma_start3A, %dma_start3A_15] : memref<32x79x128xi32, #tpu.memory_space<hbm>> -> memref<1x79x128xi32, #tpu.memory_space<hbm>>
      %dma_start3A_17 = tpu.memref_squeeze %dma_start3A_16 : memref<1x79x128xi32, #tpu.memory_space<hbm>> -> memref<79x128xi32, #tpu.memory_space<hbm>>
      %dma_start3A_18 = arith.constant 0 : i32
      %dma_start3A_19 = arith.constant 0 : i32
      %dma_start3A_20 = tpu.memref_slice %arg4[%add3A, %dma_start3A_18, %dma_start3A_19] : memref<32x79x128xi32, #tpu.memory_space<hbm>> -> memref<1x79x128xi32, #tpu.memory_space<hbm>>
      %dma_start3A_21 = tpu.memref_squeeze %dma_start3A_20 : memref<1x79x128xi32, #tpu.memory_space<hbm>> -> memref<79x128xi32, #tpu.memory_space<hbm>>
      tpu.enqueue_dma source(%dma_start3A_21 : memref<79x128xi32, #tpu.memory_space<hbm>>) target(%arg8 : memref<79x128xi32, #tpu.memory_space<vmem>>) target_semaphore(%run_scoped3A : memref<!tpu.dma_semaphore, #tpu.memory_space<semaphore_mem>>)
      %dma_wait3A = arith.constant 0 : i32
      %dma_wait3A_22 = arith.constant 0 : i32
      %dma_wait3A_23 = tpu.memref_slice %arg4[%add3A, %dma_wait3A, %dma_wait3A_22] : memref<32x79x128xi32, #tpu.memory_space<hbm>> -> memref<1x79x128xi32, #tpu.memory_space<hbm>>
      %dma_wait3A_24 = tpu.memref_squeeze %dma_wait3A_23 : memref<1x79x128xi32, #tpu.memory_space<hbm>> -> memref<79x128xi32, #tpu.memory_space<hbm>>
      %dma_wait3A_25 = arith.constant 0 : i32
      %dma_wait3A_26 = arith.constant 0 : i32
      %dma_wait3A_27 = tpu.memref_slice %arg4[%add3A, %dma_wait3A_25, %dma_wait3A_26] : memref<32x79x128xi32, #tpu.memory_space<hbm>> -> memref<1x79x128xi32, #tpu.memory_space<hbm>>
      %dma_wait3A_28 = tpu.memref_squeeze %dma_wait3A_27 : memref<1x79x128xi32, #tpu.memory_space<hbm>> -> memref<79x128xi32, #tpu.memory_space<hbm>>
      tpu.wait_dma2 semaphore(%run_scoped3A : memref<!tpu.dma_semaphore, #tpu.memory_space<semaphore_mem>>) src(%dma_wait3A_28 : memref<79x128xi32, #tpu.memory_space<hbm>>) dst(%arg8 : memref<79x128xi32, #tpu.memory_space<vmem>>)
      tpu.yield
    }) : () -> ()
    %mul3A_1 = arith.constant 632 : i32
    %mul3A_2 = arith.muli %arg1, %mul3A_1 : i32
    "tpu.region"() ({
      %run_scoped3A = tpu.sem_alloc : memref<!tpu.dma_semaphore, #tpu.memory_space<semaphore_mem>>
      %dma_start3A = arith.constant 0 : i32
      %dma_start3A_15 = tpu.memref_slice %arg10[%mul3A_2, %dma_start3A] : memref<10112x128xf32, #tpu.memory_space<vmem_shared>> -> memref<632x128xf32, #tpu.memory_space<vmem_shared>>
      tpu.enqueue_dma source(%arg5 : memref<632x128xf32, #tpu.memory_space<hbm>>) target(%dma_start3A_15 : memref<632x128xf32, #tpu.memory_space<vmem_shared>>) target_semaphore(%run_scoped3A : memref<!tpu.dma_semaphore, #tpu.memory_space<semaphore_mem>>)
      %dma_wait3A = arith.constant 0 : i32
      %dma_wait3A_16 = tpu.memref_slice %arg10[%mul3A_2, %dma_wait3A] : memref<10112x128xf32, #tpu.memory_space<vmem_shared>> -> memref<632x128xf32, #tpu.memory_space<vmem_shared>>
      tpu.wait_dma2 semaphore(%run_scoped3A : memref<!tpu.dma_semaphore, #tpu.memory_space<semaphore_mem>>) src(%arg5 : memref<632x128xf32, #tpu.memory_space<hbm>>) dst(%dma_wait3A_16 : memref<632x128xf32, #tpu.memory_space<vmem_shared>>)
      tpu.yield
    }) : () -> ()
    %barrier3A = arith.constant 0 : index
    tpu.barrier barrier_id(%barrier3A)
    %scan3A = arith.constant 0 : i32
    %scan3A_3 = arith.constant 0 : i32
    %scan3A_4 = arith.constant 79 : i32
    %scan3A_5 = arith.addi %scan3A_3, %scan3A_4 : i32
    %scan3A_6 = arith.constant 1 : i32
    scf.for %scan3A_15 = %scan3A_3 to %scan3A_5 step %scan3A_6  : i32 {
      %dma_start3A = arith.constant 0 : i32
      %dma_start3A_16 = tpu.memref_slice %arg7[%scan3A_15, %dma_start3A] : memref<79x128xi32, #tpu.memory_space<vmem>> -> memref<1x128xi32, #tpu.memory_space<vmem>>
      %dma_start3A_17 = tpu.memref_squeeze %dma_start3A_16 : memref<1x128xi32, #tpu.memory_space<vmem>> -> memref<128xi32, #tpu.memory_space<vmem>>
      %dma_start3A_18 = arith.constant 0 : i32
      %dma_start3A_19 = arith.constant 0 : i32
      %dma_start3A_20 = tpu.memref_slice %arg2[%dma_start3A_18, %dma_start3A_19] : memref<40000x128xf32, #tpu.memory_space<hbm>> -> memref<40000x128xf32, #tpu.memory_space<hbm>>
      tpu.enqueue_indirect_dma source(%dma_start3A_20 : memref<40000x128xf32, #tpu.memory_space<hbm>>) target(%arg9 : memref<128x128xf32, #tpu.memory_space<vmem>>) offsets(%dma_start3A_17 : memref<128xi32, #tpu.memory_space<vmem>>) semaphore(%arg11 : memref<!tpu.dma_semaphore, #tpu.memory_space<semaphore_mem>>)
      %dma_wait3A = arith.constant 0 : i32
      %dma_wait3A_21 = tpu.memref_slice %arg7[%scan3A_15, %dma_wait3A] : memref<79x128xi32, #tpu.memory_space<vmem>> -> memref<1x128xi32, #tpu.memory_space<vmem>>
      %dma_wait3A_22 = tpu.memref_squeeze %dma_wait3A_21 : memref<1x128xi32, #tpu.memory_space<vmem>> -> memref<128xi32, #tpu.memory_space<vmem>>
      %dma_wait3A_23 = arith.constant 0 : i32
      %dma_wait3A_24 = arith.constant 0 : i32
      %dma_wait3A_25 = tpu.memref_slice %arg2[%dma_wait3A_23, %dma_wait3A_24] : memref<40000x128xf32, #tpu.memory_space<hbm>> -> memref<40000x128xf32, #tpu.memory_space<hbm>>
      tpu.wait_indirect_dma semaphore(%arg11 : memref<!tpu.dma_semaphore, #tpu.memory_space<semaphore_mem>>) src(%dma_wait3A_25 : memref<40000x128xf32, #tpu.memory_space<hbm>>) dst(%arg9 : memref<128x128xf32, #tpu.memory_space<vmem>>)
      "tpu.region"() ({
        %run_scoped3A = tpu.sem_alloc : memref<!tpu.dma_semaphore, #tpu.memory_space<semaphore_mem>>
        %dma_start3A_26 = arith.constant 0 : i32
        %dma_start3A_27 = tpu.memref_slice %arg8[%scan3A_15, %dma_start3A_26] : memref<79x128xi32, #tpu.memory_space<vmem>> -> memref<1x128xi32, #tpu.memory_space<vmem>>
        %dma_start3A_28 = tpu.memref_squeeze %dma_start3A_27 : memref<1x128xi32, #tpu.memory_space<vmem>> -> memref<128xi32, #tpu.memory_space<vmem>>
        %dma_start3A_29 = arith.constant 0 : i32
        %dma_start3A_30 = arith.constant 0 : i32
        %dma_start3A_31 = tpu.memref_slice %arg10[%dma_start3A_29, %dma_start3A_30] : memref<10112x128xf32, #tpu.memory_space<vmem_shared>> -> memref<10112x128xf32, #tpu.memory_space<vmem_shared>>
        tpu.enqueue_indirect_dma source(%arg9 : memref<128x128xf32, #tpu.memory_space<vmem>>) target(%dma_start3A_31 : memref<10112x128xf32, #tpu.memory_space<vmem_shared>>) offsets(%dma_start3A_28 : memref<128xi32, #tpu.memory_space<vmem>>) semaphore(%run_scoped3A : memref<!tpu.dma_semaphore, #tpu.memory_space<semaphore_mem>>) {add = true}
        %dma_wait3A_32 = arith.constant 0 : i32
        %dma_wait3A_33 = tpu.memref_slice %arg8[%scan3A_15, %dma_wait3A_32] : memref<79x128xi32, #tpu.memory_space<vmem>> -> memref<1x128xi32, #tpu.memory_space<vmem>>
        %dma_wait3A_34 = tpu.memref_squeeze %dma_wait3A_33 : memref<1x128xi32, #tpu.memory_space<vmem>> -> memref<128xi32, #tpu.memory_space<vmem>>
        %dma_wait3A_35 = arith.constant 0 : i32
        %dma_wait3A_36 = arith.constant 0 : i32
        %dma_wait3A_37 = tpu.memref_slice %arg10[%dma_wait3A_35, %dma_wait3A_36] : memref<10112x128xf32, #tpu.memory_space<vmem_shared>> -> memref<10112x128xf32, #tpu.memory_space<vmem_shared>>
        tpu.wait_indirect_dma semaphore(%run_scoped3A : memref<!tpu.dma_semaphore, #tpu.memory_space<semaphore_mem>>) src(%arg9 : memref<128x128xf32, #tpu.memory_space<vmem>>) dst(%dma_wait3A_37 : memref<10112x128xf32, #tpu.memory_space<vmem_shared>>)
        tpu.yield
      }) : () -> ()
    }
    %scan3A_7 = arith.constant 79 : i32
    %barrier3A_8 = arith.constant 0 : index
    tpu.barrier barrier_id(%barrier3A_8)
    %lt3A = arith.constant 15 : i32
    %lt3A_9 = arith.cmpi slt, %arg1, %lt3A : i32
    %convert_element_type3A = arith.extui %lt3A_9 : i1 to i32
    %cond3A = arith.constant 0 : i32
    %cond3A_10 = arith.cmpi ne, %convert_element_type3A, %cond3A : i32
    scf.if %cond3A_10 {
      %mul3A_15 = arith.constant 632 : i32
      %mul3A_16 = arith.muli %arg1, %mul3A_15 : i32
      %mul3A_17 = arith.constant 632 : i32
      %mul3A_18 = arith.muli %arg1, %mul3A_17 : i32
      "tpu.region"() ({
        %run_scoped3A = tpu.sem_alloc : memref<!tpu.dma_semaphore, #tpu.memory_space<semaphore_mem>>
        %dma_start3A = arith.constant 0 : i32
        %dma_start3A_19 = tpu.memref_slice %arg6[%arg0, %mul3A_18, %dma_start3A] : memref<2x10000x128xf32, #tpu.memory_space<hbm>> -> memref<1x632x128xf32, #tpu.memory_space<hbm>>
        %dma_start3A_20 = tpu.memref_squeeze %dma_start3A_19 : memref<1x632x128xf32, #tpu.memory_space<hbm>> -> memref<632x128xf32, #tpu.memory_space<hbm>>
        %dma_start3A_21 = arith.constant 0 : i32
        %dma_start3A_22 = tpu.memref_slice %arg10[%mul3A_16, %dma_start3A_21] : memref<10112x128xf32, #tpu.memory_space<vmem_shared>> -> memref<632x128xf32, #tpu.memory_space<vmem_shared>>
        tpu.enqueue_dma source(%dma_start3A_22 : memref<632x128xf32, #tpu.memory_space<vmem_shared>>) target(%dma_start3A_20 : memref<632x128xf32, #tpu.memory_space<hbm>>) target_semaphore(%run_scoped3A : memref<!tpu.dma_semaphore, #tpu.memory_space<semaphore_mem>>)
        %dma_wait3A = arith.constant 0 : i32
        %dma_wait3A_23 = tpu.memref_slice %arg6[%arg0, %mul3A_18, %dma_wait3A] : memref<2x10000x128xf32, #tpu.memory_space<hbm>> -> memref<1x632x128xf32, #tpu.memory_space<hbm>>
        %dma_wait3A_24 = tpu.memref_squeeze %dma_wait3A_23 : memref<1x632x128xf32, #tpu.memory_space<hbm>> -> memref<632x128xf32, #tpu.memory_space<hbm>>
        %dma_wait3A_25 = arith.constant 0 : i32
        %dma_wait3A_26 = tpu.memref_slice %arg10[%mul3A_16, %dma_wait3A_25] : memref<10112x128xf32, #tpu.memory_space<vmem_shared>> -> memref<632x128xf32, #tpu.memory_space<vmem_shared>>
        tpu.wait_dma2 semaphore(%run_scoped3A : memref<!tpu.dma_semaphore, #tpu.memory_space<semaphore_mem>>) src(%dma_wait3A_26 : memref<632x128xf32, #tpu.memory_space<vmem_shared>>) dst(%dma_wait3A_24 : memref<632x128xf32, #tpu.memory_space<hbm>>)
        tpu.yield
      }) : () -> ()
    } else {
    }
    %eq3A = arith.constant 15 : i32
    %eq3A_11 = arith.cmpi eq, %arg1, %eq3A : i32
    %convert_element_type3A_12 = arith.extui %eq3A_11 : i1 to i32
    %cond3A_13 = arith.constant 0 : i32
    %cond3A_14 = arith.cmpi ne, %convert_element_type3A_12, %cond3A_13 : i32
    scf.if %cond3A_14 {
      "tpu.region"() ({
        %run_scoped3A = tpu.sem_alloc : memref<!tpu.dma_semaphore, #tpu.memory_space<semaphore_mem>>
        %dma_start3A = arith.constant 9480 : i32
        %dma_start3A_15 = arith.constant 0 : i32
        %dma_start3A_16 = tpu.memref_slice %arg6[%arg0, %dma_start3A, %dma_start3A_15] : memref<2x10000x128xf32, #tpu.memory_space<hbm>> -> memref<1x520x128xf32, #tpu.memory_space<hbm>>
        %dma_start3A_17 = tpu.memref_squeeze %dma_start3A_16 : memref<1x520x128xf32, #tpu.memory_space<hbm>> -> memref<520x128xf32, #tpu.memory_space<hbm>>
        %dma_start3A_18 = arith.constant 9480 : i32
        %dma_start3A_19 = arith.constant 0 : i32
        %dma_start3A_20 = tpu.memref_slice %arg10[%dma_start3A_18, %dma_start3A_19] : memref<10112x128xf32, #tpu.memory_space<vmem_shared>> -> memref<520x128xf32, #tpu.memory_space<vmem_shared>>
        tpu.enqueue_dma source(%dma_start3A_20 : memref<520x128xf32, #tpu.memory_space<vmem_shared>>) target(%dma_start3A_17 : memref<520x128xf32, #tpu.memory_space<hbm>>) target_semaphore(%run_scoped3A : memref<!tpu.dma_semaphore, #tpu.memory_space<semaphore_mem>>)
        %dma_wait3A = arith.constant 9480 : i32
        %dma_wait3A_21 = arith.constant 0 : i32
        %dma_wait3A_22 = tpu.memref_slice %arg6[%arg0, %dma_wait3A, %dma_wait3A_21] : memref<2x10000x128xf32, #tpu.memory_space<hbm>> -> memref<1x520x128xf32, #tpu.memory_space<hbm>>
        %dma_wait3A_23 = tpu.memref_squeeze %dma_wait3A_22 : memref<1x520x128xf32, #tpu.memory_space<hbm>> -> memref<520x128xf32, #tpu.memory_space<hbm>>
        %dma_wait3A_24 = arith.constant 9480 : i32
        %dma_wait3A_25 = arith.constant 0 : i32
        %dma_wait3A_26 = tpu.memref_slice %arg10[%dma_wait3A_24, %dma_wait3A_25] : memref<10112x128xf32, #tpu.memory_space<vmem_shared>> -> memref<520x128xf32, #tpu.memory_space<vmem_shared>>
        tpu.wait_dma2 semaphore(%run_scoped3A : memref<!tpu.dma_semaphore, #tpu.memory_space<semaphore_mem>>) src(%dma_wait3A_26 : memref<520x128xf32, #tpu.memory_space<vmem_shared>>) dst(%dma_wait3A_23 : memref<520x128xf32, #tpu.memory_space<hbm>>)
        tpu.yield
      }) : () -> ()
    } else {
    }
    return
  }
}

#map = affine_map<(d0, d1) -> (0, 0)>
#map1 = affine_map<(d0, d1) -> (0, 0, 0)>
module attributes {stable_mosaic.version = 14 : i64} {
  func.func @_sc_edge(%arg0: i32, %arg1: i32, %arg2: memref<40000x128xf32, #tpu.memory_space<hbm>>, %arg3: memref<32x79x128xi32, #tpu.memory_space<hbm>>, %arg4: memref<32x79x128xi32, #tpu.memory_space<hbm>>, %arg5: memref<632x128xf32, #tpu.memory_space<hbm>>, %arg6: memref<2x10000x128xf32, #tpu.memory_space<hbm>>, %arg7: memref<79x128xi32, #tpu.memory_space<vmem>>, %arg8: memref<79x128xi32, #tpu.memory_space<vmem>>, %arg9: memref<128x128xf32, #tpu.memory_space<vmem>>, %arg10: memref<10112x128xf32, #tpu.memory_space<vmem_shared>>, %arg11: memref<!tpu.dma_semaphore, #tpu.memory_space<semaphore_mem>>) attributes {dimension_semantics = [#tpu.dimension_semantics<core_parallel>, #tpu.dimension_semantics<subcore_parallel>], iteration_bounds = array<i64: 2, 16>, scalar_prefetch = 0 : i64, scratch_operands = 5 : i64, tpu.core_type = #tpu.core_type<sc_vector_subcore>, window_params = [{transform_indices = #map}, {transform_indices = #map1}, {transform_indices = #map1}, {transform_indices = #map}, {transform_indices = #map1}]} {
    %mul3A = arith.constant 16 : i32
    %mul3A_0 = arith.muli %arg0, %mul3A : i32
    %add3A = arith.addi %mul3A_0, %arg1 : i32
    "tpu.region"() ({
      %run_scoped3A = tpu.sem_alloc : memref<!tpu.dma_semaphore, #tpu.memory_space<semaphore_mem>>
      %dma_start3A = arith.constant 0 : i32
      %dma_start3A_15 = arith.constant 0 : i32
      %dma_start3A_16 = tpu.memref_slice %arg3[%add3A, %dma_start3A, %dma_start3A_15] : memref<32x79x128xi32, #tpu.memory_space<hbm>> -> memref<1x79x128xi32, #tpu.memory_space<hbm>>
      %dma_start3A_17 = tpu.memref_squeeze %dma_start3A_16 : memref<1x79x128xi32, #tpu.memory_space<hbm>> -> memref<79x128xi32, #tpu.memory_space<hbm>>
      %dma_start3A_18 = arith.constant 0 : i32
      %dma_start3A_19 = arith.constant 0 : i32
      %dma_start3A_20 = tpu.memref_slice %arg3[%add3A, %dma_start3A_18, %dma_start3A_19] : memref<32x79x128xi32, #tpu.memory_space<hbm>> -> memref<1x79x128xi32, #tpu.memory_space<hbm>>
      %dma_start3A_21 = tpu.memref_squeeze %dma_start3A_20 : memref<1x79x128xi32, #tpu.memory_space<hbm>> -> memref<79x128xi32, #tpu.memory_space<hbm>>
      tpu.enqueue_dma source(%dma_start3A_21 : memref<79x128xi32, #tpu.memory_space<hbm>>) target(%arg7 : memref<79x128xi32, #tpu.memory_space<vmem>>) target_semaphore(%run_scoped3A : memref<!tpu.dma_semaphore, #tpu.memory_space<semaphore_mem>>)
      %dma_wait3A = arith.constant 0 : i32
      %dma_wait3A_22 = arith.constant 0 : i32
      %dma_wait3A_23 = tpu.memref_slice %arg3[%add3A, %dma_wait3A, %dma_wait3A_22] : memref<32x79x128xi32, #tpu.memory_space<hbm>> -> memref<1x79x128xi32, #tpu.memory_space<hbm>>
      %dma_wait3A_24 = tpu.memref_squeeze %dma_wait3A_23 : memref<1x79x128xi32, #tpu.memory_space<hbm>> -> memref<79x128xi32, #tpu.memory_space<hbm>>
      %dma_wait3A_25 = arith.constant 0 : i32
      %dma_wait3A_26 = arith.constant 0 : i32
      %dma_wait3A_27 = tpu.memref_slice %arg3[%add3A, %dma_wait3A_25, %dma_wait3A_26] : memref<32x79x128xi32, #tpu.memory_space<hbm>> -> memref<1x79x128xi32, #tpu.memory_space<hbm>>
      %dma_wait3A_28 = tpu.memref_squeeze %dma_wait3A_27 : memref<1x79x128xi32, #tpu.memory_space<hbm>> -> memref<79x128xi32, #tpu.memory_space<hbm>>
      tpu.wait_dma2 semaphore(%run_scoped3A : memref<!tpu.dma_semaphore, #tpu.memory_space<semaphore_mem>>) src(%dma_wait3A_28 : memref<79x128xi32, #tpu.memory_space<hbm>>) dst(%arg7 : memref<79x128xi32, #tpu.memory_space<vmem>>)
      tpu.yield
    }) : () -> ()
    "tpu.region"() ({
      %run_scoped3A = tpu.sem_alloc : memref<!tpu.dma_semaphore, #tpu.memory_space<semaphore_mem>>
      %dma_start3A = arith.constant 0 : i32
      %dma_start3A_15 = arith.constant 0 : i32
      %dma_start3A_16 = tpu.memref_slice %arg4[%add3A, %dma_start3A, %dma_start3A_15] : memref<32x79x128xi32, #tpu.memory_space<hbm>> -> memref<1x79x128xi32, #tpu.memory_space<hbm>>
      %dma_start3A_17 = tpu.memref_squeeze %dma_start3A_16 : memref<1x79x128xi32, #tpu.memory_space<hbm>> -> memref<79x128xi32, #tpu.memory_space<hbm>>
      %dma_start3A_18 = arith.constant 0 : i32
      %dma_start3A_19 = arith.constant 0 : i32
      %dma_start3A_20 = tpu.memref_slice %arg4[%add3A, %dma_start3A_18, %dma_start3A_19] : memref<32x79x128xi32, #tpu.memory_space<hbm>> -> memref<1x79x128xi32, #tpu.memory_space<hbm>>
      %dma_start3A_21 = tpu.memref_squeeze %dma_start3A_20 : memref<1x79x128xi32, #tpu.memory_space<hbm>> -> memref<79x128xi32, #tpu.memory_space<hbm>>
      tpu.enqueue_dma source(%dma_start3A_21 : memref<79x128xi32, #tpu.memory_space<hbm>>) target(%arg8 : memref<79x128xi32, #tpu.memory_space<vmem>>) target_semaphore(%run_scoped3A : memref<!tpu.dma_semaphore, #tpu.memory_space<semaphore_mem>>)
      %dma_wait3A = arith.constant 0 : i32
      %dma_wait3A_22 = arith.constant 0 : i32
      %dma_wait3A_23 = tpu.memref_slice %arg4[%add3A, %dma_wait3A, %dma_wait3A_22] : memref<32x79x128xi32, #tpu.memory_space<hbm>> -> memref<1x79x128xi32, #tpu.memory_space<hbm>>
      %dma_wait3A_24 = tpu.memref_squeeze %dma_wait3A_23 : memref<1x79x128xi32, #tpu.memory_space<hbm>> -> memref<79x128xi32, #tpu.memory_space<hbm>>
      %dma_wait3A_25 = arith.constant 0 : i32
      %dma_wait3A_26 = arith.constant 0 : i32
      %dma_wait3A_27 = tpu.memref_slice %arg4[%add3A, %dma_wait3A_25, %dma_wait3A_26] : memref<32x79x128xi32, #tpu.memory_space<hbm>> -> memref<1x79x128xi32, #tpu.memory_space<hbm>>
      %dma_wait3A_28 = tpu.memref_squeeze %dma_wait3A_27 : memref<1x79x128xi32, #tpu.memory_space<hbm>> -> memref<79x128xi32, #tpu.memory_space<hbm>>
      tpu.wait_dma2 semaphore(%run_scoped3A : memref<!tpu.dma_semaphore, #tpu.memory_space<semaphore_mem>>) src(%dma_wait3A_28 : memref<79x128xi32, #tpu.memory_space<hbm>>) dst(%arg8 : memref<79x128xi32, #tpu.memory_space<vmem>>)
      tpu.yield
    }) : () -> ()
    %mul3A_1 = arith.constant 632 : i32
    %mul3A_2 = arith.muli %arg1, %mul3A_1 : i32
    "tpu.region"() ({
      %run_scoped3A = tpu.sem_alloc : memref<!tpu.dma_semaphore, #tpu.memory_space<semaphore_mem>>
      %dma_start3A = arith.constant 0 : i32
      %dma_start3A_15 = tpu.memref_slice %arg10[%mul3A_2, %dma_start3A] : memref<10112x128xf32, #tpu.memory_space<vmem_shared>> -> memref<632x128xf32, #tpu.memory_space<vmem_shared>>
      tpu.enqueue_dma source(%arg5 : memref<632x128xf32, #tpu.memory_space<hbm>>) target(%dma_start3A_15 : memref<632x128xf32, #tpu.memory_space<vmem_shared>>) target_semaphore(%run_scoped3A : memref<!tpu.dma_semaphore, #tpu.memory_space<semaphore_mem>>)
      %dma_wait3A = arith.constant 0 : i32
      %dma_wait3A_16 = tpu.memref_slice %arg10[%mul3A_2, %dma_wait3A] : memref<10112x128xf32, #tpu.memory_space<vmem_shared>> -> memref<632x128xf32, #tpu.memory_space<vmem_shared>>
      tpu.wait_dma2 semaphore(%run_scoped3A : memref<!tpu.dma_semaphore, #tpu.memory_space<semaphore_mem>>) src(%arg5 : memref<632x128xf32, #tpu.memory_space<hbm>>) dst(%dma_wait3A_16 : memref<632x128xf32, #tpu.memory_space<vmem_shared>>)
      tpu.yield
    }) : () -> ()
    %barrier3A = arith.constant 0 : index
    tpu.barrier barrier_id(%barrier3A)
    %scan3A = arith.constant 0 : i32
    %scan3A_3 = arith.constant 0 : i32
    %scan3A_4 = arith.constant 79 : i32
    %scan3A_5 = arith.addi %scan3A_3, %scan3A_4 : i32
    %scan3A_6 = arith.constant 1 : i32
    scf.for %scan3A_15 = %scan3A_3 to %scan3A_5 step %scan3A_6  : i32 {
      %dma_start3A = arith.constant 0 : i32
      %dma_start3A_16 = tpu.memref_slice %arg7[%scan3A_15, %dma_start3A] : memref<79x128xi32, #tpu.memory_space<vmem>> -> memref<1x128xi32, #tpu.memory_space<vmem>>
      %dma_start3A_17 = tpu.memref_squeeze %dma_start3A_16 : memref<1x128xi32, #tpu.memory_space<vmem>> -> memref<128xi32, #tpu.memory_space<vmem>>
      %dma_start3A_18 = arith.constant 0 : i32
      %dma_start3A_19 = arith.constant 0 : i32
      %dma_start3A_20 = tpu.memref_slice %arg2[%dma_start3A_18, %dma_start3A_19] : memref<40000x128xf32, #tpu.memory_space<hbm>> -> memref<40000x128xf32, #tpu.memory_space<hbm>>
      tpu.enqueue_indirect_dma source(%dma_start3A_20 : memref<40000x128xf32, #tpu.memory_space<hbm>>) target(%arg9 : memref<128x128xf32, #tpu.memory_space<vmem>>) offsets(%dma_start3A_17 : memref<128xi32, #tpu.memory_space<vmem>>) semaphore(%arg11 : memref<!tpu.dma_semaphore, #tpu.memory_space<semaphore_mem>>)
      %dma_wait3A = arith.constant 0 : i32
      %dma_wait3A_21 = tpu.memref_slice %arg7[%scan3A_15, %dma_wait3A] : memref<79x128xi32, #tpu.memory_space<vmem>> -> memref<1x128xi32, #tpu.memory_space<vmem>>
      %dma_wait3A_22 = tpu.memref_squeeze %dma_wait3A_21 : memref<1x128xi32, #tpu.memory_space<vmem>> -> memref<128xi32, #tpu.memory_space<vmem>>
      %dma_wait3A_23 = arith.constant 0 : i32
      %dma_wait3A_24 = arith.constant 0 : i32
      %dma_wait3A_25 = tpu.memref_slice %arg2[%dma_wait3A_23, %dma_wait3A_24] : memref<40000x128xf32, #tpu.memory_space<hbm>> -> memref<40000x128xf32, #tpu.memory_space<hbm>>
      tpu.wait_indirect_dma semaphore(%arg11 : memref<!tpu.dma_semaphore, #tpu.memory_space<semaphore_mem>>) src(%dma_wait3A_25 : memref<40000x128xf32, #tpu.memory_space<hbm>>) dst(%arg9 : memref<128x128xf32, #tpu.memory_space<vmem>>)
      "tpu.region"() ({
        %run_scoped3A = tpu.sem_alloc : memref<!tpu.dma_semaphore, #tpu.memory_space<semaphore_mem>>
        %dma_start3A_26 = arith.constant 0 : i32
        %dma_start3A_27 = tpu.memref_slice %arg8[%scan3A_15, %dma_start3A_26] : memref<79x128xi32, #tpu.memory_space<vmem>> -> memref<1x128xi32, #tpu.memory_space<vmem>>
        %dma_start3A_28 = tpu.memref_squeeze %dma_start3A_27 : memref<1x128xi32, #tpu.memory_space<vmem>> -> memref<128xi32, #tpu.memory_space<vmem>>
        %dma_start3A_29 = arith.constant 0 : i32
        %dma_start3A_30 = arith.constant 0 : i32
        %dma_start3A_31 = tpu.memref_slice %arg10[%dma_start3A_29, %dma_start3A_30] : memref<10112x128xf32, #tpu.memory_space<vmem_shared>> -> memref<10112x128xf32, #tpu.memory_space<vmem_shared>>
        tpu.enqueue_indirect_dma source(%arg9 : memref<128x128xf32, #tpu.memory_space<vmem>>) target(%dma_start3A_31 : memref<10112x128xf32, #tpu.memory_space<vmem_shared>>) offsets(%dma_start3A_28 : memref<128xi32, #tpu.memory_space<vmem>>) semaphore(%run_scoped3A : memref<!tpu.dma_semaphore, #tpu.memory_space<semaphore_mem>>) {add = true}
        %dma_wait3A_32 = arith.constant 0 : i32
        %dma_wait3A_33 = tpu.memref_slice %arg8[%scan3A_15, %dma_wait3A_32] : memref<79x128xi32, #tpu.memory_space<vmem>> -> memref<1x128xi32, #tpu.memory_space<vmem>>
        %dma_wait3A_34 = tpu.memref_squeeze %dma_wait3A_33 : memref<1x128xi32, #tpu.memory_space<vmem>> -> memref<128xi32, #tpu.memory_space<vmem>>
        %dma_wait3A_35 = arith.constant 0 : i32
        %dma_wait3A_36 = arith.constant 0 : i32
        %dma_wait3A_37 = tpu.memref_slice %arg10[%dma_wait3A_35, %dma_wait3A_36] : memref<10112x128xf32, #tpu.memory_space<vmem_shared>> -> memref<10112x128xf32, #tpu.memory_space<vmem_shared>>
        tpu.wait_indirect_dma semaphore(%run_scoped3A : memref<!tpu.dma_semaphore, #tpu.memory_space<semaphore_mem>>) src(%arg9 : memref<128x128xf32, #tpu.memory_space<vmem>>) dst(%dma_wait3A_37 : memref<10112x128xf32, #tpu.memory_space<vmem_shared>>)
        tpu.yield
      }) : () -> ()
    }
    %scan3A_7 = arith.constant 79 : i32
    %barrier3A_8 = arith.constant 0 : index
    tpu.barrier barrier_id(%barrier3A_8)
    %lt3A = arith.constant 15 : i32
    %lt3A_9 = arith.cmpi slt, %arg1, %lt3A : i32
    %convert_element_type3A = arith.extui %lt3A_9 : i1 to i32
    %cond3A = arith.constant 0 : i32
    %cond3A_10 = arith.cmpi ne, %convert_element_type3A, %cond3A : i32
    scf.if %cond3A_10 {
      %mul3A_15 = arith.constant 632 : i32
      %mul3A_16 = arith.muli %arg1, %mul3A_15 : i32
      %mul3A_17 = arith.constant 632 : i32
      %mul3A_18 = arith.muli %arg1, %mul3A_17 : i32
      "tpu.region"() ({
        %run_scoped3A = tpu.sem_alloc : memref<!tpu.dma_semaphore, #tpu.memory_space<semaphore_mem>>
        %dma_start3A = arith.constant 0 : i32
        %dma_start3A_19 = tpu.memref_slice %arg6[%arg0, %mul3A_18, %dma_start3A] : memref<2x10000x128xf32, #tpu.memory_space<hbm>> -> memref<1x632x128xf32, #tpu.memory_space<hbm>>
        %dma_start3A_20 = tpu.memref_squeeze %dma_start3A_19 : memref<1x632x128xf32, #tpu.memory_space<hbm>> -> memref<632x128xf32, #tpu.memory_space<hbm>>
        %dma_start3A_21 = arith.constant 0 : i32
        %dma_start3A_22 = tpu.memref_slice %arg10[%mul3A_16, %dma_start3A_21] : memref<10112x128xf32, #tpu.memory_space<vmem_shared>> -> memref<632x128xf32, #tpu.memory_space<vmem_shared>>
        tpu.enqueue_dma source(%dma_start3A_22 : memref<632x128xf32, #tpu.memory_space<vmem_shared>>) target(%dma_start3A_20 : memref<632x128xf32, #tpu.memory_space<hbm>>) target_semaphore(%run_scoped3A : memref<!tpu.dma_semaphore, #tpu.memory_space<semaphore_mem>>)
        %dma_wait3A = arith.constant 0 : i32
        %dma_wait3A_23 = tpu.memref_slice %arg6[%arg0, %mul3A_18, %dma_wait3A] : memref<2x10000x128xf32, #tpu.memory_space<hbm>> -> memref<1x632x128xf32, #tpu.memory_space<hbm>>
        %dma_wait3A_24 = tpu.memref_squeeze %dma_wait3A_23 : memref<1x632x128xf32, #tpu.memory_space<hbm>> -> memref<632x128xf32, #tpu.memory_space<hbm>>
        %dma_wait3A_25 = arith.constant 0 : i32
        %dma_wait3A_26 = tpu.memref_slice %arg10[%mul3A_16, %dma_wait3A_25] : memref<10112x128xf32, #tpu.memory_space<vmem_shared>> -> memref<632x128xf32, #tpu.memory_space<vmem_shared>>
        tpu.wait_dma2 semaphore(%run_scoped3A : memref<!tpu.dma_semaphore, #tpu.memory_space<semaphore_mem>>) src(%dma_wait3A_26 : memref<632x128xf32, #tpu.memory_space<vmem_shared>>) dst(%dma_wait3A_24 : memref<632x128xf32, #tpu.memory_space<hbm>>)
        tpu.yield
      }) : () -> ()
    } else {
    }
    %eq3A = arith.constant 15 : i32
    %eq3A_11 = arith.cmpi eq, %arg1, %eq3A : i32
    %convert_element_type3A_12 = arith.extui %eq3A_11 : i1 to i32
    %cond3A_13 = arith.constant 0 : i32
    %cond3A_14 = arith.cmpi ne, %convert_element_type3A_12, %cond3A_13 : i32
    scf.if %cond3A_14 {
      "tpu.region"() ({
        %run_scoped3A = tpu.sem_alloc : memref<!tpu.dma_semaphore, #tpu.memory_space<semaphore_mem>>
        %dma_start3A = arith.constant 9480 : i32
        %dma_start3A_15 = arith.constant 0 : i32
        %dma_start3A_16 = tpu.memref_slice %arg6[%arg0, %dma_start3A, %dma_start3A_15] : memref<2x10000x128xf32, #tpu.memory_space<hbm>> -> memref<1x520x128xf32, #tpu.memory_space<hbm>>
        %dma_start3A_17 = tpu.memref_squeeze %dma_start3A_16 : memref<1x520x128xf32, #tpu.memory_space<hbm>> -> memref<520x128xf32, #tpu.memory_space<hbm>>
        %dma_start3A_18 = arith.constant 9480 : i32
        %dma_start3A_19 = arith.constant 0 : i32
        %dma_start3A_20 = tpu.memref_slice %arg10[%dma_start3A_18, %dma_start3A_19] : memref<10112x128xf32, #tpu.memory_space<vmem_shared>> -> memref<520x128xf32, #tpu.memory_space<vmem_shared>>
        tpu.enqueue_dma source(%dma_start3A_20 : memref<520x128xf32, #tpu.memory_space<vmem_shared>>) target(%dma_start3A_17 : memref<520x128xf32, #tpu.memory_space<hbm>>) target_semaphore(%run_scoped3A : memref<!tpu.dma_semaphore, #tpu.memory_space<semaphore_mem>>)
        %dma_wait3A = arith.constant 9480 : i32
        %dma_wait3A_21 = arith.constant 0 : i32
        %dma_wait3A_22 = tpu.memref_slice %arg6[%arg0, %dma_wait3A, %dma_wait3A_21] : memref<2x10000x128xf32, #tpu.memory_space<hbm>> -> memref<1x520x128xf32, #tpu.memory_space<hbm>>
        %dma_wait3A_23 = tpu.memref_squeeze %dma_wait3A_22 : memref<1x520x128xf32, #tpu.memory_space<hbm>> -> memref<520x128xf32, #tpu.memory_space<hbm>>
        %dma_wait3A_24 = arith.constant 9480 : i32
        %dma_wait3A_25 = arith.constant 0 : i32
        %dma_wait3A_26 = tpu.memref_slice %arg10[%dma_wait3A_24, %dma_wait3A_25] : memref<10112x128xf32, #tpu.memory_space<vmem_shared>> -> memref<520x128xf32, #tpu.memory_space<vmem_shared>>
        tpu.wait_dma2 semaphore(%run_scoped3A : memref<!tpu.dma_semaphore, #tpu.memory_space<semaphore_mem>>) src(%dma_wait3A_26 : memref<520x128xf32, #tpu.memory_space<vmem_shared>>) dst(%dma_wait3A_23 : memref<520x128xf32, #tpu.memory_space<hbm>>)
        tpu.yield
      }) : () -> ()
    } else {
    }
    return
  }
}

#map = affine_map<(d0, d1) -> (0, 0)>
#map1 = affine_map<(d0, d1) -> (0, 0, 0)>
module attributes {stable_mosaic.version = 14 : i64} {
  func.func @_sc_edge(%arg0: i32, %arg1: i32, %arg2: memref<40000x128xf32, #tpu.memory_space<hbm>>, %arg3: memref<32x79x128xi32, #tpu.memory_space<hbm>>, %arg4: memref<32x79x128xi32, #tpu.memory_space<hbm>>, %arg5: memref<632x128xf32, #tpu.memory_space<hbm>>, %arg6: memref<2x10000x128xf32, #tpu.memory_space<hbm>>, %arg7: memref<79x128xi32, #tpu.memory_space<vmem>>, %arg8: memref<79x128xi32, #tpu.memory_space<vmem>>, %arg9: memref<128x128xf32, #tpu.memory_space<vmem>>, %arg10: memref<10112x128xf32, #tpu.memory_space<vmem_shared>>, %arg11: memref<!tpu.dma_semaphore, #tpu.memory_space<semaphore_mem>>) attributes {dimension_semantics = [#tpu.dimension_semantics<core_parallel>, #tpu.dimension_semantics<subcore_parallel>], iteration_bounds = array<i64: 2, 16>, scalar_prefetch = 0 : i64, scratch_operands = 5 : i64, tpu.core_type = #tpu.core_type<sc_vector_subcore>, window_params = [{transform_indices = #map}, {transform_indices = #map1}, {transform_indices = #map1}, {transform_indices = #map}, {transform_indices = #map1}]} {
    %mul3A = arith.constant 16 : i32
    %mul3A_0 = arith.muli %arg0, %mul3A : i32
    %add3A = arith.addi %mul3A_0, %arg1 : i32
    "tpu.region"() ({
      %run_scoped3A = tpu.sem_alloc : memref<!tpu.dma_semaphore, #tpu.memory_space<semaphore_mem>>
      %dma_start3A = arith.constant 0 : i32
      %dma_start3A_15 = arith.constant 0 : i32
      %dma_start3A_16 = tpu.memref_slice %arg3[%add3A, %dma_start3A, %dma_start3A_15] : memref<32x79x128xi32, #tpu.memory_space<hbm>> -> memref<1x79x128xi32, #tpu.memory_space<hbm>>
      %dma_start3A_17 = tpu.memref_squeeze %dma_start3A_16 : memref<1x79x128xi32, #tpu.memory_space<hbm>> -> memref<79x128xi32, #tpu.memory_space<hbm>>
      %dma_start3A_18 = arith.constant 0 : i32
      %dma_start3A_19 = arith.constant 0 : i32
      %dma_start3A_20 = tpu.memref_slice %arg3[%add3A, %dma_start3A_18, %dma_start3A_19] : memref<32x79x128xi32, #tpu.memory_space<hbm>> -> memref<1x79x128xi32, #tpu.memory_space<hbm>>
      %dma_start3A_21 = tpu.memref_squeeze %dma_start3A_20 : memref<1x79x128xi32, #tpu.memory_space<hbm>> -> memref<79x128xi32, #tpu.memory_space<hbm>>
      tpu.enqueue_dma source(%dma_start3A_21 : memref<79x128xi32, #tpu.memory_space<hbm>>) target(%arg7 : memref<79x128xi32, #tpu.memory_space<vmem>>) target_semaphore(%run_scoped3A : memref<!tpu.dma_semaphore, #tpu.memory_space<semaphore_mem>>)
      %dma_wait3A = arith.constant 0 : i32
      %dma_wait3A_22 = arith.constant 0 : i32
      %dma_wait3A_23 = tpu.memref_slice %arg3[%add3A, %dma_wait3A, %dma_wait3A_22] : memref<32x79x128xi32, #tpu.memory_space<hbm>> -> memref<1x79x128xi32, #tpu.memory_space<hbm>>
      %dma_wait3A_24 = tpu.memref_squeeze %dma_wait3A_23 : memref<1x79x128xi32, #tpu.memory_space<hbm>> -> memref<79x128xi32, #tpu.memory_space<hbm>>
      %dma_wait3A_25 = arith.constant 0 : i32
      %dma_wait3A_26 = arith.constant 0 : i32
      %dma_wait3A_27 = tpu.memref_slice %arg3[%add3A, %dma_wait3A_25, %dma_wait3A_26] : memref<32x79x128xi32, #tpu.memory_space<hbm>> -> memref<1x79x128xi32, #tpu.memory_space<hbm>>
      %dma_wait3A_28 = tpu.memref_squeeze %dma_wait3A_27 : memref<1x79x128xi32, #tpu.memory_space<hbm>> -> memref<79x128xi32, #tpu.memory_space<hbm>>
      tpu.wait_dma2 semaphore(%run_scoped3A : memref<!tpu.dma_semaphore, #tpu.memory_space<semaphore_mem>>) src(%dma_wait3A_28 : memref<79x128xi32, #tpu.memory_space<hbm>>) dst(%arg7 : memref<79x128xi32, #tpu.memory_space<vmem>>)
      tpu.yield
    }) : () -> ()
    "tpu.region"() ({
      %run_scoped3A = tpu.sem_alloc : memref<!tpu.dma_semaphore, #tpu.memory_space<semaphore_mem>>
      %dma_start3A = arith.constant 0 : i32
      %dma_start3A_15 = arith.constant 0 : i32
      %dma_start3A_16 = tpu.memref_slice %arg4[%add3A, %dma_start3A, %dma_start3A_15] : memref<32x79x128xi32, #tpu.memory_space<hbm>> -> memref<1x79x128xi32, #tpu.memory_space<hbm>>
      %dma_start3A_17 = tpu.memref_squeeze %dma_start3A_16 : memref<1x79x128xi32, #tpu.memory_space<hbm>> -> memref<79x128xi32, #tpu.memory_space<hbm>>
      %dma_start3A_18 = arith.constant 0 : i32
      %dma_start3A_19 = arith.constant 0 : i32
      %dma_start3A_20 = tpu.memref_slice %arg4[%add3A, %dma_start3A_18, %dma_start3A_19] : memref<32x79x128xi32, #tpu.memory_space<hbm>> -> memref<1x79x128xi32, #tpu.memory_space<hbm>>
      %dma_start3A_21 = tpu.memref_squeeze %dma_start3A_20 : memref<1x79x128xi32, #tpu.memory_space<hbm>> -> memref<79x128xi32, #tpu.memory_space<hbm>>
      tpu.enqueue_dma source(%dma_start3A_21 : memref<79x128xi32, #tpu.memory_space<hbm>>) target(%arg8 : memref<79x128xi32, #tpu.memory_space<vmem>>) target_semaphore(%run_scoped3A : memref<!tpu.dma_semaphore, #tpu.memory_space<semaphore_mem>>)
      %dma_wait3A = arith.constant 0 : i32
      %dma_wait3A_22 = arith.constant 0 : i32
      %dma_wait3A_23 = tpu.memref_slice %arg4[%add3A, %dma_wait3A, %dma_wait3A_22] : memref<32x79x128xi32, #tpu.memory_space<hbm>> -> memref<1x79x128xi32, #tpu.memory_space<hbm>>
      %dma_wait3A_24 = tpu.memref_squeeze %dma_wait3A_23 : memref<1x79x128xi32, #tpu.memory_space<hbm>> -> memref<79x128xi32, #tpu.memory_space<hbm>>
      %dma_wait3A_25 = arith.constant 0 : i32
      %dma_wait3A_26 = arith.constant 0 : i32
      %dma_wait3A_27 = tpu.memref_slice %arg4[%add3A, %dma_wait3A_25, %dma_wait3A_26] : memref<32x79x128xi32, #tpu.memory_space<hbm>> -> memref<1x79x128xi32, #tpu.memory_space<hbm>>
      %dma_wait3A_28 = tpu.memref_squeeze %dma_wait3A_27 : memref<1x79x128xi32, #tpu.memory_space<hbm>> -> memref<79x128xi32, #tpu.memory_space<hbm>>
      tpu.wait_dma2 semaphore(%run_scoped3A : memref<!tpu.dma_semaphore, #tpu.memory_space<semaphore_mem>>) src(%dma_wait3A_28 : memref<79x128xi32, #tpu.memory_space<hbm>>) dst(%arg8 : memref<79x128xi32, #tpu.memory_space<vmem>>)
      tpu.yield
    }) : () -> ()
    %mul3A_1 = arith.constant 632 : i32
    %mul3A_2 = arith.muli %arg1, %mul3A_1 : i32
    "tpu.region"() ({
      %run_scoped3A = tpu.sem_alloc : memref<!tpu.dma_semaphore, #tpu.memory_space<semaphore_mem>>
      %dma_start3A = arith.constant 0 : i32
      %dma_start3A_15 = tpu.memref_slice %arg10[%mul3A_2, %dma_start3A] : memref<10112x128xf32, #tpu.memory_space<vmem_shared>> -> memref<632x128xf32, #tpu.memory_space<vmem_shared>>
      tpu.enqueue_dma source(%arg5 : memref<632x128xf32, #tpu.memory_space<hbm>>) target(%dma_start3A_15 : memref<632x128xf32, #tpu.memory_space<vmem_shared>>) target_semaphore(%run_scoped3A : memref<!tpu.dma_semaphore, #tpu.memory_space<semaphore_mem>>)
      %dma_wait3A = arith.constant 0 : i32
      %dma_wait3A_16 = tpu.memref_slice %arg10[%mul3A_2, %dma_wait3A] : memref<10112x128xf32, #tpu.memory_space<vmem_shared>> -> memref<632x128xf32, #tpu.memory_space<vmem_shared>>
      tpu.wait_dma2 semaphore(%run_scoped3A : memref<!tpu.dma_semaphore, #tpu.memory_space<semaphore_mem>>) src(%arg5 : memref<632x128xf32, #tpu.memory_space<hbm>>) dst(%dma_wait3A_16 : memref<632x128xf32, #tpu.memory_space<vmem_shared>>)
      tpu.yield
    }) : () -> ()
    %barrier3A = arith.constant 0 : index
    tpu.barrier barrier_id(%barrier3A)
    %scan3A = arith.constant 0 : i32
    %scan3A_3 = arith.constant 0 : i32
    %scan3A_4 = arith.constant 79 : i32
    %scan3A_5 = arith.addi %scan3A_3, %scan3A_4 : i32
    %scan3A_6 = arith.constant 1 : i32
    scf.for %scan3A_15 = %scan3A_3 to %scan3A_5 step %scan3A_6  : i32 {
      %dma_start3A = arith.constant 0 : i32
      %dma_start3A_16 = tpu.memref_slice %arg7[%scan3A_15, %dma_start3A] : memref<79x128xi32, #tpu.memory_space<vmem>> -> memref<1x128xi32, #tpu.memory_space<vmem>>
      %dma_start3A_17 = tpu.memref_squeeze %dma_start3A_16 : memref<1x128xi32, #tpu.memory_space<vmem>> -> memref<128xi32, #tpu.memory_space<vmem>>
      %dma_start3A_18 = arith.constant 0 : i32
      %dma_start3A_19 = arith.constant 0 : i32
      %dma_start3A_20 = tpu.memref_slice %arg2[%dma_start3A_18, %dma_start3A_19] : memref<40000x128xf32, #tpu.memory_space<hbm>> -> memref<40000x128xf32, #tpu.memory_space<hbm>>
      tpu.enqueue_indirect_dma source(%dma_start3A_20 : memref<40000x128xf32, #tpu.memory_space<hbm>>) target(%arg9 : memref<128x128xf32, #tpu.memory_space<vmem>>) offsets(%dma_start3A_17 : memref<128xi32, #tpu.memory_space<vmem>>) semaphore(%arg11 : memref<!tpu.dma_semaphore, #tpu.memory_space<semaphore_mem>>)
      %dma_wait3A = arith.constant 0 : i32
      %dma_wait3A_21 = tpu.memref_slice %arg7[%scan3A_15, %dma_wait3A] : memref<79x128xi32, #tpu.memory_space<vmem>> -> memref<1x128xi32, #tpu.memory_space<vmem>>
      %dma_wait3A_22 = tpu.memref_squeeze %dma_wait3A_21 : memref<1x128xi32, #tpu.memory_space<vmem>> -> memref<128xi32, #tpu.memory_space<vmem>>
      %dma_wait3A_23 = arith.constant 0 : i32
      %dma_wait3A_24 = arith.constant 0 : i32
      %dma_wait3A_25 = tpu.memref_slice %arg2[%dma_wait3A_23, %dma_wait3A_24] : memref<40000x128xf32, #tpu.memory_space<hbm>> -> memref<40000x128xf32, #tpu.memory_space<hbm>>
      tpu.wait_indirect_dma semaphore(%arg11 : memref<!tpu.dma_semaphore, #tpu.memory_space<semaphore_mem>>) src(%dma_wait3A_25 : memref<40000x128xf32, #tpu.memory_space<hbm>>) dst(%arg9 : memref<128x128xf32, #tpu.memory_space<vmem>>)
      "tpu.region"() ({
        %run_scoped3A = tpu.sem_alloc : memref<!tpu.dma_semaphore, #tpu.memory_space<semaphore_mem>>
        %dma_start3A_26 = arith.constant 0 : i32
        %dma_start3A_27 = tpu.memref_slice %arg8[%scan3A_15, %dma_start3A_26] : memref<79x128xi32, #tpu.memory_space<vmem>> -> memref<1x128xi32, #tpu.memory_space<vmem>>
        %dma_start3A_28 = tpu.memref_squeeze %dma_start3A_27 : memref<1x128xi32, #tpu.memory_space<vmem>> -> memref<128xi32, #tpu.memory_space<vmem>>
        %dma_start3A_29 = arith.constant 0 : i32
        %dma_start3A_30 = arith.constant 0 : i32
        %dma_start3A_31 = tpu.memref_slice %arg10[%dma_start3A_29, %dma_start3A_30] : memref<10112x128xf32, #tpu.memory_space<vmem_shared>> -> memref<10112x128xf32, #tpu.memory_space<vmem_shared>>
        tpu.enqueue_indirect_dma source(%arg9 : memref<128x128xf32, #tpu.memory_space<vmem>>) target(%dma_start3A_31 : memref<10112x128xf32, #tpu.memory_space<vmem_shared>>) offsets(%dma_start3A_28 : memref<128xi32, #tpu.memory_space<vmem>>) semaphore(%run_scoped3A : memref<!tpu.dma_semaphore, #tpu.memory_space<semaphore_mem>>) {add = true}
        %dma_wait3A_32 = arith.constant 0 : i32
        %dma_wait3A_33 = tpu.memref_slice %arg8[%scan3A_15, %dma_wait3A_32] : memref<79x128xi32, #tpu.memory_space<vmem>> -> memref<1x128xi32, #tpu.memory_space<vmem>>
        %dma_wait3A_34 = tpu.memref_squeeze %dma_wait3A_33 : memref<1x128xi32, #tpu.memory_space<vmem>> -> memref<128xi32, #tpu.memory_space<vmem>>
        %dma_wait3A_35 = arith.constant 0 : i32
        %dma_wait3A_36 = arith.constant 0 : i32
        %dma_wait3A_37 = tpu.memref_slice %arg10[%dma_wait3A_35, %dma_wait3A_36] : memref<10112x128xf32, #tpu.memory_space<vmem_shared>> -> memref<10112x128xf32, #tpu.memory_space<vmem_shared>>
        tpu.wait_indirect_dma semaphore(%run_scoped3A : memref<!tpu.dma_semaphore, #tpu.memory_space<semaphore_mem>>) src(%arg9 : memref<128x128xf32, #tpu.memory_space<vmem>>) dst(%dma_wait3A_37 : memref<10112x128xf32, #tpu.memory_space<vmem_shared>>)
        tpu.yield
      }) : () -> ()
    }
    %scan3A_7 = arith.constant 79 : i32
    %barrier3A_8 = arith.constant 0 : index
    tpu.barrier barrier_id(%barrier3A_8)
    %lt3A = arith.constant 15 : i32
    %lt3A_9 = arith.cmpi slt, %arg1, %lt3A : i32
    %convert_element_type3A = arith.extui %lt3A_9 : i1 to i32
    %cond3A = arith.constant 0 : i32
    %cond3A_10 = arith.cmpi ne, %convert_element_type3A, %cond3A : i32
    scf.if %cond3A_10 {
      %mul3A_15 = arith.constant 632 : i32
      %mul3A_16 = arith.muli %arg1, %mul3A_15 : i32
      %mul3A_17 = arith.constant 632 : i32
      %mul3A_18 = arith.muli %arg1, %mul3A_17 : i32
      "tpu.region"() ({
        %run_scoped3A = tpu.sem_alloc : memref<!tpu.dma_semaphore, #tpu.memory_space<semaphore_mem>>
        %dma_start3A = arith.constant 0 : i32
        %dma_start3A_19 = tpu.memref_slice %arg6[%arg0, %mul3A_18, %dma_start3A] : memref<2x10000x128xf32, #tpu.memory_space<hbm>> -> memref<1x632x128xf32, #tpu.memory_space<hbm>>
        %dma_start3A_20 = tpu.memref_squeeze %dma_start3A_19 : memref<1x632x128xf32, #tpu.memory_space<hbm>> -> memref<632x128xf32, #tpu.memory_space<hbm>>
        %dma_start3A_21 = arith.constant 0 : i32
        %dma_start3A_22 = tpu.memref_slice %arg10[%mul3A_16, %dma_start3A_21] : memref<10112x128xf32, #tpu.memory_space<vmem_shared>> -> memref<632x128xf32, #tpu.memory_space<vmem_shared>>
        tpu.enqueue_dma source(%dma_start3A_22 : memref<632x128xf32, #tpu.memory_space<vmem_shared>>) target(%dma_start3A_20 : memref<632x128xf32, #tpu.memory_space<hbm>>) target_semaphore(%run_scoped3A : memref<!tpu.dma_semaphore, #tpu.memory_space<semaphore_mem>>)
        %dma_wait3A = arith.constant 0 : i32
        %dma_wait3A_23 = tpu.memref_slice %arg6[%arg0, %mul3A_18, %dma_wait3A] : memref<2x10000x128xf32, #tpu.memory_space<hbm>> -> memref<1x632x128xf32, #tpu.memory_space<hbm>>
        %dma_wait3A_24 = tpu.memref_squeeze %dma_wait3A_23 : memref<1x632x128xf32, #tpu.memory_space<hbm>> -> memref<632x128xf32, #tpu.memory_space<hbm>>
        %dma_wait3A_25 = arith.constant 0 : i32
        %dma_wait3A_26 = tpu.memref_slice %arg10[%mul3A_16, %dma_wait3A_25] : memref<10112x128xf32, #tpu.memory_space<vmem_shared>> -> memref<632x128xf32, #tpu.memory_space<vmem_shared>>
        tpu.wait_dma2 semaphore(%run_scoped3A : memref<!tpu.dma_semaphore, #tpu.memory_space<semaphore_mem>>) src(%dma_wait3A_26 : memref<632x128xf32, #tpu.memory_space<vmem_shared>>) dst(%dma_wait3A_24 : memref<632x128xf32, #tpu.memory_space<hbm>>)
        tpu.yield
      }) : () -> ()
    } else {
    }
    %eq3A = arith.constant 15 : i32
    %eq3A_11 = arith.cmpi eq, %arg1, %eq3A : i32
    %convert_element_type3A_12 = arith.extui %eq3A_11 : i1 to i32
    %cond3A_13 = arith.constant 0 : i32
    %cond3A_14 = arith.cmpi ne, %convert_element_type3A_12, %cond3A_13 : i32
    scf.if %cond3A_14 {
      "tpu.region"() ({
        %run_scoped3A = tpu.sem_alloc : memref<!tpu.dma_semaphore, #tpu.memory_space<semaphore_mem>>
        %dma_start3A = arith.constant 9480 : i32
        %dma_start3A_15 = arith.constant 0 : i32
        %dma_start3A_16 = tpu.memref_slice %arg6[%arg0, %dma_start3A, %dma_start3A_15] : memref<2x10000x128xf32, #tpu.memory_space<hbm>> -> memref<1x520x128xf32, #tpu.memory_space<hbm>>
        %dma_start3A_17 = tpu.memref_squeeze %dma_start3A_16 : memref<1x520x128xf32, #tpu.memory_space<hbm>> -> memref<520x128xf32, #tpu.memory_space<hbm>>
        %dma_start3A_18 = arith.constant 9480 : i32
        %dma_start3A_19 = arith.constant 0 : i32
        %dma_start3A_20 = tpu.memref_slice %arg10[%dma_start3A_18, %dma_start3A_19] : memref<10112x128xf32, #tpu.memory_space<vmem_shared>> -> memref<520x128xf32, #tpu.memory_space<vmem_shared>>
        tpu.enqueue_dma source(%dma_start3A_20 : memref<520x128xf32, #tpu.memory_space<vmem_shared>>) target(%dma_start3A_17 : memref<520x128xf32, #tpu.memory_space<hbm>>) target_semaphore(%run_scoped3A : memref<!tpu.dma_semaphore, #tpu.memory_space<semaphore_mem>>)
        %dma_wait3A = arith.constant 9480 : i32
        %dma_wait3A_21 = arith.constant 0 : i32
        %dma_wait3A_22 = tpu.memref_slice %arg6[%arg0, %dma_wait3A, %dma_wait3A_21] : memref<2x10000x128xf32, #tpu.memory_space<hbm>> -> memref<1x520x128xf32, #tpu.memory_space<hbm>>
        %dma_wait3A_23 = tpu.memref_squeeze %dma_wait3A_22 : memref<1x520x128xf32, #tpu.memory_space<hbm>> -> memref<520x128xf32, #tpu.memory_space<hbm>>
        %dma_wait3A_24 = arith.constant 9480 : i32
        %dma_wait3A_25 = arith.constant 0 : i32
        %dma_wait3A_26 = tpu.memref_slice %arg10[%dma_wait3A_24, %dma_wait3A_25] : memref<10112x128xf32, #tpu.memory_space<vmem_shared>> -> memref<520x128xf32, #tpu.memory_space<vmem_shared>>
        tpu.wait_dma2 semaphore(%run_scoped3A : memref<!tpu.dma_semaphore, #tpu.memory_space<semaphore_mem>>) src(%dma_wait3A_26 : memref<520x128xf32, #tpu.memory_space<vmem_shared>>) dst(%dma_wait3A_23 : memref<520x128xf32, #tpu.memory_space<hbm>>)
        tpu.yield
      }) : () -> ()
    } else {
    }
    return
  }
}

#map = affine_map<(d0, d1) -> (0, 0)>
#map1 = affine_map<(d0, d1) -> (0, 0, 0)>
module attributes {stable_mosaic.version = 14 : i64} {
  func.func @_sc_edge(%arg0: i32, %arg1: i32, %arg2: memref<40000x128xf32, #tpu.memory_space<hbm>>, %arg3: memref<32x79x128xi32, #tpu.memory_space<hbm>>, %arg4: memref<32x79x128xi32, #tpu.memory_space<hbm>>, %arg5: memref<632x128xf32, #tpu.memory_space<hbm>>, %arg6: memref<2x10000x128xf32, #tpu.memory_space<hbm>>, %arg7: memref<79x128xi32, #tpu.memory_space<vmem>>, %arg8: memref<79x128xi32, #tpu.memory_space<vmem>>, %arg9: memref<128x128xf32, #tpu.memory_space<vmem>>, %arg10: memref<10112x128xf32, #tpu.memory_space<vmem_shared>>, %arg11: memref<!tpu.dma_semaphore, #tpu.memory_space<semaphore_mem>>) attributes {dimension_semantics = [#tpu.dimension_semantics<core_parallel>, #tpu.dimension_semantics<subcore_parallel>], iteration_bounds = array<i64: 2, 16>, scalar_prefetch = 0 : i64, scratch_operands = 5 : i64, tpu.core_type = #tpu.core_type<sc_vector_subcore>, window_params = [{transform_indices = #map}, {transform_indices = #map1}, {transform_indices = #map1}, {transform_indices = #map}, {transform_indices = #map1}]} {
    %mul3A = arith.constant 16 : i32
    %mul3A_0 = arith.muli %arg0, %mul3A : i32
    %add3A = arith.addi %mul3A_0, %arg1 : i32
    "tpu.region"() ({
      %run_scoped3A = tpu.sem_alloc : memref<!tpu.dma_semaphore, #tpu.memory_space<semaphore_mem>>
      %dma_start3A = arith.constant 0 : i32
      %dma_start3A_15 = arith.constant 0 : i32
      %dma_start3A_16 = tpu.memref_slice %arg3[%add3A, %dma_start3A, %dma_start3A_15] : memref<32x79x128xi32, #tpu.memory_space<hbm>> -> memref<1x79x128xi32, #tpu.memory_space<hbm>>
      %dma_start3A_17 = tpu.memref_squeeze %dma_start3A_16 : memref<1x79x128xi32, #tpu.memory_space<hbm>> -> memref<79x128xi32, #tpu.memory_space<hbm>>
      %dma_start3A_18 = arith.constant 0 : i32
      %dma_start3A_19 = arith.constant 0 : i32
      %dma_start3A_20 = tpu.memref_slice %arg3[%add3A, %dma_start3A_18, %dma_start3A_19] : memref<32x79x128xi32, #tpu.memory_space<hbm>> -> memref<1x79x128xi32, #tpu.memory_space<hbm>>
      %dma_start3A_21 = tpu.memref_squeeze %dma_start3A_20 : memref<1x79x128xi32, #tpu.memory_space<hbm>> -> memref<79x128xi32, #tpu.memory_space<hbm>>
      tpu.enqueue_dma source(%dma_start3A_21 : memref<79x128xi32, #tpu.memory_space<hbm>>) target(%arg7 : memref<79x128xi32, #tpu.memory_space<vmem>>) target_semaphore(%run_scoped3A : memref<!tpu.dma_semaphore, #tpu.memory_space<semaphore_mem>>)
      %dma_wait3A = arith.constant 0 : i32
      %dma_wait3A_22 = arith.constant 0 : i32
      %dma_wait3A_23 = tpu.memref_slice %arg3[%add3A, %dma_wait3A, %dma_wait3A_22] : memref<32x79x128xi32, #tpu.memory_space<hbm>> -> memref<1x79x128xi32, #tpu.memory_space<hbm>>
      %dma_wait3A_24 = tpu.memref_squeeze %dma_wait3A_23 : memref<1x79x128xi32, #tpu.memory_space<hbm>> -> memref<79x128xi32, #tpu.memory_space<hbm>>
      %dma_wait3A_25 = arith.constant 0 : i32
      %dma_wait3A_26 = arith.constant 0 : i32
      %dma_wait3A_27 = tpu.memref_slice %arg3[%add3A, %dma_wait3A_25, %dma_wait3A_26] : memref<32x79x128xi32, #tpu.memory_space<hbm>> -> memref<1x79x128xi32, #tpu.memory_space<hbm>>
      %dma_wait3A_28 = tpu.memref_squeeze %dma_wait3A_27 : memref<1x79x128xi32, #tpu.memory_space<hbm>> -> memref<79x128xi32, #tpu.memory_space<hbm>>
      tpu.wait_dma2 semaphore(%run_scoped3A : memref<!tpu.dma_semaphore, #tpu.memory_space<semaphore_mem>>) src(%dma_wait3A_28 : memref<79x128xi32, #tpu.memory_space<hbm>>) dst(%arg7 : memref<79x128xi32, #tpu.memory_space<vmem>>)
      tpu.yield
    }) : () -> ()
    "tpu.region"() ({
      %run_scoped3A = tpu.sem_alloc : memref<!tpu.dma_semaphore, #tpu.memory_space<semaphore_mem>>
      %dma_start3A = arith.constant 0 : i32
      %dma_start3A_15 = arith.constant 0 : i32
      %dma_start3A_16 = tpu.memref_slice %arg4[%add3A, %dma_start3A, %dma_start3A_15] : memref<32x79x128xi32, #tpu.memory_space<hbm>> -> memref<1x79x128xi32, #tpu.memory_space<hbm>>
      %dma_start3A_17 = tpu.memref_squeeze %dma_start3A_16 : memref<1x79x128xi32, #tpu.memory_space<hbm>> -> memref<79x128xi32, #tpu.memory_space<hbm>>
      %dma_start3A_18 = arith.constant 0 : i32
      %dma_start3A_19 = arith.constant 0 : i32
      %dma_start3A_20 = tpu.memref_slice %arg4[%add3A, %dma_start3A_18, %dma_start3A_19] : memref<32x79x128xi32, #tpu.memory_space<hbm>> -> memref<1x79x128xi32, #tpu.memory_space<hbm>>
      %dma_start3A_21 = tpu.memref_squeeze %dma_start3A_20 : memref<1x79x128xi32, #tpu.memory_space<hbm>> -> memref<79x128xi32, #tpu.memory_space<hbm>>
      tpu.enqueue_dma source(%dma_start3A_21 : memref<79x128xi32, #tpu.memory_space<hbm>>) target(%arg8 : memref<79x128xi32, #tpu.memory_space<vmem>>) target_semaphore(%run_scoped3A : memref<!tpu.dma_semaphore, #tpu.memory_space<semaphore_mem>>)
      %dma_wait3A = arith.constant 0 : i32
      %dma_wait3A_22 = arith.constant 0 : i32
      %dma_wait3A_23 = tpu.memref_slice %arg4[%add3A, %dma_wait3A, %dma_wait3A_22] : memref<32x79x128xi32, #tpu.memory_space<hbm>> -> memref<1x79x128xi32, #tpu.memory_space<hbm>>
      %dma_wait3A_24 = tpu.memref_squeeze %dma_wait3A_23 : memref<1x79x128xi32, #tpu.memory_space<hbm>> -> memref<79x128xi32, #tpu.memory_space<hbm>>
      %dma_wait3A_25 = arith.constant 0 : i32
      %dma_wait3A_26 = arith.constant 0 : i32
      %dma_wait3A_27 = tpu.memref_slice %arg4[%add3A, %dma_wait3A_25, %dma_wait3A_26] : memref<32x79x128xi32, #tpu.memory_space<hbm>> -> memref<1x79x128xi32, #tpu.memory_space<hbm>>
      %dma_wait3A_28 = tpu.memref_squeeze %dma_wait3A_27 : memref<1x79x128xi32, #tpu.memory_space<hbm>> -> memref<79x128xi32, #tpu.memory_space<hbm>>
      tpu.wait_dma2 semaphore(%run_scoped3A : memref<!tpu.dma_semaphore, #tpu.memory_space<semaphore_mem>>) src(%dma_wait3A_28 : memref<79x128xi32, #tpu.memory_space<hbm>>) dst(%arg8 : memref<79x128xi32, #tpu.memory_space<vmem>>)
      tpu.yield
    }) : () -> ()
    %mul3A_1 = arith.constant 632 : i32
    %mul3A_2 = arith.muli %arg1, %mul3A_1 : i32
    "tpu.region"() ({
      %run_scoped3A = tpu.sem_alloc : memref<!tpu.dma_semaphore, #tpu.memory_space<semaphore_mem>>
      %dma_start3A = arith.constant 0 : i32
      %dma_start3A_15 = tpu.memref_slice %arg10[%mul3A_2, %dma_start3A] : memref<10112x128xf32, #tpu.memory_space<vmem_shared>> -> memref<632x128xf32, #tpu.memory_space<vmem_shared>>
      tpu.enqueue_dma source(%arg5 : memref<632x128xf32, #tpu.memory_space<hbm>>) target(%dma_start3A_15 : memref<632x128xf32, #tpu.memory_space<vmem_shared>>) target_semaphore(%run_scoped3A : memref<!tpu.dma_semaphore, #tpu.memory_space<semaphore_mem>>)
      %dma_wait3A = arith.constant 0 : i32
      %dma_wait3A_16 = tpu.memref_slice %arg10[%mul3A_2, %dma_wait3A] : memref<10112x128xf32, #tpu.memory_space<vmem_shared>> -> memref<632x128xf32, #tpu.memory_space<vmem_shared>>
      tpu.wait_dma2 semaphore(%run_scoped3A : memref<!tpu.dma_semaphore, #tpu.memory_space<semaphore_mem>>) src(%arg5 : memref<632x128xf32, #tpu.memory_space<hbm>>) dst(%dma_wait3A_16 : memref<632x128xf32, #tpu.memory_space<vmem_shared>>)
      tpu.yield
    }) : () -> ()
    %barrier3A = arith.constant 0 : index
    tpu.barrier barrier_id(%barrier3A)
    %scan3A = arith.constant 0 : i32
    %scan3A_3 = arith.constant 0 : i32
    %scan3A_4 = arith.constant 79 : i32
    %scan3A_5 = arith.addi %scan3A_3, %scan3A_4 : i32
    %scan3A_6 = arith.constant 1 : i32
    scf.for %scan3A_15 = %scan3A_3 to %scan3A_5 step %scan3A_6  : i32 {
      %dma_start3A = arith.constant 0 : i32
      %dma_start3A_16 = tpu.memref_slice %arg7[%scan3A_15, %dma_start3A] : memref<79x128xi32, #tpu.memory_space<vmem>> -> memref<1x128xi32, #tpu.memory_space<vmem>>
      %dma_start3A_17 = tpu.memref_squeeze %dma_start3A_16 : memref<1x128xi32, #tpu.memory_space<vmem>> -> memref<128xi32, #tpu.memory_space<vmem>>
      %dma_start3A_18 = arith.constant 0 : i32
      %dma_start3A_19 = arith.constant 0 : i32
      %dma_start3A_20 = tpu.memref_slice %arg2[%dma_start3A_18, %dma_start3A_19] : memref<40000x128xf32, #tpu.memory_space<hbm>> -> memref<40000x128xf32, #tpu.memory_space<hbm>>
      tpu.enqueue_indirect_dma source(%dma_start3A_20 : memref<40000x128xf32, #tpu.memory_space<hbm>>) target(%arg9 : memref<128x128xf32, #tpu.memory_space<vmem>>) offsets(%dma_start3A_17 : memref<128xi32, #tpu.memory_space<vmem>>) semaphore(%arg11 : memref<!tpu.dma_semaphore, #tpu.memory_space<semaphore_mem>>)
      %dma_wait3A = arith.constant 0 : i32
      %dma_wait3A_21 = tpu.memref_slice %arg7[%scan3A_15, %dma_wait3A] : memref<79x128xi32, #tpu.memory_space<vmem>> -> memref<1x128xi32, #tpu.memory_space<vmem>>
      %dma_wait3A_22 = tpu.memref_squeeze %dma_wait3A_21 : memref<1x128xi32, #tpu.memory_space<vmem>> -> memref<128xi32, #tpu.memory_space<vmem>>
      %dma_wait3A_23 = arith.constant 0 : i32
      %dma_wait3A_24 = arith.constant 0 : i32
      %dma_wait3A_25 = tpu.memref_slice %arg2[%dma_wait3A_23, %dma_wait3A_24] : memref<40000x128xf32, #tpu.memory_space<hbm>> -> memref<40000x128xf32, #tpu.memory_space<hbm>>
      tpu.wait_indirect_dma semaphore(%arg11 : memref<!tpu.dma_semaphore, #tpu.memory_space<semaphore_mem>>) src(%dma_wait3A_25 : memref<40000x128xf32, #tpu.memory_space<hbm>>) dst(%arg9 : memref<128x128xf32, #tpu.memory_space<vmem>>)
      "tpu.region"() ({
        %run_scoped3A = tpu.sem_alloc : memref<!tpu.dma_semaphore, #tpu.memory_space<semaphore_mem>>
        %dma_start3A_26 = arith.constant 0 : i32
        %dma_start3A_27 = tpu.memref_slice %arg8[%scan3A_15, %dma_start3A_26] : memref<79x128xi32, #tpu.memory_space<vmem>> -> memref<1x128xi32, #tpu.memory_space<vmem>>
        %dma_start3A_28 = tpu.memref_squeeze %dma_start3A_27 : memref<1x128xi32, #tpu.memory_space<vmem>> -> memref<128xi32, #tpu.memory_space<vmem>>
        %dma_start3A_29 = arith.constant 0 : i32
        %dma_start3A_30 = arith.constant 0 : i32
        %dma_start3A_31 = tpu.memref_slice %arg10[%dma_start3A_29, %dma_start3A_30] : memref<10112x128xf32, #tpu.memory_space<vmem_shared>> -> memref<10112x128xf32, #tpu.memory_space<vmem_shared>>
        tpu.enqueue_indirect_dma source(%arg9 : memref<128x128xf32, #tpu.memory_space<vmem>>) target(%dma_start3A_31 : memref<10112x128xf32, #tpu.memory_space<vmem_shared>>) offsets(%dma_start3A_28 : memref<128xi32, #tpu.memory_space<vmem>>) semaphore(%run_scoped3A : memref<!tpu.dma_semaphore, #tpu.memory_space<semaphore_mem>>) {add = true}
        %dma_wait3A_32 = arith.constant 0 : i32
        %dma_wait3A_33 = tpu.memref_slice %arg8[%scan3A_15, %dma_wait3A_32] : memref<79x128xi32, #tpu.memory_space<vmem>> -> memref<1x128xi32, #tpu.memory_space<vmem>>
        %dma_wait3A_34 = tpu.memref_squeeze %dma_wait3A_33 : memref<1x128xi32, #tpu.memory_space<vmem>> -> memref<128xi32, #tpu.memory_space<vmem>>
        %dma_wait3A_35 = arith.constant 0 : i32
        %dma_wait3A_36 = arith.constant 0 : i32
        %dma_wait3A_37 = tpu.memref_slice %arg10[%dma_wait3A_35, %dma_wait3A_36] : memref<10112x128xf32, #tpu.memory_space<vmem_shared>> -> memref<10112x128xf32, #tpu.memory_space<vmem_shared>>
        tpu.wait_indirect_dma semaphore(%run_scoped3A : memref<!tpu.dma_semaphore, #tpu.memory_space<semaphore_mem>>) src(%arg9 : memref<128x128xf32, #tpu.memory_space<vmem>>) dst(%dma_wait3A_37 : memref<10112x128xf32, #tpu.memory_space<vmem_shared>>)
        tpu.yield
      }) : () -> ()
    }
    %scan3A_7 = arith.constant 79 : i32
    %barrier3A_8 = arith.constant 0 : index
    tpu.barrier barrier_id(%barrier3A_8)
    %lt3A = arith.constant 15 : i32
    %lt3A_9 = arith.cmpi slt, %arg1, %lt3A : i32
    %convert_element_type3A = arith.extui %lt3A_9 : i1 to i32
    %cond3A = arith.constant 0 : i32
    %cond3A_10 = arith.cmpi ne, %convert_element_type3A, %cond3A : i32
    scf.if %cond3A_10 {
      %mul3A_15 = arith.constant 632 : i32
      %mul3A_16 = arith.muli %arg1, %mul3A_15 : i32
      %mul3A_17 = arith.constant 632 : i32
      %mul3A_18 = arith.muli %arg1, %mul3A_17 : i32
      "tpu.region"() ({
        %run_scoped3A = tpu.sem_alloc : memref<!tpu.dma_semaphore, #tpu.memory_space<semaphore_mem>>
        %dma_start3A = arith.constant 0 : i32
        %dma_start3A_19 = tpu.memref_slice %arg6[%arg0, %mul3A_18, %dma_start3A] : memref<2x10000x128xf32, #tpu.memory_space<hbm>> -> memref<1x632x128xf32, #tpu.memory_space<hbm>>
        %dma_start3A_20 = tpu.memref_squeeze %dma_start3A_19 : memref<1x632x128xf32, #tpu.memory_space<hbm>> -> memref<632x128xf32, #tpu.memory_space<hbm>>
        %dma_start3A_21 = arith.constant 0 : i32
        %dma_start3A_22 = tpu.memref_slice %arg10[%mul3A_16, %dma_start3A_21] : memref<10112x128xf32, #tpu.memory_space<vmem_shared>> -> memref<632x128xf32, #tpu.memory_space<vmem_shared>>
        tpu.enqueue_dma source(%dma_start3A_22 : memref<632x128xf32, #tpu.memory_space<vmem_shared>>) target(%dma_start3A_20 : memref<632x128xf32, #tpu.memory_space<hbm>>) target_semaphore(%run_scoped3A : memref<!tpu.dma_semaphore, #tpu.memory_space<semaphore_mem>>)
        %dma_wait3A = arith.constant 0 : i32
        %dma_wait3A_23 = tpu.memref_slice %arg6[%arg0, %mul3A_18, %dma_wait3A] : memref<2x10000x128xf32, #tpu.memory_space<hbm>> -> memref<1x632x128xf32, #tpu.memory_space<hbm>>
        %dma_wait3A_24 = tpu.memref_squeeze %dma_wait3A_23 : memref<1x632x128xf32, #tpu.memory_space<hbm>> -> memref<632x128xf32, #tpu.memory_space<hbm>>
        %dma_wait3A_25 = arith.constant 0 : i32
        %dma_wait3A_26 = tpu.memref_slice %arg10[%mul3A_16, %dma_wait3A_25] : memref<10112x128xf32, #tpu.memory_space<vmem_shared>> -> memref<632x128xf32, #tpu.memory_space<vmem_shared>>
        tpu.wait_dma2 semaphore(%run_scoped3A : memref<!tpu.dma_semaphore, #tpu.memory_space<semaphore_mem>>) src(%dma_wait3A_26 : memref<632x128xf32, #tpu.memory_space<vmem_shared>>) dst(%dma_wait3A_24 : memref<632x128xf32, #tpu.memory_space<hbm>>)
        tpu.yield
      }) : () -> ()
    } else {
    }
    %eq3A = arith.constant 15 : i32
    %eq3A_11 = arith.cmpi eq, %arg1, %eq3A : i32
    %convert_element_type3A_12 = arith.extui %eq3A_11 : i1 to i32
    %cond3A_13 = arith.constant 0 : i32
    %cond3A_14 = arith.cmpi ne, %convert_element_type3A_12, %cond3A_13 : i32
    scf.if %cond3A_14 {
      "tpu.region"() ({
        %run_scoped3A = tpu.sem_alloc : memref<!tpu.dma_semaphore, #tpu.memory_space<semaphore_mem>>
        %dma_start3A = arith.constant 9480 : i32
        %dma_start3A_15 = arith.constant 0 : i32
        %dma_start3A_16 = tpu.memref_slice %arg6[%arg0, %dma_start3A, %dma_start3A_15] : memref<2x10000x128xf32, #tpu.memory_space<hbm>> -> memref<1x520x128xf32, #tpu.memory_space<hbm>>
        %dma_start3A_17 = tpu.memref_squeeze %dma_start3A_16 : memref<1x520x128xf32, #tpu.memory_space<hbm>> -> memref<520x128xf32, #tpu.memory_space<hbm>>
        %dma_start3A_18 = arith.constant 9480 : i32
        %dma_start3A_19 = arith.constant 0 : i32
        %dma_start3A_20 = tpu.memref_slice %arg10[%dma_start3A_18, %dma_start3A_19] : memref<10112x128xf32, #tpu.memory_space<vmem_shared>> -> memref<520x128xf32, #tpu.memory_space<vmem_shared>>
        tpu.enqueue_dma source(%dma_start3A_20 : memref<520x128xf32, #tpu.memory_space<vmem_shared>>) target(%dma_start3A_17 : memref<520x128xf32, #tpu.memory_space<hbm>>) target_semaphore(%run_scoped3A : memref<!tpu.dma_semaphore, #tpu.memory_space<semaphore_mem>>)
        %dma_wait3A = arith.constant 9480 : i32
        %dma_wait3A_21 = arith.constant 0 : i32
        %dma_wait3A_22 = tpu.memref_slice %arg6[%arg0, %dma_wait3A, %dma_wait3A_21] : memref<2x10000x128xf32, #tpu.memory_space<hbm>> -> memref<1x520x128xf32, #tpu.memory_space<hbm>>
        %dma_wait3A_23 = tpu.memref_squeeze %dma_wait3A_22 : memref<1x520x128xf32, #tpu.memory_space<hbm>> -> memref<520x128xf32, #tpu.memory_space<hbm>>
        %dma_wait3A_24 = arith.constant 9480 : i32
        %dma_wait3A_25 = arith.constant 0 : i32
        %dma_wait3A_26 = tpu.memref_slice %arg10[%dma_wait3A_24, %dma_wait3A_25] : memref<10112x128xf32, #tpu.memory_space<vmem_shared>> -> memref<520x128xf32, #tpu.memory_space<vmem_shared>>
        tpu.wait_dma2 semaphore(%run_scoped3A : memref<!tpu.dma_semaphore, #tpu.memory_space<semaphore_mem>>) src(%dma_wait3A_26 : memref<520x128xf32, #tpu.memory_space<vmem_shared>>) dst(%dma_wait3A_23 : memref<520x128xf32, #tpu.memory_space<hbm>>)
        tpu.yield
      }) : () -> ()
    } else {
    }
    return
  }
}

#map = affine_map<(d0, d1) -> (0, 0)>
#map1 = affine_map<(d0, d1) -> (0, 0, 0)>
module attributes {stable_mosaic.version = 14 : i64} {
  func.func @_sc_edge(%arg0: i32, %arg1: i32, %arg2: memref<40000x128xf32, #tpu.memory_space<hbm>>, %arg3: memref<32x79x128xi32, #tpu.memory_space<hbm>>, %arg4: memref<32x79x128xi32, #tpu.memory_space<hbm>>, %arg5: memref<632x128xf32, #tpu.memory_space<hbm>>, %arg6: memref<2x10000x128xf32, #tpu.memory_space<hbm>>, %arg7: memref<79x128xi32, #tpu.memory_space<vmem>>, %arg8: memref<79x128xi32, #tpu.memory_space<vmem>>, %arg9: memref<128x128xf32, #tpu.memory_space<vmem>>, %arg10: memref<10112x128xf32, #tpu.memory_space<vmem_shared>>, %arg11: memref<!tpu.dma_semaphore, #tpu.memory_space<semaphore_mem>>) attributes {dimension_semantics = [#tpu.dimension_semantics<core_parallel>, #tpu.dimension_semantics<subcore_parallel>], iteration_bounds = array<i64: 2, 16>, scalar_prefetch = 0 : i64, scratch_operands = 5 : i64, tpu.core_type = #tpu.core_type<sc_vector_subcore>, window_params = [{transform_indices = #map}, {transform_indices = #map1}, {transform_indices = #map1}, {transform_indices = #map}, {transform_indices = #map1}]} {
    %mul3A = arith.constant 16 : i32
    %mul3A_0 = arith.muli %arg0, %mul3A : i32
    %add3A = arith.addi %mul3A_0, %arg1 : i32
    "tpu.region"() ({
      %run_scoped3A = tpu.sem_alloc : memref<!tpu.dma_semaphore, #tpu.memory_space<semaphore_mem>>
      %dma_start3A = arith.constant 0 : i32
      %dma_start3A_15 = arith.constant 0 : i32
      %dma_start3A_16 = tpu.memref_slice %arg3[%add3A, %dma_start3A, %dma_start3A_15] : memref<32x79x128xi32, #tpu.memory_space<hbm>> -> memref<1x79x128xi32, #tpu.memory_space<hbm>>
      %dma_start3A_17 = tpu.memref_squeeze %dma_start3A_16 : memref<1x79x128xi32, #tpu.memory_space<hbm>> -> memref<79x128xi32, #tpu.memory_space<hbm>>
      %dma_start3A_18 = arith.constant 0 : i32
      %dma_start3A_19 = arith.constant 0 : i32
      %dma_start3A_20 = tpu.memref_slice %arg3[%add3A, %dma_start3A_18, %dma_start3A_19] : memref<32x79x128xi32, #tpu.memory_space<hbm>> -> memref<1x79x128xi32, #tpu.memory_space<hbm>>
      %dma_start3A_21 = tpu.memref_squeeze %dma_start3A_20 : memref<1x79x128xi32, #tpu.memory_space<hbm>> -> memref<79x128xi32, #tpu.memory_space<hbm>>
      tpu.enqueue_dma source(%dma_start3A_21 : memref<79x128xi32, #tpu.memory_space<hbm>>) target(%arg7 : memref<79x128xi32, #tpu.memory_space<vmem>>) target_semaphore(%run_scoped3A : memref<!tpu.dma_semaphore, #tpu.memory_space<semaphore_mem>>)
      %dma_wait3A = arith.constant 0 : i32
      %dma_wait3A_22 = arith.constant 0 : i32
      %dma_wait3A_23 = tpu.memref_slice %arg3[%add3A, %dma_wait3A, %dma_wait3A_22] : memref<32x79x128xi32, #tpu.memory_space<hbm>> -> memref<1x79x128xi32, #tpu.memory_space<hbm>>
      %dma_wait3A_24 = tpu.memref_squeeze %dma_wait3A_23 : memref<1x79x128xi32, #tpu.memory_space<hbm>> -> memref<79x128xi32, #tpu.memory_space<hbm>>
      %dma_wait3A_25 = arith.constant 0 : i32
      %dma_wait3A_26 = arith.constant 0 : i32
      %dma_wait3A_27 = tpu.memref_slice %arg3[%add3A, %dma_wait3A_25, %dma_wait3A_26] : memref<32x79x128xi32, #tpu.memory_space<hbm>> -> memref<1x79x128xi32, #tpu.memory_space<hbm>>
      %dma_wait3A_28 = tpu.memref_squeeze %dma_wait3A_27 : memref<1x79x128xi32, #tpu.memory_space<hbm>> -> memref<79x128xi32, #tpu.memory_space<hbm>>
      tpu.wait_dma2 semaphore(%run_scoped3A : memref<!tpu.dma_semaphore, #tpu.memory_space<semaphore_mem>>) src(%dma_wait3A_28 : memref<79x128xi32, #tpu.memory_space<hbm>>) dst(%arg7 : memref<79x128xi32, #tpu.memory_space<vmem>>)
      tpu.yield
    }) : () -> ()
    "tpu.region"() ({
      %run_scoped3A = tpu.sem_alloc : memref<!tpu.dma_semaphore, #tpu.memory_space<semaphore_mem>>
      %dma_start3A = arith.constant 0 : i32
      %dma_start3A_15 = arith.constant 0 : i32
      %dma_start3A_16 = tpu.memref_slice %arg4[%add3A, %dma_start3A, %dma_start3A_15] : memref<32x79x128xi32, #tpu.memory_space<hbm>> -> memref<1x79x128xi32, #tpu.memory_space<hbm>>
      %dma_start3A_17 = tpu.memref_squeeze %dma_start3A_16 : memref<1x79x128xi32, #tpu.memory_space<hbm>> -> memref<79x128xi32, #tpu.memory_space<hbm>>
      %dma_start3A_18 = arith.constant 0 : i32
      %dma_start3A_19 = arith.constant 0 : i32
      %dma_start3A_20 = tpu.memref_slice %arg4[%add3A, %dma_start3A_18, %dma_start3A_19] : memref<32x79x128xi32, #tpu.memory_space<hbm>> -> memref<1x79x128xi32, #tpu.memory_space<hbm>>
      %dma_start3A_21 = tpu.memref_squeeze %dma_start3A_20 : memref<1x79x128xi32, #tpu.memory_space<hbm>> -> memref<79x128xi32, #tpu.memory_space<hbm>>
      tpu.enqueue_dma source(%dma_start3A_21 : memref<79x128xi32, #tpu.memory_space<hbm>>) target(%arg8 : memref<79x128xi32, #tpu.memory_space<vmem>>) target_semaphore(%run_scoped3A : memref<!tpu.dma_semaphore, #tpu.memory_space<semaphore_mem>>)
      %dma_wait3A = arith.constant 0 : i32
      %dma_wait3A_22 = arith.constant 0 : i32
      %dma_wait3A_23 = tpu.memref_slice %arg4[%add3A, %dma_wait3A, %dma_wait3A_22] : memref<32x79x128xi32, #tpu.memory_space<hbm>> -> memref<1x79x128xi32, #tpu.memory_space<hbm>>
      %dma_wait3A_24 = tpu.memref_squeeze %dma_wait3A_23 : memref<1x79x128xi32, #tpu.memory_space<hbm>> -> memref<79x128xi32, #tpu.memory_space<hbm>>
      %dma_wait3A_25 = arith.constant 0 : i32
      %dma_wait3A_26 = arith.constant 0 : i32
      %dma_wait3A_27 = tpu.memref_slice %arg4[%add3A, %dma_wait3A_25, %dma_wait3A_26] : memref<32x79x128xi32, #tpu.memory_space<hbm>> -> memref<1x79x128xi32, #tpu.memory_space<hbm>>
      %dma_wait3A_28 = tpu.memref_squeeze %dma_wait3A_27 : memref<1x79x128xi32, #tpu.memory_space<hbm>> -> memref<79x128xi32, #tpu.memory_space<hbm>>
      tpu.wait_dma2 semaphore(%run_scoped3A : memref<!tpu.dma_semaphore, #tpu.memory_space<semaphore_mem>>) src(%dma_wait3A_28 : memref<79x128xi32, #tpu.memory_space<hbm>>) dst(%arg8 : memref<79x128xi32, #tpu.memory_space<vmem>>)
      tpu.yield
    }) : () -> ()
    %mul3A_1 = arith.constant 632 : i32
    %mul3A_2 = arith.muli %arg1, %mul3A_1 : i32
    "tpu.region"() ({
      %run_scoped3A = tpu.sem_alloc : memref<!tpu.dma_semaphore, #tpu.memory_space<semaphore_mem>>
      %dma_start3A = arith.constant 0 : i32
      %dma_start3A_15 = tpu.memref_slice %arg10[%mul3A_2, %dma_start3A] : memref<10112x128xf32, #tpu.memory_space<vmem_shared>> -> memref<632x128xf32, #tpu.memory_space<vmem_shared>>
      tpu.enqueue_dma source(%arg5 : memref<632x128xf32, #tpu.memory_space<hbm>>) target(%dma_start3A_15 : memref<632x128xf32, #tpu.memory_space<vmem_shared>>) target_semaphore(%run_scoped3A : memref<!tpu.dma_semaphore, #tpu.memory_space<semaphore_mem>>)
      %dma_wait3A = arith.constant 0 : i32
      %dma_wait3A_16 = tpu.memref_slice %arg10[%mul3A_2, %dma_wait3A] : memref<10112x128xf32, #tpu.memory_space<vmem_shared>> -> memref<632x128xf32, #tpu.memory_space<vmem_shared>>
      tpu.wait_dma2 semaphore(%run_scoped3A : memref<!tpu.dma_semaphore, #tpu.memory_space<semaphore_mem>>) src(%arg5 : memref<632x128xf32, #tpu.memory_space<hbm>>) dst(%dma_wait3A_16 : memref<632x128xf32, #tpu.memory_space<vmem_shared>>)
      tpu.yield
    }) : () -> ()
    %barrier3A = arith.constant 0 : index
    tpu.barrier barrier_id(%barrier3A)
    %scan3A = arith.constant 0 : i32
    %scan3A_3 = arith.constant 0 : i32
    %scan3A_4 = arith.constant 79 : i32
    %scan3A_5 = arith.addi %scan3A_3, %scan3A_4 : i32
    %scan3A_6 = arith.constant 1 : i32
    scf.for %scan3A_15 = %scan3A_3 to %scan3A_5 step %scan3A_6  : i32 {
      %dma_start3A = arith.constant 0 : i32
      %dma_start3A_16 = tpu.memref_slice %arg7[%scan3A_15, %dma_start3A] : memref<79x128xi32, #tpu.memory_space<vmem>> -> memref<1x128xi32, #tpu.memory_space<vmem>>
      %dma_start3A_17 = tpu.memref_squeeze %dma_start3A_16 : memref<1x128xi32, #tpu.memory_space<vmem>> -> memref<128xi32, #tpu.memory_space<vmem>>
      %dma_start3A_18 = arith.constant 0 : i32
      %dma_start3A_19 = arith.constant 0 : i32
      %dma_start3A_20 = tpu.memref_slice %arg2[%dma_start3A_18, %dma_start3A_19] : memref<40000x128xf32, #tpu.memory_space<hbm>> -> memref<40000x128xf32, #tpu.memory_space<hbm>>
      tpu.enqueue_indirect_dma source(%dma_start3A_20 : memref<40000x128xf32, #tpu.memory_space<hbm>>) target(%arg9 : memref<128x128xf32, #tpu.memory_space<vmem>>) offsets(%dma_start3A_17 : memref<128xi32, #tpu.memory_space<vmem>>) semaphore(%arg11 : memref<!tpu.dma_semaphore, #tpu.memory_space<semaphore_mem>>)
      %dma_wait3A = arith.constant 0 : i32
      %dma_wait3A_21 = tpu.memref_slice %arg7[%scan3A_15, %dma_wait3A] : memref<79x128xi32, #tpu.memory_space<vmem>> -> memref<1x128xi32, #tpu.memory_space<vmem>>
      %dma_wait3A_22 = tpu.memref_squeeze %dma_wait3A_21 : memref<1x128xi32, #tpu.memory_space<vmem>> -> memref<128xi32, #tpu.memory_space<vmem>>
      %dma_wait3A_23 = arith.constant 0 : i32
      %dma_wait3A_24 = arith.constant 0 : i32
      %dma_wait3A_25 = tpu.memref_slice %arg2[%dma_wait3A_23, %dma_wait3A_24] : memref<40000x128xf32, #tpu.memory_space<hbm>> -> memref<40000x128xf32, #tpu.memory_space<hbm>>
      tpu.wait_indirect_dma semaphore(%arg11 : memref<!tpu.dma_semaphore, #tpu.memory_space<semaphore_mem>>) src(%dma_wait3A_25 : memref<40000x128xf32, #tpu.memory_space<hbm>>) dst(%arg9 : memref<128x128xf32, #tpu.memory_space<vmem>>)
      "tpu.region"() ({
        %run_scoped3A = tpu.sem_alloc : memref<!tpu.dma_semaphore, #tpu.memory_space<semaphore_mem>>
        %dma_start3A_26 = arith.constant 0 : i32
        %dma_start3A_27 = tpu.memref_slice %arg8[%scan3A_15, %dma_start3A_26] : memref<79x128xi32, #tpu.memory_space<vmem>> -> memref<1x128xi32, #tpu.memory_space<vmem>>
        %dma_start3A_28 = tpu.memref_squeeze %dma_start3A_27 : memref<1x128xi32, #tpu.memory_space<vmem>> -> memref<128xi32, #tpu.memory_space<vmem>>
        %dma_start3A_29 = arith.constant 0 : i32
        %dma_start3A_30 = arith.constant 0 : i32
        %dma_start3A_31 = tpu.memref_slice %arg10[%dma_start3A_29, %dma_start3A_30] : memref<10112x128xf32, #tpu.memory_space<vmem_shared>> -> memref<10112x128xf32, #tpu.memory_space<vmem_shared>>
        tpu.enqueue_indirect_dma source(%arg9 : memref<128x128xf32, #tpu.memory_space<vmem>>) target(%dma_start3A_31 : memref<10112x128xf32, #tpu.memory_space<vmem_shared>>) offsets(%dma_start3A_28 : memref<128xi32, #tpu.memory_space<vmem>>) semaphore(%run_scoped3A : memref<!tpu.dma_semaphore, #tpu.memory_space<semaphore_mem>>) {add = true}
        %dma_wait3A_32 = arith.constant 0 : i32
        %dma_wait3A_33 = tpu.memref_slice %arg8[%scan3A_15, %dma_wait3A_32] : memref<79x128xi32, #tpu.memory_space<vmem>> -> memref<1x128xi32, #tpu.memory_space<vmem>>
        %dma_wait3A_34 = tpu.memref_squeeze %dma_wait3A_33 : memref<1x128xi32, #tpu.memory_space<vmem>> -> memref<128xi32, #tpu.memory_space<vmem>>
        %dma_wait3A_35 = arith.constant 0 : i32
        %dma_wait3A_36 = arith.constant 0 : i32
        %dma_wait3A_37 = tpu.memref_slice %arg10[%dma_wait3A_35, %dma_wait3A_36] : memref<10112x128xf32, #tpu.memory_space<vmem_shared>> -> memref<10112x128xf32, #tpu.memory_space<vmem_shared>>
        tpu.wait_indirect_dma semaphore(%run_scoped3A : memref<!tpu.dma_semaphore, #tpu.memory_space<semaphore_mem>>) src(%arg9 : memref<128x128xf32, #tpu.memory_space<vmem>>) dst(%dma_wait3A_37 : memref<10112x128xf32, #tpu.memory_space<vmem_shared>>)
        tpu.yield
      }) : () -> ()
    }
    %scan3A_7 = arith.constant 79 : i32
    %barrier3A_8 = arith.constant 0 : index
    tpu.barrier barrier_id(%barrier3A_8)
    %lt3A = arith.constant 15 : i32
    %lt3A_9 = arith.cmpi slt, %arg1, %lt3A : i32
    %convert_element_type3A = arith.extui %lt3A_9 : i1 to i32
    %cond3A = arith.constant 0 : i32
    %cond3A_10 = arith.cmpi ne, %convert_element_type3A, %cond3A : i32
    scf.if %cond3A_10 {
      %mul3A_15 = arith.constant 632 : i32
      %mul3A_16 = arith.muli %arg1, %mul3A_15 : i32
      %mul3A_17 = arith.constant 632 : i32
      %mul3A_18 = arith.muli %arg1, %mul3A_17 : i32
      "tpu.region"() ({
        %run_scoped3A = tpu.sem_alloc : memref<!tpu.dma_semaphore, #tpu.memory_space<semaphore_mem>>
        %dma_start3A = arith.constant 0 : i32
        %dma_start3A_19 = tpu.memref_slice %arg6[%arg0, %mul3A_18, %dma_start3A] : memref<2x10000x128xf32, #tpu.memory_space<hbm>> -> memref<1x632x128xf32, #tpu.memory_space<hbm>>
        %dma_start3A_20 = tpu.memref_squeeze %dma_start3A_19 : memref<1x632x128xf32, #tpu.memory_space<hbm>> -> memref<632x128xf32, #tpu.memory_space<hbm>>
        %dma_start3A_21 = arith.constant 0 : i32
        %dma_start3A_22 = tpu.memref_slice %arg10[%mul3A_16, %dma_start3A_21] : memref<10112x128xf32, #tpu.memory_space<vmem_shared>> -> memref<632x128xf32, #tpu.memory_space<vmem_shared>>
        tpu.enqueue_dma source(%dma_start3A_22 : memref<632x128xf32, #tpu.memory_space<vmem_shared>>) target(%dma_start3A_20 : memref<632x128xf32, #tpu.memory_space<hbm>>) target_semaphore(%run_scoped3A : memref<!tpu.dma_semaphore, #tpu.memory_space<semaphore_mem>>)
        %dma_wait3A = arith.constant 0 : i32
        %dma_wait3A_23 = tpu.memref_slice %arg6[%arg0, %mul3A_18, %dma_wait3A] : memref<2x10000x128xf32, #tpu.memory_space<hbm>> -> memref<1x632x128xf32, #tpu.memory_space<hbm>>
        %dma_wait3A_24 = tpu.memref_squeeze %dma_wait3A_23 : memref<1x632x128xf32, #tpu.memory_space<hbm>> -> memref<632x128xf32, #tpu.memory_space<hbm>>
        %dma_wait3A_25 = arith.constant 0 : i32
        %dma_wait3A_26 = tpu.memref_slice %arg10[%mul3A_16, %dma_wait3A_25] : memref<10112x128xf32, #tpu.memory_space<vmem_shared>> -> memref<632x128xf32, #tpu.memory_space<vmem_shared>>
        tpu.wait_dma2 semaphore(%run_scoped3A : memref<!tpu.dma_semaphore, #tpu.memory_space<semaphore_mem>>) src(%dma_wait3A_26 : memref<632x128xf32, #tpu.memory_space<vmem_shared>>) dst(%dma_wait3A_24 : memref<632x128xf32, #tpu.memory_space<hbm>>)
        tpu.yield
      }) : () -> ()
    } else {
    }
    %eq3A = arith.constant 15 : i32
    %eq3A_11 = arith.cmpi eq, %arg1, %eq3A : i32
    %convert_element_type3A_12 = arith.extui %eq3A_11 : i1 to i32
    %cond3A_13 = arith.constant 0 : i32
    %cond3A_14 = arith.cmpi ne, %convert_element_type3A_12, %cond3A_13 : i32
    scf.if %cond3A_14 {
      "tpu.region"() ({
        %run_scoped3A = tpu.sem_alloc : memref<!tpu.dma_semaphore, #tpu.memory_space<semaphore_mem>>
        %dma_start3A = arith.constant 9480 : i32
        %dma_start3A_15 = arith.constant 0 : i32
        %dma_start3A_16 = tpu.memref_slice %arg6[%arg0, %dma_start3A, %dma_start3A_15] : memref<2x10000x128xf32, #tpu.memory_space<hbm>> -> memref<1x520x128xf32, #tpu.memory_space<hbm>>
        %dma_start3A_17 = tpu.memref_squeeze %dma_start3A_16 : memref<1x520x128xf32, #tpu.memory_space<hbm>> -> memref<520x128xf32, #tpu.memory_space<hbm>>
        %dma_start3A_18 = arith.constant 9480 : i32
        %dma_start3A_19 = arith.constant 0 : i32
        %dma_start3A_20 = tpu.memref_slice %arg10[%dma_start3A_18, %dma_start3A_19] : memref<10112x128xf32, #tpu.memory_space<vmem_shared>> -> memref<520x128xf32, #tpu.memory_space<vmem_shared>>
        tpu.enqueue_dma source(%dma_start3A_20 : memref<520x128xf32, #tpu.memory_space<vmem_shared>>) target(%dma_start3A_17 : memref<520x128xf32, #tpu.memory_space<hbm>>) target_semaphore(%run_scoped3A : memref<!tpu.dma_semaphore, #tpu.memory_space<semaphore_mem>>)
        %dma_wait3A = arith.constant 9480 : i32
        %dma_wait3A_21 = arith.constant 0 : i32
        %dma_wait3A_22 = tpu.memref_slice %arg6[%arg0, %dma_wait3A, %dma_wait3A_21] : memref<2x10000x128xf32, #tpu.memory_space<hbm>> -> memref<1x520x128xf32, #tpu.memory_space<hbm>>
        %dma_wait3A_23 = tpu.memref_squeeze %dma_wait3A_22 : memref<1x520x128xf32, #tpu.memory_space<hbm>> -> memref<520x128xf32, #tpu.memory_space<hbm>>
        %dma_wait3A_24 = arith.constant 9480 : i32
        %dma_wait3A_25 = arith.constant 0 : i32
        %dma_wait3A_26 = tpu.memref_slice %arg10[%dma_wait3A_24, %dma_wait3A_25] : memref<10112x128xf32, #tpu.memory_space<vmem_shared>> -> memref<520x128xf32, #tpu.memory_space<vmem_shared>>
        tpu.wait_dma2 semaphore(%run_scoped3A : memref<!tpu.dma_semaphore, #tpu.memory_space<semaphore_mem>>) src(%dma_wait3A_26 : memref<520x128xf32, #tpu.memory_space<vmem_shared>>) dst(%dma_wait3A_23 : memref<520x128xf32, #tpu.memory_space<hbm>>)
        tpu.yield
      }) : () -> ()
    } else {
    }
    return
  }
}

#map = affine_map<(d0, d1) -> (0, 0)>
#map1 = affine_map<(d0, d1) -> (0, 0, 0)>
module attributes {stable_mosaic.version = 14 : i64} {
  func.func @_sc_edge(%arg0: i32, %arg1: i32, %arg2: memref<40000x128xf32, #tpu.memory_space<hbm>>, %arg3: memref<32x79x128xi32, #tpu.memory_space<hbm>>, %arg4: memref<32x79x128xi32, #tpu.memory_space<hbm>>, %arg5: memref<632x128xf32, #tpu.memory_space<hbm>>, %arg6: memref<2x10000x128xf32, #tpu.memory_space<hbm>>, %arg7: memref<79x128xi32, #tpu.memory_space<vmem>>, %arg8: memref<79x128xi32, #tpu.memory_space<vmem>>, %arg9: memref<128x128xf32, #tpu.memory_space<vmem>>, %arg10: memref<10112x128xf32, #tpu.memory_space<vmem_shared>>, %arg11: memref<!tpu.dma_semaphore, #tpu.memory_space<semaphore_mem>>) attributes {dimension_semantics = [#tpu.dimension_semantics<core_parallel>, #tpu.dimension_semantics<subcore_parallel>], iteration_bounds = array<i64: 2, 16>, scalar_prefetch = 0 : i64, scratch_operands = 5 : i64, tpu.core_type = #tpu.core_type<sc_vector_subcore>, window_params = [{transform_indices = #map}, {transform_indices = #map1}, {transform_indices = #map1}, {transform_indices = #map}, {transform_indices = #map1}]} {
    %mul3A = arith.constant 16 : i32
    %mul3A_0 = arith.muli %arg0, %mul3A : i32
    %add3A = arith.addi %mul3A_0, %arg1 : i32
    "tpu.region"() ({
      %run_scoped3A = tpu.sem_alloc : memref<!tpu.dma_semaphore, #tpu.memory_space<semaphore_mem>>
      %dma_start3A = arith.constant 0 : i32
      %dma_start3A_15 = arith.constant 0 : i32
      %dma_start3A_16 = tpu.memref_slice %arg3[%add3A, %dma_start3A, %dma_start3A_15] : memref<32x79x128xi32, #tpu.memory_space<hbm>> -> memref<1x79x128xi32, #tpu.memory_space<hbm>>
      %dma_start3A_17 = tpu.memref_squeeze %dma_start3A_16 : memref<1x79x128xi32, #tpu.memory_space<hbm>> -> memref<79x128xi32, #tpu.memory_space<hbm>>
      %dma_start3A_18 = arith.constant 0 : i32
      %dma_start3A_19 = arith.constant 0 : i32
      %dma_start3A_20 = tpu.memref_slice %arg3[%add3A, %dma_start3A_18, %dma_start3A_19] : memref<32x79x128xi32, #tpu.memory_space<hbm>> -> memref<1x79x128xi32, #tpu.memory_space<hbm>>
      %dma_start3A_21 = tpu.memref_squeeze %dma_start3A_20 : memref<1x79x128xi32, #tpu.memory_space<hbm>> -> memref<79x128xi32, #tpu.memory_space<hbm>>
      tpu.enqueue_dma source(%dma_start3A_21 : memref<79x128xi32, #tpu.memory_space<hbm>>) target(%arg7 : memref<79x128xi32, #tpu.memory_space<vmem>>) target_semaphore(%run_scoped3A : memref<!tpu.dma_semaphore, #tpu.memory_space<semaphore_mem>>)
      %dma_wait3A = arith.constant 0 : i32
      %dma_wait3A_22 = arith.constant 0 : i32
      %dma_wait3A_23 = tpu.memref_slice %arg3[%add3A, %dma_wait3A, %dma_wait3A_22] : memref<32x79x128xi32, #tpu.memory_space<hbm>> -> memref<1x79x128xi32, #tpu.memory_space<hbm>>
      %dma_wait3A_24 = tpu.memref_squeeze %dma_wait3A_23 : memref<1x79x128xi32, #tpu.memory_space<hbm>> -> memref<79x128xi32, #tpu.memory_space<hbm>>
      %dma_wait3A_25 = arith.constant 0 : i32
      %dma_wait3A_26 = arith.constant 0 : i32
      %dma_wait3A_27 = tpu.memref_slice %arg3[%add3A, %dma_wait3A_25, %dma_wait3A_26] : memref<32x79x128xi32, #tpu.memory_space<hbm>> -> memref<1x79x128xi32, #tpu.memory_space<hbm>>
      %dma_wait3A_28 = tpu.memref_squeeze %dma_wait3A_27 : memref<1x79x128xi32, #tpu.memory_space<hbm>> -> memref<79x128xi32, #tpu.memory_space<hbm>>
      tpu.wait_dma2 semaphore(%run_scoped3A : memref<!tpu.dma_semaphore, #tpu.memory_space<semaphore_mem>>) src(%dma_wait3A_28 : memref<79x128xi32, #tpu.memory_space<hbm>>) dst(%arg7 : memref<79x128xi32, #tpu.memory_space<vmem>>)
      tpu.yield
    }) : () -> ()
    "tpu.region"() ({
      %run_scoped3A = tpu.sem_alloc : memref<!tpu.dma_semaphore, #tpu.memory_space<semaphore_mem>>
      %dma_start3A = arith.constant 0 : i32
      %dma_start3A_15 = arith.constant 0 : i32
      %dma_start3A_16 = tpu.memref_slice %arg4[%add3A, %dma_start3A, %dma_start3A_15] : memref<32x79x128xi32, #tpu.memory_space<hbm>> -> memref<1x79x128xi32, #tpu.memory_space<hbm>>
      %dma_start3A_17 = tpu.memref_squeeze %dma_start3A_16 : memref<1x79x128xi32, #tpu.memory_space<hbm>> -> memref<79x128xi32, #tpu.memory_space<hbm>>
      %dma_start3A_18 = arith.constant 0 : i32
      %dma_start3A_19 = arith.constant 0 : i32
      %dma_start3A_20 = tpu.memref_slice %arg4[%add3A, %dma_start3A_18, %dma_start3A_19] : memref<32x79x128xi32, #tpu.memory_space<hbm>> -> memref<1x79x128xi32, #tpu.memory_space<hbm>>
      %dma_start3A_21 = tpu.memref_squeeze %dma_start3A_20 : memref<1x79x128xi32, #tpu.memory_space<hbm>> -> memref<79x128xi32, #tpu.memory_space<hbm>>
      tpu.enqueue_dma source(%dma_start3A_21 : memref<79x128xi32, #tpu.memory_space<hbm>>) target(%arg8 : memref<79x128xi32, #tpu.memory_space<vmem>>) target_semaphore(%run_scoped3A : memref<!tpu.dma_semaphore, #tpu.memory_space<semaphore_mem>>)
      %dma_wait3A = arith.constant 0 : i32
      %dma_wait3A_22 = arith.constant 0 : i32
      %dma_wait3A_23 = tpu.memref_slice %arg4[%add3A, %dma_wait3A, %dma_wait3A_22] : memref<32x79x128xi32, #tpu.memory_space<hbm>> -> memref<1x79x128xi32, #tpu.memory_space<hbm>>
      %dma_wait3A_24 = tpu.memref_squeeze %dma_wait3A_23 : memref<1x79x128xi32, #tpu.memory_space<hbm>> -> memref<79x128xi32, #tpu.memory_space<hbm>>
      %dma_wait3A_25 = arith.constant 0 : i32
      %dma_wait3A_26 = arith.constant 0 : i32
      %dma_wait3A_27 = tpu.memref_slice %arg4[%add3A, %dma_wait3A_25, %dma_wait3A_26] : memref<32x79x128xi32, #tpu.memory_space<hbm>> -> memref<1x79x128xi32, #tpu.memory_space<hbm>>
      %dma_wait3A_28 = tpu.memref_squeeze %dma_wait3A_27 : memref<1x79x128xi32, #tpu.memory_space<hbm>> -> memref<79x128xi32, #tpu.memory_space<hbm>>
      tpu.wait_dma2 semaphore(%run_scoped3A : memref<!tpu.dma_semaphore, #tpu.memory_space<semaphore_mem>>) src(%dma_wait3A_28 : memref<79x128xi32, #tpu.memory_space<hbm>>) dst(%arg8 : memref<79x128xi32, #tpu.memory_space<vmem>>)
      tpu.yield
    }) : () -> ()
    %mul3A_1 = arith.constant 632 : i32
    %mul3A_2 = arith.muli %arg1, %mul3A_1 : i32
    "tpu.region"() ({
      %run_scoped3A = tpu.sem_alloc : memref<!tpu.dma_semaphore, #tpu.memory_space<semaphore_mem>>
      %dma_start3A = arith.constant 0 : i32
      %dma_start3A_15 = tpu.memref_slice %arg10[%mul3A_2, %dma_start3A] : memref<10112x128xf32, #tpu.memory_space<vmem_shared>> -> memref<632x128xf32, #tpu.memory_space<vmem_shared>>
      tpu.enqueue_dma source(%arg5 : memref<632x128xf32, #tpu.memory_space<hbm>>) target(%dma_start3A_15 : memref<632x128xf32, #tpu.memory_space<vmem_shared>>) target_semaphore(%run_scoped3A : memref<!tpu.dma_semaphore, #tpu.memory_space<semaphore_mem>>)
      %dma_wait3A = arith.constant 0 : i32
      %dma_wait3A_16 = tpu.memref_slice %arg10[%mul3A_2, %dma_wait3A] : memref<10112x128xf32, #tpu.memory_space<vmem_shared>> -> memref<632x128xf32, #tpu.memory_space<vmem_shared>>
      tpu.wait_dma2 semaphore(%run_scoped3A : memref<!tpu.dma_semaphore, #tpu.memory_space<semaphore_mem>>) src(%arg5 : memref<632x128xf32, #tpu.memory_space<hbm>>) dst(%dma_wait3A_16 : memref<632x128xf32, #tpu.memory_space<vmem_shared>>)
      tpu.yield
    }) : () -> ()
    %barrier3A = arith.constant 0 : index
    tpu.barrier barrier_id(%barrier3A)
    %scan3A = arith.constant 0 : i32
    %scan3A_3 = arith.constant 0 : i32
    %scan3A_4 = arith.constant 79 : i32
    %scan3A_5 = arith.addi %scan3A_3, %scan3A_4 : i32
    %scan3A_6 = arith.constant 1 : i32
    scf.for %scan3A_15 = %scan3A_3 to %scan3A_5 step %scan3A_6  : i32 {
      %dma_start3A = arith.constant 0 : i32
      %dma_start3A_16 = tpu.memref_slice %arg7[%scan3A_15, %dma_start3A] : memref<79x128xi32, #tpu.memory_space<vmem>> -> memref<1x128xi32, #tpu.memory_space<vmem>>
      %dma_start3A_17 = tpu.memref_squeeze %dma_start3A_16 : memref<1x128xi32, #tpu.memory_space<vmem>> -> memref<128xi32, #tpu.memory_space<vmem>>
      %dma_start3A_18 = arith.constant 0 : i32
      %dma_start3A_19 = arith.constant 0 : i32
      %dma_start3A_20 = tpu.memref_slice %arg2[%dma_start3A_18, %dma_start3A_19] : memref<40000x128xf32, #tpu.memory_space<hbm>> -> memref<40000x128xf32, #tpu.memory_space<hbm>>
      tpu.enqueue_indirect_dma source(%dma_start3A_20 : memref<40000x128xf32, #tpu.memory_space<hbm>>) target(%arg9 : memref<128x128xf32, #tpu.memory_space<vmem>>) offsets(%dma_start3A_17 : memref<128xi32, #tpu.memory_space<vmem>>) semaphore(%arg11 : memref<!tpu.dma_semaphore, #tpu.memory_space<semaphore_mem>>)
      %dma_wait3A = arith.constant 0 : i32
      %dma_wait3A_21 = tpu.memref_slice %arg7[%scan3A_15, %dma_wait3A] : memref<79x128xi32, #tpu.memory_space<vmem>> -> memref<1x128xi32, #tpu.memory_space<vmem>>
      %dma_wait3A_22 = tpu.memref_squeeze %dma_wait3A_21 : memref<1x128xi32, #tpu.memory_space<vmem>> -> memref<128xi32, #tpu.memory_space<vmem>>
      %dma_wait3A_23 = arith.constant 0 : i32
      %dma_wait3A_24 = arith.constant 0 : i32
      %dma_wait3A_25 = tpu.memref_slice %arg2[%dma_wait3A_23, %dma_wait3A_24] : memref<40000x128xf32, #tpu.memory_space<hbm>> -> memref<40000x128xf32, #tpu.memory_space<hbm>>
      tpu.wait_indirect_dma semaphore(%arg11 : memref<!tpu.dma_semaphore, #tpu.memory_space<semaphore_mem>>) src(%dma_wait3A_25 : memref<40000x128xf32, #tpu.memory_space<hbm>>) dst(%arg9 : memref<128x128xf32, #tpu.memory_space<vmem>>)
      "tpu.region"() ({
        %run_scoped3A = tpu.sem_alloc : memref<!tpu.dma_semaphore, #tpu.memory_space<semaphore_mem>>
        %dma_start3A_26 = arith.constant 0 : i32
        %dma_start3A_27 = tpu.memref_slice %arg8[%scan3A_15, %dma_start3A_26] : memref<79x128xi32, #tpu.memory_space<vmem>> -> memref<1x128xi32, #tpu.memory_space<vmem>>
        %dma_start3A_28 = tpu.memref_squeeze %dma_start3A_27 : memref<1x128xi32, #tpu.memory_space<vmem>> -> memref<128xi32, #tpu.memory_space<vmem>>
        %dma_start3A_29 = arith.constant 0 : i32
        %dma_start3A_30 = arith.constant 0 : i32
        %dma_start3A_31 = tpu.memref_slice %arg10[%dma_start3A_29, %dma_start3A_30] : memref<10112x128xf32, #tpu.memory_space<vmem_shared>> -> memref<10112x128xf32, #tpu.memory_space<vmem_shared>>
        tpu.enqueue_indirect_dma source(%arg9 : memref<128x128xf32, #tpu.memory_space<vmem>>) target(%dma_start3A_31 : memref<10112x128xf32, #tpu.memory_space<vmem_shared>>) offsets(%dma_start3A_28 : memref<128xi32, #tpu.memory_space<vmem>>) semaphore(%run_scoped3A : memref<!tpu.dma_semaphore, #tpu.memory_space<semaphore_mem>>) {add = true}
        %dma_wait3A_32 = arith.constant 0 : i32
        %dma_wait3A_33 = tpu.memref_slice %arg8[%scan3A_15, %dma_wait3A_32] : memref<79x128xi32, #tpu.memory_space<vmem>> -> memref<1x128xi32, #tpu.memory_space<vmem>>
        %dma_wait3A_34 = tpu.memref_squeeze %dma_wait3A_33 : memref<1x128xi32, #tpu.memory_space<vmem>> -> memref<128xi32, #tpu.memory_space<vmem>>
        %dma_wait3A_35 = arith.constant 0 : i32
        %dma_wait3A_36 = arith.constant 0 : i32
        %dma_wait3A_37 = tpu.memref_slice %arg10[%dma_wait3A_35, %dma_wait3A_36] : memref<10112x128xf32, #tpu.memory_space<vmem_shared>> -> memref<10112x128xf32, #tpu.memory_space<vmem_shared>>
        tpu.wait_indirect_dma semaphore(%run_scoped3A : memref<!tpu.dma_semaphore, #tpu.memory_space<semaphore_mem>>) src(%arg9 : memref<128x128xf32, #tpu.memory_space<vmem>>) dst(%dma_wait3A_37 : memref<10112x128xf32, #tpu.memory_space<vmem_shared>>)
        tpu.yield
      }) : () -> ()
    }
    %scan3A_7 = arith.constant 79 : i32
    %barrier3A_8 = arith.constant 0 : index
    tpu.barrier barrier_id(%barrier3A_8)
    %lt3A = arith.constant 15 : i32
    %lt3A_9 = arith.cmpi slt, %arg1, %lt3A : i32
    %convert_element_type3A = arith.extui %lt3A_9 : i1 to i32
    %cond3A = arith.constant 0 : i32
    %cond3A_10 = arith.cmpi ne, %convert_element_type3A, %cond3A : i32
    scf.if %cond3A_10 {
      %mul3A_15 = arith.constant 632 : i32
      %mul3A_16 = arith.muli %arg1, %mul3A_15 : i32
      %mul3A_17 = arith.constant 632 : i32
      %mul3A_18 = arith.muli %arg1, %mul3A_17 : i32
      "tpu.region"() ({
        %run_scoped3A = tpu.sem_alloc : memref<!tpu.dma_semaphore, #tpu.memory_space<semaphore_mem>>
        %dma_start3A = arith.constant 0 : i32
        %dma_start3A_19 = tpu.memref_slice %arg6[%arg0, %mul3A_18, %dma_start3A] : memref<2x10000x128xf32, #tpu.memory_space<hbm>> -> memref<1x632x128xf32, #tpu.memory_space<hbm>>
        %dma_start3A_20 = tpu.memref_squeeze %dma_start3A_19 : memref<1x632x128xf32, #tpu.memory_space<hbm>> -> memref<632x128xf32, #tpu.memory_space<hbm>>
        %dma_start3A_21 = arith.constant 0 : i32
        %dma_start3A_22 = tpu.memref_slice %arg10[%mul3A_16, %dma_start3A_21] : memref<10112x128xf32, #tpu.memory_space<vmem_shared>> -> memref<632x128xf32, #tpu.memory_space<vmem_shared>>
        tpu.enqueue_dma source(%dma_start3A_22 : memref<632x128xf32, #tpu.memory_space<vmem_shared>>) target(%dma_start3A_20 : memref<632x128xf32, #tpu.memory_space<hbm>>) target_semaphore(%run_scoped3A : memref<!tpu.dma_semaphore, #tpu.memory_space<semaphore_mem>>)
        %dma_wait3A = arith.constant 0 : i32
        %dma_wait3A_23 = tpu.memref_slice %arg6[%arg0, %mul3A_18, %dma_wait3A] : memref<2x10000x128xf32, #tpu.memory_space<hbm>> -> memref<1x632x128xf32, #tpu.memory_space<hbm>>
        %dma_wait3A_24 = tpu.memref_squeeze %dma_wait3A_23 : memref<1x632x128xf32, #tpu.memory_space<hbm>> -> memref<632x128xf32, #tpu.memory_space<hbm>>
        %dma_wait3A_25 = arith.constant 0 : i32
        %dma_wait3A_26 = tpu.memref_slice %arg10[%mul3A_16, %dma_wait3A_25] : memref<10112x128xf32, #tpu.memory_space<vmem_shared>> -> memref<632x128xf32, #tpu.memory_space<vmem_shared>>
        tpu.wait_dma2 semaphore(%run_scoped3A : memref<!tpu.dma_semaphore, #tpu.memory_space<semaphore_mem>>) src(%dma_wait3A_26 : memref<632x128xf32, #tpu.memory_space<vmem_shared>>) dst(%dma_wait3A_24 : memref<632x128xf32, #tpu.memory_space<hbm>>)
        tpu.yield
      }) : () -> ()
    } else {
    }
    %eq3A = arith.constant 15 : i32
    %eq3A_11 = arith.cmpi eq, %arg1, %eq3A : i32
    %convert_element_type3A_12 = arith.extui %eq3A_11 : i1 to i32
    %cond3A_13 = arith.constant 0 : i32
    %cond3A_14 = arith.cmpi ne, %convert_element_type3A_12, %cond3A_13 : i32
    scf.if %cond3A_14 {
      "tpu.region"() ({
        %run_scoped3A = tpu.sem_alloc : memref<!tpu.dma_semaphore, #tpu.memory_space<semaphore_mem>>
        %dma_start3A = arith.constant 9480 : i32
        %dma_start3A_15 = arith.constant 0 : i32
        %dma_start3A_16 = tpu.memref_slice %arg6[%arg0, %dma_start3A, %dma_start3A_15] : memref<2x10000x128xf32, #tpu.memory_space<hbm>> -> memref<1x520x128xf32, #tpu.memory_space<hbm>>
        %dma_start3A_17 = tpu.memref_squeeze %dma_start3A_16 : memref<1x520x128xf32, #tpu.memory_space<hbm>> -> memref<520x128xf32, #tpu.memory_space<hbm>>
        %dma_start3A_18 = arith.constant 9480 : i32
        %dma_start3A_19 = arith.constant 0 : i32
        %dma_start3A_20 = tpu.memref_slice %arg10[%dma_start3A_18, %dma_start3A_19] : memref<10112x128xf32, #tpu.memory_space<vmem_shared>> -> memref<520x128xf32, #tpu.memory_space<vmem_shared>>
        tpu.enqueue_dma source(%dma_start3A_20 : memref<520x128xf32, #tpu.memory_space<vmem_shared>>) target(%dma_start3A_17 : memref<520x128xf32, #tpu.memory_space<hbm>>) target_semaphore(%run_scoped3A : memref<!tpu.dma_semaphore, #tpu.memory_space<semaphore_mem>>)
        %dma_wait3A = arith.constant 9480 : i32
        %dma_wait3A_21 = arith.constant 0 : i32
        %dma_wait3A_22 = tpu.memref_slice %arg6[%arg0, %dma_wait3A, %dma_wait3A_21] : memref<2x10000x128xf32, #tpu.memory_space<hbm>> -> memref<1x520x128xf32, #tpu.memory_space<hbm>>
        %dma_wait3A_23 = tpu.memref_squeeze %dma_wait3A_22 : memref<1x520x128xf32, #tpu.memory_space<hbm>> -> memref<520x128xf32, #tpu.memory_space<hbm>>
        %dma_wait3A_24 = arith.constant 9480 : i32
        %dma_wait3A_25 = arith.constant 0 : i32
        %dma_wait3A_26 = tpu.memref_slice %arg10[%dma_wait3A_24, %dma_wait3A_25] : memref<10112x128xf32, #tpu.memory_space<vmem_shared>> -> memref<520x128xf32, #tpu.memory_space<vmem_shared>>
        tpu.wait_dma2 semaphore(%run_scoped3A : memref<!tpu.dma_semaphore, #tpu.memory_space<semaphore_mem>>) src(%dma_wait3A_26 : memref<520x128xf32, #tpu.memory_space<vmem_shared>>) dst(%dma_wait3A_23 : memref<520x128xf32, #tpu.memory_space<hbm>>)
        tpu.yield
      }) : () -> ()
    } else {
    }
    return
  }
}

module attributes {stable_mosaic.version = 14 : i64} {
  func.func @_wh_body(%arg0: i32, %arg1: memref<1000x128xf32, #tpu.memory_space<vmem>>, %arg2: memref<128x512xf32, #tpu.memory_space<vmem>>, %arg3: memref<1x512xf32, #tpu.memory_space<vmem>>, %arg4: memref<1000x512xf32, #tpu.memory_space<vmem>>) attributes {dimension_semantics = [#tpu.dimension_semantics<arbitrary>], iteration_bounds = array<i64: 10>, scalar_prefetch = 0 : i64, scratch_operands = 0 : i64, tpu.core_type = #tpu.core_type<tc>, window_params = [{transform_indices = @transform_0, window_bounds = array<i64: 1000, 128>}, {pipeline_mode = #tpu.pipeline_mode<synchronous>, transform_indices = @transform_1, window_bounds = array<i64: 128, 512>}, {pipeline_mode = #tpu.pipeline_mode<synchronous>, transform_indices = @transform_2, window_bounds = array<i64: 1, 512>}, {transform_indices = @transform_3, window_bounds = array<i64: 1000, 512>}]} {
    %get3A = arith.constant 0 : index
    %get3A_0 = arith.constant 0 : index
    %get3A_1 = vector.load %arg1[%get3A, %get3A_0] : memref<1000x128xf32, #tpu.memory_space<vmem>>, vector<1000x128xf32>
    %get3A_2 = arith.constant 0 : index
    %get3A_3 = arith.constant 0 : index
    %get3A_4 = vector.load %arg2[%get3A_2, %get3A_3] : memref<128x512xf32, #tpu.memory_space<vmem>>, vector<128x512xf32>
    %dot_general3A = arith.constant dense<0.000000e+00> : vector<1000x512xf32>
    %dot_general3A_5 = tpu.matmul %get3A_1, %get3A_4, %dot_general3A {dimension_numbers = #tpu.dot_dimension_numbers<[1], [0], [0], [1], [0, 0, 1, 1], [], []>, transpose_lhs_hint = false} : vector<1000x128xf32>, vector<128x512xf32>, vector<1000x512xf32> -> vector<1000x512xf32>
    %get3A_6 = arith.constant 0 : index
    %get3A_7 = arith.constant 0 : index
    %get3A_8 = vector.load %arg3[%get3A_6, %get3A_7] : memref<1x512xf32, #tpu.memory_space<vmem>>, vector<1x512xf32>
    %add3A = vector.broadcast %get3A_8 : vector<1x512xf32> to vector<1000x512xf32>
    %add3A_9 = arith.addf %dot_general3A_5, %add3A : vector<1000x512xf32>
    %swap3A = arith.constant 0 : index
    %swap3A_10 = arith.constant 0 : index
    %swap3A_11 = vector.load %arg4[%swap3A, %swap3A_10] : memref<1000x512xf32, #tpu.memory_space<vmem>>, vector<1000x512xf32>
    tpu.vector_store %arg4[%swap3A, %swap3A_10], %add3A_9 {strides = array<i32>} : memref<1000x512xf32, #tpu.memory_space<vmem>>, vector<1000x512xf32>,
    return
  }
  func.func @transform_0(%arg0: i32) -> (i32, i32) {
    %c0_i32 = arith.constant 0 : i32
    %c0_i32_0 = arith.constant 0 : i32
    return %arg0, %c0_i32 : i32, i32
  }
  func.func @transform_1(%arg0: i32) -> (i32, i32) {
    %c0_i32 = arith.constant 0 : i32
    %c0_i32_0 = arith.constant 0 : i32
    %c0_i32_1 = arith.constant 0 : i32
    return %c0_i32, %c0_i32_0 : i32, i32
  }
  func.func @transform_2(%arg0: i32) -> (i32, i32) {
    %c0_i32 = arith.constant 0 : i32
    %c0_i32_0 = arith.constant 0 : i32
    %c0_i32_1 = arith.constant 0 : i32
    return %c0_i32, %c0_i32_0 : i32, i32
  }
  func.func @transform_3(%arg0: i32) -> (i32, i32) {
    %c0_i32 = arith.constant 0 : i32
    %c0_i32_0 = arith.constant 0 : i32
    return %arg0, %c0_i32 : i32, i32
  }
}

module attributes {stable_mosaic.version = 14 : i64} {
  func.func @_gruwh_body(%arg0: i32, %arg1: memref<1000x128xf32, #tpu.memory_space<vmem>>, %arg2: memref<2x1000x128xf32, #tpu.memory_space<vmem>>, %arg3: memref<128x384xf32, #tpu.memory_space<vmem>>, %arg4: memref<128x384xf32, #tpu.memory_space<vmem>>, %arg5: memref<1x384xf32, #tpu.memory_space<vmem>>, %arg6: memref<1x384xf32, #tpu.memory_space<vmem>>, %arg7: memref<128x512xf32, #tpu.memory_space<vmem>>, %arg8: memref<1x512xf32, #tpu.memory_space<vmem>>, %arg9: memref<1000x128xf32, #tpu.memory_space<vmem>>, %arg10: memref<1000x512xf32, #tpu.memory_space<vmem>>) attributes {dimension_semantics = [#tpu.dimension_semantics<arbitrary>], iteration_bounds = array<i64: 10>, scalar_prefetch = 0 : i64, scratch_operands = 0 : i64, tpu.core_type = #tpu.core_type<tc>, window_params = [{transform_indices = @transform_0, window_bounds = array<i64: 1000, 128>}, {transform_indices = @transform_1, window_bounds = array<i64: 2, 1000, 128>}, {pipeline_mode = #tpu.pipeline_mode<synchronous>, transform_indices = @transform_2, window_bounds = array<i64: 128, 384>}, {pipeline_mode = #tpu.pipeline_mode<synchronous>, transform_indices = @transform_3, window_bounds = array<i64: 128, 384>}, {pipeline_mode = #tpu.pipeline_mode<synchronous>, transform_indices = @transform_4, window_bounds = array<i64: 1, 384>}, {pipeline_mode = #tpu.pipeline_mode<synchronous>, transform_indices = @transform_5, window_bounds = array<i64: 1, 384>}, {pipeline_mode = #tpu.pipeline_mode<synchronous>, transform_indices = @transform_6, window_bounds = array<i64: 128, 512>}, {pipeline_mode = #tpu.pipeline_mode<synchronous>, transform_indices = @transform_7, window_bounds = array<i64: 1, 512>}, {transform_indices = @transform_8, window_bounds = array<i64: 1000, 128>}, {transform_indices = @transform_9, window_bounds = array<i64: 1000, 512>}]} {
    %get3A = arith.constant 0 : index
    %get3A_0 = arith.constant 0 : index
    %get3A_1 = vector.load %arg1[%get3A, %get3A_0] : memref<1000x128xf32, #tpu.memory_space<vmem>>, vector<1000x128xf32>
    %get3A_2 = arith.constant 0 : index
    %get3A_3 = arith.constant 0 : index
    %get3A_4 = arith.constant 0 : index
    %get3A_5 = vector.load %arg2[%get3A_2, %get3A_3, %get3A_4] : memref<2x1000x128xf32, #tpu.memory_space<vmem>>, vector<2x1000x128xf32>
    %slice3A = vector.extract_strided_slice %get3A_5 {offsets = [0, 0, 0], sizes = [1, 1000, 128], strides = [1, 1, 1]} : vector<2x1000x128xf32> to vector<1x1000x128xf32>
    %squeeze3A = vector.shape_cast %slice3A : vector<1x1000x128xf32> to vector<1000x128xf32>
    %slice3A_6 = vector.extract_strided_slice %get3A_5 {offsets = [1, 0, 0], sizes = [1, 1000, 128], strides = [1, 1, 1]} : vector<2x1000x128xf32> to vector<1x1000x128xf32>
    %squeeze3A_7 = vector.shape_cast %slice3A_6 : vector<1x1000x128xf32> to vector<1000x128xf32>
    %add3A = arith.addf %squeeze3A, %squeeze3A_7 : vector<1000x128xf32>
    %get3A_8 = arith.constant 0 : index
    %get3A_9 = arith.constant 0 : index
    %get3A_10 = vector.load %arg3[%get3A_8, %get3A_9] : memref<128x384xf32, #tpu.memory_space<vmem>>, vector<128x384xf32>
    %dot_general3A = arith.constant dense<0.000000e+00> : vector<1000x384xf32>
    %dot_general3A_11 = tpu.matmul %add3A, %get3A_10, %dot_general3A {dimension_numbers = #tpu.dot_dimension_numbers<[1], [0], [0], [1], [0, 0, 1, 1], [], []>, transpose_lhs_hint = false} : vector<1000x128xf32>, vector<128x384xf32>, vector<1000x384xf32> -> vector<1000x384xf32>
    %get3A_12 = arith.constant 0 : index
    %get3A_13 = arith.constant 0 : index
    %get3A_14 = vector.load %arg5[%get3A_12, %get3A_13] : memref<1x384xf32, #tpu.memory_space<vmem>>, vector<1x384xf32>
    %add3A_15 = vector.broadcast %get3A_14 : vector<1x384xf32> to vector<1000x384xf32>
    %add3A_16 = arith.addf %dot_general3A_11, %add3A_15 : vector<1000x384xf32>
    %get3A_17 = arith.constant 0 : index
    %get3A_18 = arith.constant 0 : index
    %get3A_19 = vector.load %arg4[%get3A_17, %get3A_18] : memref<128x384xf32, #tpu.memory_space<vmem>>, vector<128x384xf32>
    %dot_general3A_20 = arith.constant dense<0.000000e+00> : vector<1000x384xf32>
    %dot_general3A_21 = tpu.matmul %get3A_1, %get3A_19, %dot_general3A_20 {dimension_numbers = #tpu.dot_dimension_numbers<[1], [0], [0], [1], [0, 0, 1, 1], [], []>, transpose_lhs_hint = false} : vector<1000x128xf32>, vector<128x384xf32>, vector<1000x384xf32> -> vector<1000x384xf32>
    %get3A_22 = arith.constant 0 : index
    %get3A_23 = arith.constant 0 : index
    %get3A_24 = vector.load %arg6[%get3A_22, %get3A_23] : memref<1x384xf32, #tpu.memory_space<vmem>>, vector<1x384xf32>
    %add3A_25 = vector.broadcast %get3A_24 : vector<1x384xf32> to vector<1000x384xf32>
    %add3A_26 = arith.addf %dot_general3A_21, %add3A_25 : vector<1000x384xf32>
    %slice3A_27 = vector.extract_strided_slice %add3A_16 {offsets = [0, 0], sizes = [1000, 128], strides = [1, 1]} : vector<1000x384xf32> to vector<1000x128xf32>
    %slice3A_28 = vector.extract_strided_slice %add3A_26 {offsets = [0, 0], sizes = [1000, 128], strides = [1, 1]} : vector<1000x384xf32> to vector<1000x128xf32>
    %add3A_29 = arith.addf %slice3A_27, %slice3A_28 : vector<1000x128xf32>
    %logistic3A = arith.negf %add3A_29 : vector<1000x128xf32>
    %logistic3A_30 = math.exp %logistic3A : vector<1000x128xf32>
    %logistic3A_31 = arith.constant 1.000000e+00 : f32
    %logistic3A_32 = vector.broadcast %logistic3A_31 : f32 to vector<1000x128xf32>
    %logistic3A_33 = arith.addf %logistic3A_32, %logistic3A_30 : vector<1000x128xf32>
    %logistic3A_34 = arith.divf %logistic3A_32, %logistic3A_33 : vector<1000x128xf32>
    %slice3A_35 = vector.extract_strided_slice %add3A_16 {offsets = [0, 128], sizes = [1000, 128], strides = [1, 1]} : vector<1000x384xf32> to vector<1000x128xf32>
    %slice3A_36 = vector.extract_strided_slice %add3A_26 {offsets = [0, 128], sizes = [1000, 128], strides = [1, 1]} : vector<1000x384xf32> to vector<1000x128xf32>
    %add3A_37 = arith.addf %slice3A_35, %slice3A_36 : vector<1000x128xf32>
    %logistic3A_38 = arith.negf %add3A_37 : vector<1000x128xf32>
    %logistic3A_39 = math.exp %logistic3A_38 : vector<1000x128xf32>
    %logistic3A_40 = arith.constant 1.000000e+00 : f32
    %logistic3A_41 = vector.broadcast %logistic3A_40 : f32 to vector<1000x128xf32>
    %logistic3A_42 = arith.addf %logistic3A_41, %logistic3A_39 : vector<1000x128xf32>
    %logistic3A_43 = arith.divf %logistic3A_41, %logistic3A_42 : vector<1000x128xf32>
    %slice3A_44 = vector.extract_strided_slice %add3A_16 {offsets = [0, 256], sizes = [1000, 128], strides = [1, 1]} : vector<1000x384xf32> to vector<1000x128xf32>
    %slice3A_45 = vector.extract_strided_slice %add3A_26 {offsets = [0, 256], sizes = [1000, 128], strides = [1, 1]} : vector<1000x384xf32> to vector<1000x128xf32>
    %mul3A = arith.mulf %logistic3A_34, %slice3A_45 : vector<1000x128xf32>
    %add3A_46 = arith.addf %slice3A_44, %mul3A : vector<1000x128xf32>
    %tanh3A = math.tanh %add3A_46 : vector<1000x128xf32>
    %sub3A = arith.constant 1.000000e+00 : f32
    %sub3A_47 = vector.broadcast %sub3A : f32 to vector<1000x128xf32>
    %sub3A_48 = arith.subf %sub3A_47, %logistic3A_43 : vector<1000x128xf32>
    %mul3A_49 = arith.mulf %sub3A_48, %tanh3A : vector<1000x128xf32>
    %mul3A_50 = arith.mulf %logistic3A_43, %get3A_1 : vector<1000x128xf32>
    %add3A_51 = arith.addf %mul3A_49, %mul3A_50 : vector<1000x128xf32>
    %swap3A = arith.constant 0 : index
    %swap3A_52 = arith.constant 0 : index
    %swap3A_53 = vector.load %arg9[%swap3A, %swap3A_52] : memref<1000x128xf32, #tpu.memory_space<vmem>>, vector<1000x128xf32>
    tpu.vector_store %arg9[%swap3A, %swap3A_52], %add3A_51 {strides = array<i32>} : memref<1000x128xf32, #tpu.memory_space<vmem>>, vector<1000x128xf32>,
    %get3A_54 = arith.constant 0 : index
    %get3A_55 = arith.constant 0 : index
    %get3A_56 = vector.load %arg7[%get3A_54, %get3A_55] : memref<128x512xf32, #tpu.memory_space<vmem>>, vector<128x512xf32>
    %dot_general3A_57 = arith.constant dense<0.000000e+00> : vector<1000x512xf32>
    %dot_general3A_58 = tpu.matmul %add3A_51, %get3A_56, %dot_general3A_57 {dimension_numbers = #tpu.dot_dimension_numbers<[1], [0], [0], [1], [0, 0, 1, 1], [], []>, transpose_lhs_hint = false} : vector<1000x128xf32>, vector<128x512xf32>, vector<1000x512xf32> -> vector<1000x512xf32>
    %get3A_59 = arith.constant 0 : index
    %get3A_60 = arith.constant 0 : index
    %get3A_61 = vector.load %arg8[%get3A_59, %get3A_60] : memref<1x512xf32, #tpu.memory_space<vmem>>, vector<1x512xf32>
    %add3A_62 = vector.broadcast %get3A_61 : vector<1x512xf32> to vector<1000x512xf32>
    %add3A_63 = arith.addf %dot_general3A_58, %add3A_62 : vector<1000x512xf32>
    %swap3A_64 = arith.constant 0 : index
    %swap3A_65 = arith.constant 0 : index
    %swap3A_66 = vector.load %arg10[%swap3A_64, %swap3A_65] : memref<1000x512xf32, #tpu.memory_space<vmem>>, vector<1000x512xf32>
    tpu.vector_store %arg10[%swap3A_64, %swap3A_65], %add3A_63 {strides = array<i32>} : memref<1000x512xf32, #tpu.memory_space<vmem>>, vector<1000x512xf32>,
    return
  }
  func.func @transform_0(%arg0: i32) -> (i32, i32) {
    %c0_i32 = arith.constant 0 : i32
    %c0_i32_0 = arith.constant 0 : i32
    return %arg0, %c0_i32 : i32, i32
  }
  func.func @transform_1(%arg0: i32) -> (i32, i32, i32) {
    %c0_i32 = arith.constant 0 : i32
    %c0_i32_0 = arith.constant 0 : i32
    %c0_i32_1 = arith.constant 0 : i32
    return %c0_i32, %arg0, %c0_i32_0 : i32, i32, i32
  }
  func.func @transform_2(%arg0: i32) -> (i32, i32) {
    %c0_i32 = arith.constant 0 : i32
    %c0_i32_0 = arith.constant 0 : i32
    %c0_i32_1 = arith.constant 0 : i32
    return %c0_i32, %c0_i32_0 : i32, i32
  }
  func.func @transform_3(%arg0: i32) -> (i32, i32) {
    %c0_i32 = arith.constant 0 : i32
    %c0_i32_0 = arith.constant 0 : i32
    %c0_i32_1 = arith.constant 0 : i32
    return %c0_i32, %c0_i32_0 : i32, i32
  }
  func.func @transform_4(%arg0: i32) -> (i32, i32) {
    %c0_i32 = arith.constant 0 : i32
    %c0_i32_0 = arith.constant 0 : i32
    %c0_i32_1 = arith.constant 0 : i32
    return %c0_i32, %c0_i32_0 : i32, i32
  }
  func.func @transform_5(%arg0: i32) -> (i32, i32) {
    %c0_i32 = arith.constant 0 : i32
    %c0_i32_0 = arith.constant 0 : i32
    %c0_i32_1 = arith.constant 0 : i32
    return %c0_i32, %c0_i32_0 : i32, i32
  }
  func.func @transform_6(%arg0: i32) -> (i32, i32) {
    %c0_i32 = arith.constant 0 : i32
    %c0_i32_0 = arith.constant 0 : i32
    %c0_i32_1 = arith.constant 0 : i32
    return %c0_i32, %c0_i32_0 : i32, i32
  }
  func.func @transform_7(%arg0: i32) -> (i32, i32) {
    %c0_i32 = arith.constant 0 : i32
    %c0_i32_0 = arith.constant 0 : i32
    %c0_i32_1 = arith.constant 0 : i32
    return %c0_i32, %c0_i32_0 : i32, i32
  }
  func.func @transform_8(%arg0: i32) -> (i32, i32) {
    %c0_i32 = arith.constant 0 : i32
    %c0_i32_0 = arith.constant 0 : i32
    return %arg0, %c0_i32 : i32, i32
  }
  func.func @transform_9(%arg0: i32) -> (i32, i32) {
    %c0_i32 = arith.constant 0 : i32
    %c0_i32_0 = arith.constant 0 : i32
    return %arg0, %c0_i32 : i32, i32
  }
}

module attributes {stable_mosaic.version = 14 : i64} {
  func.func @_gru_body(%arg0: i32, %arg1: memref<1000x128xf32, #tpu.memory_space<vmem>>, %arg2: memref<2x1000x128xf32, #tpu.memory_space<vmem>>, %arg3: memref<128x384xf32, #tpu.memory_space<vmem>>, %arg4: memref<128x384xf32, #tpu.memory_space<vmem>>, %arg5: memref<1x384xf32, #tpu.memory_space<vmem>>, %arg6: memref<1x384xf32, #tpu.memory_space<vmem>>, %arg7: memref<1000x128xf32, #tpu.memory_space<vmem>>) attributes {dimension_semantics = [#tpu.dimension_semantics<arbitrary>], iteration_bounds = array<i64: 10>, scalar_prefetch = 0 : i64, scratch_operands = 0 : i64, tpu.core_type = #tpu.core_type<tc>, window_params = [{transform_indices = @transform_0, window_bounds = array<i64: 1000, 128>}, {transform_indices = @transform_1, window_bounds = array<i64: 2, 1000, 128>}, {pipeline_mode = #tpu.pipeline_mode<synchronous>, transform_indices = @transform_2, window_bounds = array<i64: 128, 384>}, {pipeline_mode = #tpu.pipeline_mode<synchronous>, transform_indices = @transform_3, window_bounds = array<i64: 128, 384>}, {pipeline_mode = #tpu.pipeline_mode<synchronous>, transform_indices = @transform_4, window_bounds = array<i64: 1, 384>}, {pipeline_mode = #tpu.pipeline_mode<synchronous>, transform_indices = @transform_5, window_bounds = array<i64: 1, 384>}, {transform_indices = @transform_6, window_bounds = array<i64: 1000, 128>}]} {
    %get3A = arith.constant 0 : index
    %get3A_0 = arith.constant 0 : index
    %get3A_1 = vector.load %arg1[%get3A, %get3A_0] : memref<1000x128xf32, #tpu.memory_space<vmem>>, vector<1000x128xf32>
    %get3A_2 = arith.constant 0 : index
    %get3A_3 = arith.constant 0 : index
    %get3A_4 = arith.constant 0 : index
    %get3A_5 = vector.load %arg2[%get3A_2, %get3A_3, %get3A_4] : memref<2x1000x128xf32, #tpu.memory_space<vmem>>, vector<2x1000x128xf32>
    %slice3A = vector.extract_strided_slice %get3A_5 {offsets = [0, 0, 0], sizes = [1, 1000, 128], strides = [1, 1, 1]} : vector<2x1000x128xf32> to vector<1x1000x128xf32>
    %squeeze3A = vector.shape_cast %slice3A : vector<1x1000x128xf32> to vector<1000x128xf32>
    %slice3A_6 = vector.extract_strided_slice %get3A_5 {offsets = [1, 0, 0], sizes = [1, 1000, 128], strides = [1, 1, 1]} : vector<2x1000x128xf32> to vector<1x1000x128xf32>
    %squeeze3A_7 = vector.shape_cast %slice3A_6 : vector<1x1000x128xf32> to vector<1000x128xf32>
    %add3A = arith.addf %squeeze3A, %squeeze3A_7 : vector<1000x128xf32>
    %get3A_8 = arith.constant 0 : index
    %get3A_9 = arith.constant 0 : index
    %get3A_10 = vector.load %arg3[%get3A_8, %get3A_9] : memref<128x384xf32, #tpu.memory_space<vmem>>, vector<128x384xf32>
    %dot_general3A = arith.constant dense<0.000000e+00> : vector<1000x384xf32>
    %dot_general3A_11 = tpu.matmul %add3A, %get3A_10, %dot_general3A {dimension_numbers = #tpu.dot_dimension_numbers<[1], [0], [0], [1], [0, 0, 1, 1], [], []>, transpose_lhs_hint = false} : vector<1000x128xf32>, vector<128x384xf32>, vector<1000x384xf32> -> vector<1000x384xf32>
    %get3A_12 = arith.constant 0 : index
    %get3A_13 = arith.constant 0 : index
    %get3A_14 = vector.load %arg5[%get3A_12, %get3A_13] : memref<1x384xf32, #tpu.memory_space<vmem>>, vector<1x384xf32>
    %add3A_15 = vector.broadcast %get3A_14 : vector<1x384xf32> to vector<1000x384xf32>
    %add3A_16 = arith.addf %dot_general3A_11, %add3A_15 : vector<1000x384xf32>
    %get3A_17 = arith.constant 0 : index
    %get3A_18 = arith.constant 0 : index
    %get3A_19 = vector.load %arg4[%get3A_17, %get3A_18] : memref<128x384xf32, #tpu.memory_space<vmem>>, vector<128x384xf32>
    %dot_general3A_20 = arith.constant dense<0.000000e+00> : vector<1000x384xf32>
    %dot_general3A_21 = tpu.matmul %get3A_1, %get3A_19, %dot_general3A_20 {dimension_numbers = #tpu.dot_dimension_numbers<[1], [0], [0], [1], [0, 0, 1, 1], [], []>, transpose_lhs_hint = false} : vector<1000x128xf32>, vector<128x384xf32>, vector<1000x384xf32> -> vector<1000x384xf32>
    %get3A_22 = arith.constant 0 : index
    %get3A_23 = arith.constant 0 : index
    %get3A_24 = vector.load %arg6[%get3A_22, %get3A_23] : memref<1x384xf32, #tpu.memory_space<vmem>>, vector<1x384xf32>
    %add3A_25 = vector.broadcast %get3A_24 : vector<1x384xf32> to vector<1000x384xf32>
    %add3A_26 = arith.addf %dot_general3A_21, %add3A_25 : vector<1000x384xf32>
    %slice3A_27 = vector.extract_strided_slice %add3A_16 {offsets = [0, 0], sizes = [1000, 128], strides = [1, 1]} : vector<1000x384xf32> to vector<1000x128xf32>
    %slice3A_28 = vector.extract_strided_slice %add3A_26 {offsets = [0, 0], sizes = [1000, 128], strides = [1, 1]} : vector<1000x384xf32> to vector<1000x128xf32>
    %add3A_29 = arith.addf %slice3A_27, %slice3A_28 : vector<1000x128xf32>
    %logistic3A = arith.negf %add3A_29 : vector<1000x128xf32>
    %logistic3A_30 = math.exp %logistic3A : vector<1000x128xf32>
    %logistic3A_31 = arith.constant 1.000000e+00 : f32
    %logistic3A_32 = vector.broadcast %logistic3A_31 : f32 to vector<1000x128xf32>
    %logistic3A_33 = arith.addf %logistic3A_32, %logistic3A_30 : vector<1000x128xf32>
    %logistic3A_34 = arith.divf %logistic3A_32, %logistic3A_33 : vector<1000x128xf32>
    %slice3A_35 = vector.extract_strided_slice %add3A_16 {offsets = [0, 128], sizes = [1000, 128], strides = [1, 1]} : vector<1000x384xf32> to vector<1000x128xf32>
    %slice3A_36 = vector.extract_strided_slice %add3A_26 {offsets = [0, 128], sizes = [1000, 128], strides = [1, 1]} : vector<1000x384xf32> to vector<1000x128xf32>
    %add3A_37 = arith.addf %slice3A_35, %slice3A_36 : vector<1000x128xf32>
    %logistic3A_38 = arith.negf %add3A_37 : vector<1000x128xf32>
    %logistic3A_39 = math.exp %logistic3A_38 : vector<1000x128xf32>
    %logistic3A_40 = arith.constant 1.000000e+00 : f32
    %logistic3A_41 = vector.broadcast %logistic3A_40 : f32 to vector<1000x128xf32>
    %logistic3A_42 = arith.addf %logistic3A_41, %logistic3A_39 : vector<1000x128xf32>
    %logistic3A_43 = arith.divf %logistic3A_41, %logistic3A_42 : vector<1000x128xf32>
    %slice3A_44 = vector.extract_strided_slice %add3A_16 {offsets = [0, 256], sizes = [1000, 128], strides = [1, 1]} : vector<1000x384xf32> to vector<1000x128xf32>
    %slice3A_45 = vector.extract_strided_slice %add3A_26 {offsets = [0, 256], sizes = [1000, 128], strides = [1, 1]} : vector<1000x384xf32> to vector<1000x128xf32>
    %mul3A = arith.mulf %logistic3A_34, %slice3A_45 : vector<1000x128xf32>
    %add3A_46 = arith.addf %slice3A_44, %mul3A : vector<1000x128xf32>
    %tanh3A = math.tanh %add3A_46 : vector<1000x128xf32>
    %sub3A = arith.constant 1.000000e+00 : f32
    %sub3A_47 = vector.broadcast %sub3A : f32 to vector<1000x128xf32>
    %sub3A_48 = arith.subf %sub3A_47, %logistic3A_43 : vector<1000x128xf32>
    %mul3A_49 = arith.mulf %sub3A_48, %tanh3A : vector<1000x128xf32>
    %mul3A_50 = arith.mulf %logistic3A_43, %get3A_1 : vector<1000x128xf32>
    %add3A_51 = arith.addf %mul3A_49, %mul3A_50 : vector<1000x128xf32>
    %swap3A = arith.constant 0 : index
    %swap3A_52 = arith.constant 0 : index
    %swap3A_53 = vector.load %arg7[%swap3A, %swap3A_52] : memref<1000x128xf32, #tpu.memory_space<vmem>>, vector<1000x128xf32>
    tpu.vector_store %arg7[%swap3A, %swap3A_52], %add3A_51 {strides = array<i32>} : memref<1000x128xf32, #tpu.memory_space<vmem>>, vector<1000x128xf32>,
    return
  }
  func.func @transform_0(%arg0: i32) -> (i32, i32) {
    %c0_i32 = arith.constant 0 : i32
    %c0_i32_0 = arith.constant 0 : i32
    return %arg0, %c0_i32 : i32, i32
  }
  func.func @transform_1(%arg0: i32) -> (i32, i32, i32) {
    %c0_i32 = arith.constant 0 : i32
    %c0_i32_0 = arith.constant 0 : i32
    %c0_i32_1 = arith.constant 0 : i32
    return %c0_i32, %arg0, %c0_i32_0 : i32, i32, i32
  }
  func.func @transform_2(%arg0: i32) -> (i32, i32) {
    %c0_i32 = arith.constant 0 : i32
    %c0_i32_0 = arith.constant 0 : i32
    %c0_i32_1 = arith.constant 0 : i32
    return %c0_i32, %c0_i32_0 : i32, i32
  }
  func.func @transform_3(%arg0: i32) -> (i32, i32) {
    %c0_i32 = arith.constant 0 : i32
    %c0_i32_0 = arith.constant 0 : i32
    %c0_i32_1 = arith.constant 0 : i32
    return %c0_i32, %c0_i32_0 : i32, i32
  }
  func.func @transform_4(%arg0: i32) -> (i32, i32) {
    %c0_i32 = arith.constant 0 : i32
    %c0_i32_0 = arith.constant 0 : i32
    %c0_i32_1 = arith.constant 0 : i32
    return %c0_i32, %c0_i32_0 : i32, i32
  }
  func.func @transform_5(%arg0: i32) -> (i32, i32) {
    %c0_i32 = arith.constant 0 : i32
    %c0_i32_0 = arith.constant 0 : i32
    %c0_i32_1 = arith.constant 0 : i32
    return %c0_i32, %c0_i32_0 : i32, i32
  }
  func.func @transform_6(%arg0: i32) -> (i32, i32) {
    %c0_i32 = arith.constant 0 : i32
    %c0_i32_0 = arith.constant 0 : i32
    return %arg0, %c0_i32 : i32, i32
  }
}

module attributes {stable_mosaic.version = 14 : i64} {
  func.func @_pool_body(%arg0: memref<10000x128xf32, #tpu.memory_space<vmem>>, %arg1: memref<10000x1xi32, #tpu.memory_space<vmem>>, %arg2: memref<128x256xf32, #tpu.memory_space<vmem>>, %arg3: memref<1x256xf32, #tpu.memory_space<vmem>>, %arg4: memref<256x1xf32, #tpu.memory_space<vmem>>, %arg5: memref<1x1xf32, #tpu.memory_space<vmem>>, %arg6: memref<16x1xf32, #tpu.memory_space<vmem>>) attributes {dimension_semantics = [], scalar_prefetch = 0 : i64, scratch_operands = 0 : i64, tpu.core_type = #tpu.core_type<tc>} {
    %get3A = arith.constant 0 : index
    %get3A_0 = arith.constant 0 : index
    %get3A_1 = vector.load %arg0[%get3A, %get3A_0] : memref<10000x128xf32, #tpu.memory_space<vmem>>, vector<10000x128xf32>
    %get3A_2 = arith.constant 0 : index
    %get3A_3 = arith.constant 0 : index
    %get3A_4 = vector.load %arg1[%get3A_2, %get3A_3] : memref<10000x1xi32, #tpu.memory_space<vmem>>, vector<10000x1xi32>
    %iota3A = tpu.iota {dimensions = array<i32: 1>} : vector<1x16xi32>
    %eq3A = vector.broadcast %get3A_4 : vector<10000x1xi32> to vector<10000x16xi32>
    %eq3A_5 = vector.broadcast %iota3A : vector<1x16xi32> to vector<10000x16xi32>
    %eq3A_6 = arith.cmpi eq, %eq3A, %eq3A_5 : vector<10000x16xi32>
    %convert_element_type3A = arith.extui %eq3A_6 : vector<10000x16xi1> to vector<10000x16xi32>
    %convert_element_type3A_7 = arith.sitofp %convert_element_type3A : vector<10000x16xi32> to vector<10000x16xf32>
    %dot_general3A = arith.constant dense<0.000000e+00> : vector<16x128xf32>
    %dot_general3A_8 = tpu.matmul %convert_element_type3A_7, %get3A_1, %dot_general3A {dimension_numbers = #tpu.dot_dimension_numbers<[0], [0], [1], [1], [0, 1, 1, 1], [], []>, transpose_lhs_hint = false} : vector<10000x16xf32>, vector<10000x128xf32>, vector<16x128xf32> -> vector<16x128xf32>
    %reduce_sum3A = arith.constant dense<0.000000e+00> : vector<16xf32>
    %reduce_sum3A_9 = vector.multi_reduction <add>, %convert_element_type3A_7, %reduce_sum3A [0] : vector<10000x16xf32> to vector<16xf32>
    %broadcast_in_dim3A = vector.shape_cast %reduce_sum3A_9 : vector<16xf32> to vector<16x1xf32>
    %max3A = arith.constant 1.000000e+00 : f32
    %max3A_10 = vector.broadcast %max3A : f32 to vector<16x1xf32>
    %max3A_11 = arith.maximumf %broadcast_in_dim3A, %max3A_10 : vector<16x1xf32>
    %div3A = vector.broadcast %max3A_11 : vector<16x1xf32> to vector<16x128xf32>
    %div3A_12 = arith.divf %dot_general3A_8, %div3A : vector<16x128xf32>
    %get3A_13 = arith.constant 0 : index
    %get3A_14 = arith.constant 0 : index
    %get3A_15 = vector.load %arg2[%get3A_13, %get3A_14] : memref<128x256xf32, #tpu.memory_space<vmem>>, vector<128x256xf32>
    %dot_general3A_16 = arith.constant dense<0.000000e+00> : vector<16x256xf32>
    %dot_general3A_17 = tpu.matmul %div3A_12, %get3A_15, %dot_general3A_16 {dimension_numbers = #tpu.dot_dimension_numbers<[1], [0], [0], [1], [0, 0, 1, 1], [], []>, transpose_lhs_hint = false} : vector<16x128xf32>, vector<128x256xf32>, vector<16x256xf32> -> vector<16x256xf32>
    %get3A_18 = arith.constant 0 : index
    %get3A_19 = arith.constant 0 : index
    %get3A_20 = vector.load %arg3[%get3A_18, %get3A_19] : memref<1x256xf32, #tpu.memory_space<vmem>>, vector<1x256xf32>
    %add3A = vector.broadcast %get3A_20 : vector<1x256xf32> to vector<16x256xf32>
    %add3A_21 = arith.addf %dot_general3A_17, %add3A : vector<16x256xf32>
    %max3A_22 = arith.constant 0.000000e+00 : f32
    %max3A_23 = vector.broadcast %max3A_22 : f32 to vector<16x256xf32>
    %max3A_24 = arith.maximumf %add3A_21, %max3A_23 : vector<16x256xf32>
    %get3A_25 = arith.constant 0 : index
    %get3A_26 = arith.constant 0 : index
    %get3A_27 = vector.load %arg4[%get3A_25, %get3A_26] : memref<256x1xf32, #tpu.memory_space<vmem>>, vector<256x1xf32>
    %dot_general3A_28 = arith.constant dense<0.000000e+00> : vector<16x1xf32>
    %dot_general3A_29 = tpu.matmul %max3A_24, %get3A_27, %dot_general3A_28 {dimension_numbers = #tpu.dot_dimension_numbers<[1], [0], [0], [1], [0, 0, 1, 1], [], []>, transpose_lhs_hint = false} : vector<16x256xf32>, vector<256x1xf32>, vector<16x1xf32> -> vector<16x1xf32>
    %get3A_30 = arith.constant 0 : index
    %get3A_31 = arith.constant 0 : index
    %get3A_32 = vector.load %arg5[%get3A_30, %get3A_31] : memref<1x1xf32, #tpu.memory_space<vmem>>, vector<1x1xf32>
    %add3A_33 = vector.broadcast %get3A_32 : vector<1x1xf32> to vector<16x1xf32>
    %add3A_34 = arith.addf %dot_general3A_29, %add3A_33 : vector<16x1xf32>
    %logistic3A = arith.negf %add3A_34 : vector<16x1xf32>
    %logistic3A_35 = math.exp %logistic3A : vector<16x1xf32>
    %logistic3A_36 = arith.constant 1.000000e+00 : f32
    %logistic3A_37 = vector.broadcast %logistic3A_36 : f32 to vector<16x1xf32>
    %logistic3A_38 = arith.addf %logistic3A_37, %logistic3A_35 : vector<16x1xf32>
    %logistic3A_39 = arith.divf %logistic3A_37, %logistic3A_38 : vector<16x1xf32>
    %swap3A = arith.constant 0 : index
    %swap3A_40 = arith.constant 0 : index
    %swap3A_41 = vector.load %arg6[%swap3A, %swap3A_40] : memref<16x1xf32, #tpu.memory_space<vmem>>, vector<16x1xf32>
    tpu.vector_store %arg6[%swap3A, %swap3A_40], %logistic3A_39 {strides = array<i32>} : memref<16x1xf32, #tpu.memory_space<vmem>>, vector<16x1xf32>,
    return
  }
}

</mosaic_0001>

<sc_bundles>
// kernel: kernel.20.cloned.1.call-start
scs
__scs_entry_jumppad:
0x0: {  	(pc) =	sbr.rel $0x88, $3  }
0x1: {  	(tag) =	ssettag $0x0;
	lr =	simm.s32 $0x1  }
0x2: {  	[smem:$0x3F93] =	sst lr;
	_ =	strace $0xD0000000  }
0x3: {  	_ = 	snop  }
0x4: {  	_ = 	snop  }
0x5: {  	_ = 	snop  }
0x6: {  	_ = 	snop  }
0x7: {  	_ = 	snop  }
__scs_overlays_trampoline_lowered:
0x8: {  	[smem:$0x3FA2] =	sst s0  }
0x9: {  	[smem:$0x3FA3] =	sst s1  }
0xa: {  	[smem:$0x3FA4] =	sst s2  }
0xb: {  	[smem:$0x3FA5] =	sst s3  }
0xc: {  	[smem:$0x3FA6] =	sst s4  }
0xd: {  	[smem:$0x3FA7] =	sst s5  }
0xe: {  	[smem:$0x3FA8] =	sst s6  }
0xf: {  	[smem:$0x3FA9] =	sst s7  }
0x10: {  	[smem:$0x3FAA] =	sst s8  }
0x11: {  	[smem:$0x3FAB] =	sst s9;
	s0 =	simm.s32 @!p0 $0x0  }
0x12: {  	s1 =	sld [smem:$0x3F91];
	s0 =	simm.s32 @p0 $0x1  }
0x13: {  	[smem:$0x3FAC] =	sst s0;
	s0 =	simm.s32 @!p1 $0x0  }
0x14: {  	s2 =	sld [smem:$0x3F90];
	s0 =	simm.s32 @p1 $0x1  }
0x15: {  	[smem:$0x3FAD] =	sst s0;
	s0 =	simm.s32 @!p2 $0x0  }
0x16: {  	s3 =	sld [smem:$0x3FDB];
	s0 =	simm.s32 @p2 $0x1  }
0x17: {  	s4 =	simm.s32 $0x1BF5;
	[smem:$0x3FAF] =	sst s0  }
0x18: {  	s0 =	sld [smem:$0x3F92];
	_ =	swait.ge [sflag:s4], $0x0  }
0x19: {  	s7 =	sld [smem:$0x3F93]  }
0x1a: {  	s8 =	sadd.s32 $0xFFFFE003, lr  }
0x1b: {  	s9 =	sadd.s32 $0xFFFFFEF7, lr;
	s5 =	simm.s32 $0xFFFFFFFF;
	p2 =	slt.u32 s8, $0xFFFFF086  }
0x1c: {  	p1 =	slt.u32 s9, $0xF7A;
	s5 =	simm.s32 @!p2 $0x0  }
0x1d: {  	s5 =	simm.s32 @p1 $0x1;
	p0 =	seq.s32 s7, s2  }
0x1e: {  	s7 =	smul.u32 @!p0 $0xF7A, s2;
	p2 =	seq.s32 @!p0 s5, $0x0  }
0x1f: {  	s9 =	smul.u32 $0xF7A, s1;
	s8 =	simm.s32 @!p0 $0x1BF5;
	p2 =	por !p2, p0  }
0x20: {  	[sflag:s8] =	ssyncset.s32 @!p0 $0xFFFFF086;
	s6 =	sadd.s32 @!p0 s3, s7;
	s7 =	simm.s32 @!p0 $0x108  }
0x21: {  	s3 =	sadd.s32 s3, s9;
	s6 =	sadd.s32 @!p0 $0x88, s6;
	s7 =	simm.s32 @p2 $0x1082  }
0x22: {  	[simem:s7], [sflag:s8] =	dma.local @!p0 [hbm:s6], $0xF7A  }
0x23: {  	s9 =	sor.u32 $0xD0000000, s2;
	s6 =	simm.s32 $0x108;
	_ =	swait.ge @!p0 [sflag:s8], $0x0  }
0x24: {  	s3 =	sadd.s32 $0x88, s3;
	s6 =	simm.s32 @!p1 $0x1082;
	[sflag:s4] =	ssyncset.s32 $0xFFFFF086  }
0x25: {  	[simem:s6], [sflag:s4] =	dma.local [hbm:s3], $0xF7A  }
0x26: {  	[smem:$0x3F93] =	sst s1;
	(tag) =	ssettag s2;
	_ =	strace s9  }
0x27: {  	s1 =	sld [smem:$0x3FA3]  }
0x28: {  	s2 =	sld [smem:$0x3FA4]  }
0x29: {  	s4 =	sld [smem:$0x3FA6]  }
0x2a: {  	p0 =	seq.s32 s5, $0x0;
	s5 =	sld [smem:$0x3FA7]  }
0x2b: {  	s6 =	sld [smem:$0x3FA8]  }
0x2c: {  	s7 =	sld [smem:$0x3FA9]  }
0x2d: {  	s3 =	simm.s32 $0x108;
	s8 =	sld [smem:$0x3FAA]  }
0x2e: {  	s3 =	simm.s32 @!p0 $0x1082;
	s9 =	sld [smem:$0x3FAB]  }
0x2f: {  	lr =	sadd.s32 s0, s3;
	s0 =	sld [smem:$0x3FA2]  }
0x30: {  	s3 =	sld [smem:$0x3FA5]  }
0x31: {  	[smem:$0x3FAE] =	sst s10  }
0x32: {  	s10 =	sld [smem:$0x3FAC];
	_ =	sdelay $0x3  }
0x33: {  	p0 =	seq.s32 s10, $0x1;
	s10 =	sld [smem:$0x3FAE];
	_ =	sdelay $0x3  }
0x34: {  	[smem:$0x3FAE] =	sst s10  }
0x35: {  	s10 =	sld [smem:$0x3FAD];
	_ =	sdelay $0x3  }
0x36: {  	p1 =	seq.s32 s10, $0x1;
	s10 =	sld [smem:$0x3FAE];
	_ =	sdelay $0x3  }
0x37: {  	[smem:$0x3FAE] =	sst s10  }
0x38: {  	s10 =	sld [smem:$0x3FAF]  }
0x39: {  	_ = 	snop;
	(pc) =	sbr.ind lr, $3  }
0x3a: {  	_ = 	snop  }
0x3b: {  	_ = 	snop  }
0x3c: {  	p2 =	seq.s32 s10, $0x1;
	s10 =	sld [smem:$0x3FAE]  }
0x3d: {  	_ =	shalt  }
0x3e: {  	_ =	shalt  }
0x3f: {  	_ =	shalt  }
0x40: {  	_ =	shalt  }
0x41: {  	_ =	shalt  }
0x42: {  	_ =	shalt  }
0x43: {  	_ =	shalt  }
0x44: {  	_ =	shalt  }
0x45: {  	_ =	shalt  }
0x46: {  	_ =	shalt  }
0x47: {  	_ =	shalt  }
0x48: {  	_ =	shalt  }
0x49: {  	_ =	shalt  }
0x4a: {  	_ =	shalt  }
0x4b: {  	_ =	shalt  }
0x4c: {  	_ =	shalt  }
0x4d: {  	_ =	shalt  }
0x4e: {  	_ =	shalt  }
0x4f: {  	_ =	shalt  }
0x50: {  	_ =	shalt  }
0x51: {  	_ =	shalt  }
0x52: {  	_ =	shalt  }
0x53: {  	_ =	shalt  }
0x54: {  	_ =	shalt  }
0x55: {  	_ =	shalt  }
0x56: {  	_ =	shalt  }
0x57: {  	_ =	shalt  }
0x58: {  	_ =	shalt  }
0x59: {  	_ =	shalt  }
0x5a: {  	_ =	shalt  }
0x5b: {  	_ =	shalt  }
0x5c: {  	_ =	shalt  }
0x5d: {  	_ =	shalt  }
0x5e: {  	_ =	shalt  }
0x5f: {  	_ =	shalt  }
0x60: {  	_ =	shalt  }
0x61: {  	_ =	shalt  }
0x62: {  	_ =	shalt  }
0x63: {  	_ =	shalt  }
0x64: {  	_ =	shalt  }
0x65: {  	_ =	shalt  }
0x66: {  	_ =	shalt  }
0x67: {  	_ =	shalt  }
0x68: {  	_ =	shalt  }
0x69: {  	_ =	shalt  }
0x6a: {  	_ =	shalt  }
0x6b: {  	_ =	shalt  }
0x6c: {  	_ =	shalt  }
0x6d: {  	_ =	shalt  }
0x6e: {  	_ =	shalt  }
0x6f: {  	_ =	shalt  }
0x70: {  	_ =	shalt  }
0x71: {  	_ =	shalt  }
0x72: {  	_ =	shalt  }
0x73: {  	_ =	shalt  }
0x74: {  	_ =	shalt  }
0x75: {  	_ =	shalt  }
0x76: {  	_ =	shalt  }
0x77: {  	_ =	shalt  }
0x78: {  	_ =	shalt  }
0x79: {  	_ =	shalt  }
0x7a: {  	_ =	shalt  }
0x7b: {  	_ =	shalt  }
0x7c: {  	_ =	shalt  }
0x7d: {  	_ =	shalt  }
0x7e: {  	_ =	shalt  }
0x7f: {  	_ =	shalt  }
0x80: {  	_ =	shalt  }
0x81: {  	_ =	shalt  }
0x82: {  	_ =	shalt  }
0x83: {  	_ =	shalt  }
0x84: {  	_ =	shalt  }
0x85: {  	_ =	shalt  }
0x86: {  	_ =	shalt  }
0x87: {  	_ =	shalt  }
.Lfunc_end0:
.L_simem_size_0:
called_computation_lowered:
.L_overlay_start_0:
0x88: {  	s2 =	sld [smem:$0x3FD9]  }
0x89: {  	s3 =	sld [smem:$0x3FFE];
	_ =	sdelay $0x1  }
0x8a: {  	s1 =	srdreg.scid  }
0x8b: {  	s0 =	sand.u32 $0x1, s1  }
0x8c: {  	s16 =	sshll.u32 s0, $0xA;
	s2 =	sadd.s32 s3, s2  }
0x8d: {  	s2 =	sadd.s32 s2, s16  }
0x8e: {  	[smem:$0x3FBA] =	sst s2  }
0x8f: {  	_ = 	snop  }
0x90: {  	(tm) =	ssettm $0x1  }
0x91: {  	s17 =	sld [smem:$0x3FFB];
	_ =	sdelay $0x3  }
0x92: {  	_ =	strace s17  }
0x93: {  	s2 =	sld [smem:$0x3FFC];
	_ =	sdelay $0x3  }
0x94: {  	_ =	strace s2  }
0x95: {  	s2 =	sld [smem:$0x3FFD];
	_ =	sdelay $0x3  }
0x96: {  	_ =	strace s2  }
0x97: {  	_ =	strace $0x8FFFFFFF  }
0x98: {  	s18 =	sld [smem:$0x3FDB];
	_ =	sdelay $0x1  }
0x99: {  	s19 =	simm.s32 $_scs_section_size  }
0x9a: {  	s4 =	simm.s32 $_size__tile_overlayer_lowered;
	s5 =	simm.s32 $_tile_overlayer_lowered  }
0x9b: {  	s22 =	simm.s32 $0x1BFF;
	s21 =	sshll.u32 s5, $0x1;
	s2 =	sadd.s32 s19, s18  }
0x9c: {  	s6 =	simm.s32 $0x0;
	s20 =	sshll.u32 s4, $0x1;
	s4 =	sadd.s32 s21, s2  }
0x9d: {  	[timem:s6], [sflag:s22] =	dma.local [hbm:s4], s20  }
0x9e: {  	_ =	swait.ge [sflag:s22], s20  }
0x9f: {  	s3 =	ssub.s32 $0x0, s20;
	[sflag:s22] =	ssyncset.done $0x0  }
0xa0: {  	[sflag:s22] =	ssyncadd.s32 s3;
	_ =	sdelay $0x1  }
0xa1: {  	s23 =	simm.s32 $0x1B8B  }
0xa2: {  	_ =	swait.ge [sflag:s23], $0x1  }
0xa3: {  	[sflag:s23] =	ssyncset.done $0x0  }
0xa4: {  	s25 =	simm.s32 $0x1B8E;
	s24 =	sld [smem:$0x3FFE];
	[sflag:s23] =	ssyncadd.s32 $0xFFFFFFFF  }
0xa5: {  	s26 =	simm.s32 $execute0_lowered;
	[smem:$0x3FD2] =	sst s25  }
0xa6: {  	s4 =	sshll.u32 s26, $0x1;
	_ =	strace $0x80000046;
	[dreg:$0x1] =	wrdreg $0xFFFFFFFF  }
0xa7: {  	s28 =	simm.s32 $_size_execute0_lowered;
	s2 =	sadd.s32 s2, s4;
	[dreg:$0x0] =	wrdreg $0x0  }
0xa8: {  	s4 =	sshll.u32 s28, $0x1;
	[dreg:$0x2] =	wrdreg s2  }
0xa9: {  	[dreg:$0x3] =	wrdreg s4  }
0xaa: {  	[dreg:$0x4] =	wrdreg $0xC0  }
0xab: {  	_ =	task [dreg:s6], $0x5FFFF  }
0xac: {  	[dreg:$0x1] =	wrdreg $0xFFFFFFFF  }
0xad: {  	[dreg:$0x0] =	wrdreg $0x60  }
0xae: {  	[dreg:$0x2] =	wrdreg s24  }
0xaf: {  	[dreg:$0x3] =	wrdreg $0x90000  }
0xb0: {  	[dreg:$0x4] =	wrdreg $0x9  }
0xb1: {  	_ =	task.clear_ibuf [dreg:s6], $0x5FFFF;
	_ =	strace $0x90000046  }
0xb2: {  	s29 =	simm.s32 $0x9;
	_ =	strace $0x80000048  }
0xb3: {  	_ =	swait.ge [sflag:s29], $0x1  }
0xb4: {  	[sflag:s29] =	ssyncadd.s32 $0xFFFFFFFF  }
0xb5: {  	_ =	strace $0x90000048  }
0xb6: {  	_ =	sfence  }
0xb7: {  	s30 =	sld [smem:$0x0];
	_ =	sdelay $0x2  }
0xb8: {  	s31 =	sshll.u32 s1, $0xD;
	s1 =	sshrl.u32 s1, $0x2  }
0xb9: {  	s3 =	sand.u32 $0x4000, s31;
	s1 =	sadd.s32 s1, s30  }
0xba: {  	s0 =	sor.u32 s3, s0;
	s1 =	sshll.u32 s1, $0x11  }
0xbb: {  	s0 =	sor.u32 s1, s0  }
0xbc: {  	s0 =	sadd.s32 $0x8F2B, s0  }
0xbd: {  	[sflag:s0] =	ssyncadd.remote.s32 $0x1  }
0xbe: {  	_ =	sfence.sel $0xFFFF  }
0xbf: {  	[dreg:$0x0] =	wrdreg $0xFFFFFFFF;
	(pc) =	sbr.abs _section_cstart, $3  }
0xc0: {  	[dreg:$0x1] =	wrdreg $0xFFFFFFFF  }
0xc1: {  	_ =	task.clear_ibuf [dreg:s6], $0x2FFFF;
	_ =	strace $0x9FFFFFFF  }
0xc2: {  	(tm) =	ssettm $0x7FFFFFFF  }
0xc3: {  	_ =	shalt  }
tec
execute0_lowered:
.L_overlay_start_1:
0x0: {  	(tag) =	ssettag $0x1  }
0x1: {  	s0 =	srdreg.scid;
	s6 =	rddreg [dreg:$0x0]  }
0x2: {  	s2 =	rddreg [dreg:$0x1];
	s1 =	stileid.u32  }
0x3: {  	s3 =	simm.s32 $0x0;
	s15 =	simm.s32 $0x80;
	s16 =	simm.s32 $0x5000  }
0x4: {  	s17 =	simm.s32 $0x1;
	s5 =	sand.u32 $0x1, s0;
	s0 =	rddreg [dreg:$0x2]  }
0x5: {  	s20 =	simm.s32 $0x0;
	[smem:$0x7FF] =	sst s3;
	s11 =	smul.u32 $0x13C00, s1  }
0x6: {  	s12 =	sadd.s32 $0x1C400, s6;
	s31 =	smul.u32 $0x4F000, s1;
	s18 =	sadd.s32 $0x128400, s2  }
0x7: {  	s13 =	sshll.u32 s1, $0x6;
	p0 =	seq.s32 s1, $0xF;
	s4 =	sshll.u32 s5, $0x4  }
0x8: {  	_ =	strace $0x80000047;
	s8 =	ssub.s32 $0x2, s5;
	s9 =	smul.u32 $0x138800, s5  }
0x9: {  	s5 =	sadd.s32 $0x19C00, s6;
	s13 =	sor.u32 $0x1C02, s13;
	s4 =	sor.u32 s1, s4  }
0xa: {  	s18 =	sshrl.u32 @p0 s18, $0x3;
	s10 =	sshrl.u32 s8, $0x1;
	s7 =	smul.u32 $0x500, s4  }
0xb: {  	s4 =	sadd.s32 $0xA2000, s6;
	s10 =	ssub.s32 s8, s10;
	s11 =	sadd.s32 s11, s9  }
0xc: {  	s8 =	sshrl.u32 s31, $0x2;
	s9 =	sshrl.u32 s9, $0x3;
	s11 =	sshrl.u32 s11, $0x3  }
0xd: {  	s19 =	sadd.s32 s8, s2;
	s9 =	sadd.s32 s12, s9;
	s10 =	smax.u32 s10, $0x1  }
0xe: {  	s7 =	sadd.s32 s7, s6;
	s8 =	sadd.s32 s12, s11;
	s9 =	sadd.s32 $0x25080, s9  }
0xf: {  	s11 =	simm.s32 $0x2;
	s12 =	simm.s32 $0x2800;
	s14 =	sshrl.u32 s19, $0x3  }
0x10: {  	s19 =	sshrl.u32 @!p0 s19, $0x3;
	s6 =	sadd.s32 $0x5C00, s7;
	s7 =	sadd.s32 $0xFC00, s7  }
.LBB2_1:
0x11: {  	[tilespmem:s3], [sflag:$0x2] =	stream.linear.gather [hbm4b:s6+s3], $0x2780, $0x38;
	[tilespmem:$0x1CC00] =	vst v63  }
0x12: {  	_ =	swait.ge [sflag:s11], $0x2780  }
0x13: {  	[sflag:s11] =	ssyncset.done $0x0  }
0x14: {  	[sflag:s11] =	ssyncadd.s32 $0xFFFFD880  }
0x15: {  	[tilespmem:s12], [sflag:$0x2] =	stream.linear.gather [hbm4b:s7+s3], $0x2780, $0x38;
	[tilespmem:$0x1CC00] =	vst v63  }
0x16: {  	_ =	swait.ge [sflag:s11], $0x2780  }
0x17: {  	[sflag:s11] =	ssyncset.done $0x0  }
0x18: {  	[sflag:s11] =	ssyncadd.s32 $0xFFFFD880  }
0x19: {  	[spmem:s14], [sflag:s13] =	dma.local [hbm:s5], $0x2780  }
0x1a: {  	_ =	swait.ge [sflag:s11], $0x2780  }
0x1b: {  	[sflag:s11] =	ssyncset.done $0x0  }
0x1c: {  	[sflag:s11] =	ssyncadd.s32 $0xFFFFD880  }
0x1d: {  	s21 =	simm.s32 $0x0;
	[bflag:$0x0] =	sbarrier.arrive $0xFFFF  }
0x1e: {  	[tilespmem:s16], [sflag:$0x1] =	stream.indirect.gather [hbm4b:s4+s15], $0x80, s21, s15, $0xb8;
	[tilespmem:$0x1CC00] =	vst v63  }
0x1f: {  	_ =	swait.ge [sflag:s17], $0x4000  }
0x20: {  	[sflag:s17] =	ssyncset.done $0x0  }
0x21: {  	s31 =	simm.s32 $0x2800;
	[sflag:s17] =	ssyncadd.s32 $0xFFFFC000  }
0x22: {  	[spmem:s2] =	stream.indirect.scatter.add.f32 [tilespmem:s16], [sflag:$0x2], $0x80, s31, s15, $0xb8;
	[tilespmem:$0x1CC00] =	vst v63  }
0x23: {  	_ =	swait.ge [sflag:s11], $0x4000  }
0x24: {  	s22 =	simm.s32 $0x400;
	s21 =	simm.s32 $0x200;
	[sflag:s11] =	ssyncset.done $0x0  }
.LBB2_2:
0x25: {  	s23 =	sshra.s32 s21, $0x2  }
0x26: {  	[sflag:s11] =	ssyncadd.s32 $0xFFFFC000;
	s21 =	smov.u32 s22;
	s24 =	sadd.s32 $0x200, s22  }
0x27: {  	[tilespmem:s16], [sflag:$0x1] =	stream.indirect.gather [hbm4b:s4+s15], $0x80, s23, s15, $0xb8;
	[tilespmem:$0x1CC00] =	vst v63  }
0x28: {  	p1 =	sne.s32 s22, $0x9C00;
	_ =	swait.ge [sflag:s17], $0x4000  }
.Ltmp0:
0x29: {  	[sflag:s17] =	ssyncset.done $0x0;
	(pc) =	sbr.rel @p1 .LBB2_2-.Ltmp0, $4  }
0x2a: {  	s22 =	sadd.s32 $0x2800, s23;
	[sflag:s17] =	ssyncadd.s32 $0xFFFFC000  }
0x2b: {  	[spmem:s2] =	stream.indirect.scatter.add.f32 [tilespmem:s16], [sflag:$0x2], $0x80, s22, s15, $0xb8;
	[tilespmem:$0x1CC00] =	vst v63  }
0x2c: {  	_ =	swait.ge [sflag:s11], $0x4000  }
0x2d: {  	s22 =	smov.u32 s24;
	[sflag:s11] =	ssyncset.done $0x0  }
0x2e: {  	s21 =	sshra.s32 s21, $0x2;
	[sflag:s11] =	ssyncadd.s32 $0xFFFFC000  }
0x2f: {  	[tilespmem:s16], [sflag:$0x1] =	stream.indirect.gather [hbm4b:s4+s15], $0x80, s21, s15, $0xb8;
	[tilespmem:$0x1CC00] =	vst v63  }
0x30: {  	_ =	swait.ge [sflag:s17], $0x4000  }
0x31: {  	[sflag:s17] =	ssyncset.done $0x0  }
0x32: {  	s21 =	sadd.s32 $0x2800, s21;
	[sflag:s17] =	ssyncadd.s32 $0xFFFFC000  }
0x33: {  	[spmem:s2] =	stream.indirect.scatter.add.f32 [tilespmem:s16], [sflag:$0x2], $0x80, s21, s15, $0xb8;
	[tilespmem:$0x1CC00] =	vst v63  }
0x34: {  	_ =	swait.ge [sflag:s11], $0x4000  }
0x35: {  	[sflag:s11] =	ssyncset.done $0x0  }
0x36: {  	[sflag:s11] =	ssyncadd.s32 $0xFFFFC000  }
0x37: {  	s21 =	simm.s32 @p0 $0x2;
	[bflag:$0x0] =	sbarrier.arrive $0xFFFF  }
0x38: {  	[hbm:s9], [sflag:s13] =	dma.local @p0 [spmem:s18], $0x2080  }
0x39: {  	s20 =	sadd.s32 $0x1, s20;
	_ =	swait.ge @p0 [sflag:s21], $0x2080  }
0x3a: {  	p1 =	sne.s32 s20, s10;
	[sflag:s21] =	ssyncset.done @p0 $0x0  }
.Ltmp1:
0x3b: {  	[sflag:s21] =	ssyncadd.s32 @p0 $0xFFFFDF80;
	s21 =	simm.s32 @!p0 $0x2;
	(pc) =	sbr.rel @p1 .LBB2_1-.Ltmp1, $4  }
0x3c: {  	[hbm:s8], [sflag:s13] =	dma.local @!p0 [spmem:s19], $0x2780  }
0x3d: {  	_ =	swait.ge @!p0 [sflag:s21], $0x2780  }
0x3e: {  	[sflag:s21] =	ssyncset.done @!p0 $0x0  }
0x3f: {  	[sflag:s21] =	ssyncadd.s32 @!p0 $0xFFFFD880  }
0x40: {  	_ =	sfence.sel $0x180000  }
0x41: {  	[bflag:$0x0] =	sbarrier.arrive $0xFFFF  }
0x42: {  	p0 =	sne.s32 s1, $0x0;
	_ =	strace $0x90000047  }
0x43: {  	s0 =	sadd.s32 @!p0 $0x100000, s0;
	[bflag:$0x2] =	sbarrier.arrive $0xFFFF  }
0x44: {  	[sflag:s0] =	ssyncadd.tile.s32 @!p0 $0x1;
	_ =	shalt  }
.Lfunc_end2:
_tile_overlayer_lowered:
.L_overlay_start_2:
0x45: {  	(tag) =	ssettag $0x2  }
0x46: {  	s0 =	rddreg [dreg:$0x0];
	s2 =	stileid.u32  }
0x47: {  	s1 =	rddreg [dreg:$0x1];
	p0 =	sne.s32 s2, $0x0  }
0x48: {  	s3 =	rddreg [dreg:$0x2];
	[bflag:$0x3] =	sbarrier.arrive $0xFFFF;
	s2 =	simm.s32 @!p0 $0x1C02  }
0x49: {  	[timem:s3], [sflag:s2] =	dma.local @!p0 [hbm:s0], s1  }
0x4a: {  	s0 =	simm.s32 @!p0 $0x2  }
0x4b: {  	_ =	swait.ge @!p0 [sflag:s0], s1  }
0x4c: {  	s1 =	ssub.s32 @!p0 $0x0, s1;
	[sflag:s0] =	ssyncset.done @!p0 $0x0  }
0x4d: {  	[sflag:s0] =	ssyncadd.s32 @!p0 s1  }
0x4e: {  	[bflag:$0x3] =	sbarrier.arrive $0xFFFF  }
0x4f: {  	_ =	shalt  }

// kernel: kernel.23.cloned.1.call-start
scs
__scs_entry_jumppad:
0x0: {  	(pc) =	sbr.rel $0x88, $3  }
0x1: {  	(tag) =	ssettag $0x0;
	lr =	simm.s32 $0x1  }
0x2: {  	[smem:$0x3F93] =	sst lr;
	_ =	strace $0xD0000000  }
0x3: {  	_ = 	snop  }
0x4: {  	_ = 	snop  }
0x5: {  	_ = 	snop  }
0x6: {  	_ = 	snop  }
0x7: {  	_ = 	snop  }
__scs_overlays_trampoline_lowered:
0x8: {  	[smem:$0x3FA2] =	sst s0  }
0x9: {  	[smem:$0x3FA3] =	sst s1  }
0xa: {  	[smem:$0x3FA4] =	sst s2  }
0xb: {  	[smem:$0x3FA5] =	sst s3  }
0xc: {  	[smem:$0x3FA6] =	sst s4  }
0xd: {  	[smem:$0x3FA7] =	sst s5  }
0xe: {  	[smem:$0x3FA8] =	sst s6  }
0xf: {  	[smem:$0x3FA9] =	sst s7  }
0x10: {  	[smem:$0x3FAA] =	sst s8  }
0x11: {  	[smem:$0x3FAB] =	sst s9;
	s0 =	simm.s32 @!p0 $0x0  }
0x12: {  	s1 =	sld [smem:$0x3F91];
	s0 =	simm.s32 @p0 $0x1  }
0x13: {  	[smem:$0x3FAC] =	sst s0;
	s0 =	simm.s32 @!p1 $0x0  }
0x14: {  	s2 =	sld [smem:$0x3F90];
	s0 =	simm.s32 @p1 $0x1  }
0x15: {  	[smem:$0x3FAD] =	sst s0;
	s0 =	simm.s32 @!p2 $0x0  }
0x16: {  	s3 =	sld [smem:$0x3FDB];
	s0 =	simm.s32 @p2 $0x1  }
0x17: {  	s4 =	simm.s32 $0x1BF5;
	[smem:$0x3FAF] =	sst s0  }
0x18: {  	s0 =	sld [smem:$0x3F92];
	_ =	swait.ge [sflag:s4], $0x0  }
0x19: {  	s7 =	sld [smem:$0x3F93]  }
0x1a: {  	s8 =	sadd.s32 $0xFFFFE003, lr  }
0x1b: {  	s9 =	sadd.s32 $0xFFFFFEF7, lr;
	s5 =	simm.s32 $0xFFFFFFFF;
	p2 =	slt.u32 s8, $0xFFFFF086  }
0x1c: {  	p1 =	slt.u32 s9, $0xF7A;
	s5 =	simm.s32 @!p2 $0x0  }
0x1d: {  	s5 =	simm.s32 @p1 $0x1;
	p0 =	seq.s32 s7, s2  }
0x1e: {  	s7 =	smul.u32 @!p0 $0xF7A, s2;
	p2 =	seq.s32 @!p0 s5, $0x0  }
0x1f: {  	s9 =	smul.u32 $0xF7A, s1;
	s8 =	simm.s32 @!p0 $0x1BF5;
	p2 =	por !p2, p0  }
0x20: {  	[sflag:s8] =	ssyncset.s32 @!p0 $0xFFFFF086;
	s6 =	sadd.s32 @!p0 s3, s7;
	s7 =	simm.s32 @!p0 $0x108  }
0x21: {  	s3 =	sadd.s32 s3, s9;
	s6 =	sadd.s32 @!p0 $0x88, s6;
	s7 =	simm.s32 @p2 $0x1082  }
0x22: {  	[simem:s7], [sflag:s8] =	dma.local @!p0 [hbm:s6], $0xF7A  }
0x23: {  	s9 =	sor.u32 $0xD0000000, s2;
	s6 =	simm.s32 $0x108;
	_ =	swait.ge @!p0 [sflag:s8], $0x0  }
0x24: {  	s3 =	sadd.s32 $0x88, s3;
	s6 =	simm.s32 @!p1 $0x1082;
	[sflag:s4] =	ssyncset.s32 $0xFFFFF086  }
0x25: {  	[simem:s6], [sflag:s4] =	dma.local [hbm:s3], $0xF7A  }
0x26: {  	[smem:$0x3F93] =	sst s1;
	(tag) =	ssettag s2;
	_ =	strace s9  }
0x27: {  	s1 =	sld [smem:$0x3FA3]  }
0x28: {  	s2 =	sld [smem:$0x3FA4]  }
0x29: {  	s4 =	sld [smem:$0x3FA6]  }
0x2a: {  	p0 =	seq.s32 s5, $0x0;
	s5 =	sld [smem:$0x3FA7]  }
0x2b: {  	s6 =	sld [smem:$0x3FA8]  }
0x2c: {  	s7 =	sld [smem:$0x3FA9]  }
0x2d: {  	s3 =	simm.s32 $0x108;
	s8 =	sld [smem:$0x3FAA]  }
0x2e: {  	s3 =	simm.s32 @!p0 $0x1082;
	s9 =	sld [smem:$0x3FAB]  }
0x2f: {  	lr =	sadd.s32 s0, s3;
	s0 =	sld [smem:$0x3FA2]  }
0x30: {  	s3 =	sld [smem:$0x3FA5]  }
0x31: {  	[smem:$0x3FAE] =	sst s10  }
0x32: {  	s10 =	sld [smem:$0x3FAC];
	_ =	sdelay $0x3  }
0x33: {  	p0 =	seq.s32 s10, $0x1;
	s10 =	sld [smem:$0x3FAE];
	_ =	sdelay $0x3  }
0x34: {  	[smem:$0x3FAE] =	sst s10  }
0x35: {  	s10 =	sld [smem:$0x3FAD];
	_ =	sdelay $0x3  }
0x36: {  	p1 =	seq.s32 s10, $0x1;
	s10 =	sld [smem:$0x3FAE];
	_ =	sdelay $0x3  }
0x37: {  	[smem:$0x3FAE] =	sst s10  }
0x38: {  	s10 =	sld [smem:$0x3FAF]  }
0x39: {  	_ = 	snop;
	(pc) =	sbr.ind lr, $3  }
0x3a: {  	_ = 	snop  }
0x3b: {  	_ = 	snop  }
0x3c: {  	p2 =	seq.s32 s10, $0x1;
	s10 =	sld [smem:$0x3FAE]  }
0x3d: {  	_ =	shalt  }
0x3e: {  	_ =	shalt  }
0x3f: {  	_ =	shalt  }
0x40: {  	_ =	shalt  }
0x41: {  	_ =	shalt  }
0x42: {  	_ =	shalt  }
0x43: {  	_ =	shalt  }
0x44: {  	_ =	shalt  }
0x45: {  	_ =	shalt  }
0x46: {  	_ =	shalt  }
0x47: {  	_ =	shalt  }
0x48: {  	_ =	shalt  }
0x49: {  	_ =	shalt  }
0x4a: {  	_ =	shalt  }
0x4b: {  	_ =	shalt  }
0x4c: {  	_ =	shalt  }
0x4d: {  	_ =	shalt  }
0x4e: {  	_ =	shalt  }
0x4f: {  	_ =	shalt  }
0x50: {  	_ =	shalt  }
0x51: {  	_ =	shalt  }
0x52: {  	_ =	shalt  }
0x53: {  	_ =	shalt  }
0x54: {  	_ =	shalt  }
0x55: {  	_ =	shalt  }
0x56: {  	_ =	shalt  }
0x57: {  	_ =	shalt  }
0x58: {  	_ =	shalt  }
0x59: {  	_ =	shalt  }
0x5a: {  	_ =	shalt  }
0x5b: {  	_ =	shalt  }
0x5c: {  	_ =	shalt  }
0x5d: {  	_ =	shalt  }
0x5e: {  	_ =	shalt  }
0x5f: {  	_ =	shalt  }
0x60: {  	_ =	shalt  }
0x61: {  	_ =	shalt  }
0x62: {  	_ =	shalt  }
0x63: {  	_ =	shalt  }
0x64: {  	_ =	shalt  }
0x65: {  	_ =	shalt  }
0x66: {  	_ =	shalt  }
0x67: {  	_ =	shalt  }
0x68: {  	_ =	shalt  }
0x69: {  	_ =	shalt  }
0x6a: {  	_ =	shalt  }
0x6b: {  	_ =	shalt  }
0x6c: {  	_ =	shalt  }
0x6d: {  	_ =	shalt  }
0x6e: {  	_ =	shalt  }
0x6f: {  	_ =	shalt  }
0x70: {  	_ =	shalt  }
0x71: {  	_ =	shalt  }
0x72: {  	_ =	shalt  }
0x73: {  	_ =	shalt  }
0x74: {  	_ =	shalt  }
0x75: {  	_ =	shalt  }
0x76: {  	_ =	shalt  }
0x77: {  	_ =	shalt  }
0x78: {  	_ =	shalt  }
0x79: {  	_ =	shalt  }
0x7a: {  	_ =	shalt  }
0x7b: {  	_ =	shalt  }
0x7c: {  	_ =	shalt  }
0x7d: {  	_ =	shalt  }
0x7e: {  	_ =	shalt  }
0x7f: {  	_ =	shalt  }
0x80: {  	_ =	shalt  }
0x81: {  	_ =	shalt  }
0x82: {  	_ =	shalt  }
0x83: {  	_ =	shalt  }
0x84: {  	_ =	shalt  }
0x85: {  	_ =	shalt  }
0x86: {  	_ =	shalt  }
0x87: {  	_ =	shalt  }
.Lfunc_end0:
.L_simem_size_0:
called_computation.1_lowered:
.L_overlay_start_0:
0x88: {  	s2 =	sld [smem:$0x3FD9]  }
0x89: {  	s3 =	sld [smem:$0x3FFE];
	_ =	sdelay $0x1  }
0x8a: {  	s1 =	srdreg.scid  }
0x8b: {  	s0 =	sand.u32 $0x1, s1  }
0x8c: {  	s16 =	sshll.u32 s0, $0xA;
	s2 =	sadd.s32 s3, s2  }
0x8d: {  	s2 =	sadd.s32 s2, s16  }
0x8e: {  	[smem:$0x3FBA] =	sst s2  }
0x8f: {  	_ = 	snop  }
0x90: {  	(tm) =	ssettm $0x1  }
0x91: {  	s17 =	sld [smem:$0x3FFB];
	_ =	sdelay $0x3  }
0x92: {  	_ =	strace s17  }
0x93: {  	s2 =	sld [smem:$0x3FFC];
	_ =	sdelay $0x3  }
0x94: {  	_ =	strace s2  }
0x95: {  	s2 =	sld [smem:$0x3FFD];
	_ =	sdelay $0x3  }
0x96: {  	_ =	strace s2  }
0x97: {  	_ =	strace $0x8FFFFFFF  }
0x98: {  	s18 =	sld [smem:$0x3FDB];
	_ =	sdelay $0x1  }
0x99: {  	s19 =	simm.s32 $_scs_section_size  }
0x9a: {  	s4 =	simm.s32 $_size__tile_overlayer_lowered;
	s5 =	simm.s32 $_tile_overlayer_lowered  }
0x9b: {  	s22 =	simm.s32 $0x1BFF;
	s21 =	sshll.u32 s5, $0x1;
	s2 =	sadd.s32 s19, s18  }
0x9c: {  	s6 =	simm.s32 $0x0;
	s20 =	sshll.u32 s4, $0x1;
	s4 =	sadd.s32 s21, s2  }
0x9d: {  	[timem:s6], [sflag:s22] =	dma.local [hbm:s4], s20  }
0x9e: {  	_ =	swait.ge [sflag:s22], s20  }
0x9f: {  	s3 =	ssub.s32 $0x0, s20;
	[sflag:s22] =	ssyncset.done $0x0  }
0xa0: {  	[sflag:s22] =	ssyncadd.s32 s3;
	_ =	sdelay $0x1  }
0xa1: {  	s23 =	simm.s32 $0x1B8B  }
0xa2: {  	_ =	swait.ge [sflag:s23], $0x1  }
0xa3: {  	[sflag:s23] =	ssyncset.done $0x0  }
0xa4: {  	s25 =	simm.s32 $0x1B8E;
	s24 =	sld [smem:$0x3FFE];
	[sflag:s23] =	ssyncadd.s32 $0xFFFFFFFF  }
0xa5: {  	s26 =	simm.s32 $execute0_lowered;
	[smem:$0x3FD2] =	sst s25  }
0xa6: {  	s4 =	sshll.u32 s26, $0x1;
	_ =	strace $0x80000049;
	[dreg:$0x1] =	wrdreg $0xFFFFFFFF  }
0xa7: {  	s28 =	simm.s32 $_size_execute0_lowered;
	s2 =	sadd.s32 s2, s4;
	[dreg:$0x0] =	wrdreg $0x0  }
0xa8: {  	s4 =	sshll.u32 s28, $0x1;
	[dreg:$0x2] =	wrdreg s2  }
0xa9: {  	[dreg:$0x3] =	wrdreg s4  }
0xaa: {  	[dreg:$0x4] =	wrdreg $0xC0  }
0xab: {  	_ =	task [dreg:s6], $0x5FFFF  }
0xac: {  	[dreg:$0x1] =	wrdreg $0xFFFFFFFF  }
0xad: {  	[dreg:$0x0] =	wrdreg $0x60  }
0xae: {  	[dreg:$0x2] =	wrdreg s24  }
0xaf: {  	[dreg:$0x3] =	wrdreg $0x90000  }
0xb0: {  	[dreg:$0x4] =	wrdreg $0x9  }
0xb1: {  	_ =	task.clear_ibuf [dreg:s6], $0x5FFFF;
	_ =	strace $0x90000049  }
0xb2: {  	s29 =	simm.s32 $0x9;
	_ =	strace $0x8000004B  }
0xb3: {  	_ =	swait.ge [sflag:s29], $0x1  }
0xb4: {  	[sflag:s29] =	ssyncadd.s32 $0xFFFFFFFF  }
0xb5: {  	_ =	strace $0x9000004B  }
0xb6: {  	_ =	sfence  }
0xb7: {  	s30 =	sld [smem:$0x0];
	_ =	sdelay $0x2  }
0xb8: {  	s31 =	sshll.u32 s1, $0xD;
	s1 =	sshrl.u32 s1, $0x2  }
0xb9: {  	s3 =	sand.u32 $0x4000, s31;
	s1 =	sadd.s32 s1, s30  }
0xba: {  	s0 =	sor.u32 s3, s0;
	s1 =	sshll.u32 s1, $0x11  }
0xbb: {  	s0 =	sor.u32 s1, s0  }
0xbc: {  	s0 =	sadd.s32 $0x8F2B, s0  }
0xbd: {  	[sflag:s0] =	ssyncadd.remote.s32 $0x1  }
0xbe: {  	_ =	sfence.sel $0xFFFF  }
0xbf: {  	[dreg:$0x0] =	wrdreg $0xFFFFFFFF;
	(pc) =	sbr.abs _section_cstart, $3  }
0xc0: {  	[dreg:$0x1] =	wrdreg $0xFFFFFFFF  }
0xc1: {  	_ =	task.clear_ibuf [dreg:s6], $0x2FFFF;
	_ =	strace $0x9FFFFFFF  }
0xc2: {  	(tm) =	ssettm $0x7FFFFFFF  }
0xc3: {  	_ =	shalt  }
tec
execute0_lowered:
.L_overlay_start_1:
0x0: {  	(tag) =	ssettag $0x1  }
0x1: {  	s0 =	srdreg.scid;
	s6 =	rddreg [dreg:$0x0]  }
0x2: {  	s2 =	rddreg [dreg:$0x1];
	s1 =	stileid.u32  }
0x3: {  	s3 =	simm.s32 $0x0;
	s15 =	simm.s32 $0x80;
	s16 =	simm.s32 $0x5000  }
0x4: {  	s17 =	simm.s32 $0x1;
	s5 =	sand.u32 $0x1, s0;
	s0 =	rddreg [dreg:$0x2]  }
0x5: {  	s20 =	simm.s32 $0x0;
	[smem:$0x7FF] =	sst s3;
	s11 =	smul.u32 $0x13C00, s1  }
0x6: {  	s12 =	sadd.s32 $0x1C400, s6;
	s31 =	smul.u32 $0x4F000, s1;
	s18 =	sadd.s32 $0x128400, s2  }
0x7: {  	s13 =	sshll.u32 s1, $0x6;
	p0 =	seq.s32 s1, $0xF;
	s4 =	sshll.u32 s5, $0x4  }
0x8: {  	_ =	strace $0x8000004A;
	s8 =	ssub.s32 $0x2, s5;
	s9 =	smul.u32 $0x138800, s5  }
0x9: {  	s5 =	sadd.s32 $0x19C00, s6;
	s13 =	sor.u32 $0x1C02, s13;
	s4 =	sor.u32 s1, s4  }
0xa: {  	s18 =	sshrl.u32 @p0 s18, $0x3;
	s10 =	sshrl.u32 s8, $0x1;
	s7 =	smul.u32 $0x500, s4  }
0xb: {  	s4 =	sadd.s32 $0xB8800, s6;
	s10 =	ssub.s32 s8, s10;
	s11 =	sadd.s32 s11, s9  }
0xc: {  	s8 =	sshrl.u32 s31, $0x2;
	s9 =	sshrl.u32 s9, $0x3;
	s11 =	sshrl.u32 s11, $0x3  }
0xd: {  	s19 =	sadd.s32 s8, s2;
	s9 =	sadd.s32 s12, s9;
	s10 =	smax.u32 s10, $0x1  }
0xe: {  	s7 =	sadd.s32 s7, s6;
	s8 =	sadd.s32 s12, s11;
	s9 =	sadd.s32 $0x25080, s9  }
0xf: {  	s11 =	simm.s32 $0x2;
	s12 =	simm.s32 $0x2800;
	s14 =	sshrl.u32 s19, $0x3  }
0x10: {  	s19 =	sshrl.u32 @!p0 s19, $0x3;
	s6 =	sadd.s32 $0x5C00, s7;
	s7 =	sadd.s32 $0xFC00, s7  }
.LBB2_1:
0x11: {  	[tilespmem:s3], [sflag:$0x2] =	stream.linear.gather [hbm4b:s6+s3], $0x2780, $0x38;
	[tilespmem:$0x1CC00] =	vst v63  }
0x12: {  	_ =	swait.ge [sflag:s11], $0x2780  }
0x13: {  	[sflag:s11] =	ssyncset.done $0x0  }
0x14: {  	[sflag:s11] =	ssyncadd.s32 $0xFFFFD880  }
0x15: {  	[tilespmem:s12], [sflag:$0x2] =	stream.linear.gather [hbm4b:s7+s3], $0x2780, $0x38;
	[tilespmem:$0x1CC00] =	vst v63  }
0x16: {  	_ =	swait.ge [sflag:s11], $0x2780  }
0x17: {  	[sflag:s11] =	ssyncset.done $0x0  }
0x18: {  	[sflag:s11] =	ssyncadd.s32 $0xFFFFD880  }
0x19: {  	[spmem:s14], [sflag:s13] =	dma.local [hbm:s5], $0x2780  }
0x1a: {  	_ =	swait.ge [sflag:s11], $0x2780  }
0x1b: {  	[sflag:s11] =	ssyncset.done $0x0  }
0x1c: {  	[sflag:s11] =	ssyncadd.s32 $0xFFFFD880  }
0x1d: {  	s21 =	simm.s32 $0x0;
	[bflag:$0x0] =	sbarrier.arrive $0xFFFF  }
0x1e: {  	[tilespmem:s16], [sflag:$0x1] =	stream.indirect.gather [hbm4b:s4+s15], $0x80, s21, s15, $0xb8;
	[tilespmem:$0x1CC00] =	vst v63  }
0x1f: {  	_ =	swait.ge [sflag:s17], $0x4000  }
0x20: {  	[sflag:s17] =	ssyncset.done $0x0  }
0x21: {  	s31 =	simm.s32 $0x2800;
	[sflag:s17] =	ssyncadd.s32 $0xFFFFC000  }
0x22: {  	[spmem:s2] =	stream.indirect.scatter.add.f32 [tilespmem:s16], [sflag:$0x2], $0x80, s31, s15, $0xb8;
	[tilespmem:$0x1CC00] =	vst v63  }
0x23: {  	_ =	swait.ge [sflag:s11], $0x4000  }
0x24: {  	s22 =	simm.s32 $0x400;
	s21 =	simm.s32 $0x200;
	[sflag:s11] =	ssyncset.done $0x0  }
.LBB2_2:
0x25: {  	s23 =	sshra.s32 s21, $0x2  }
0x26: {  	[sflag:s11] =	ssyncadd.s32 $0xFFFFC000;
	s21 =	smov.u32 s22;
	s24 =	sadd.s32 $0x200, s22  }
0x27: {  	[tilespmem:s16], [sflag:$0x1] =	stream.indirect.gather [hbm4b:s4+s15], $0x80, s23, s15, $0xb8;
	[tilespmem:$0x1CC00] =	vst v63  }
0x28: {  	p1 =	sne.s32 s22, $0x9C00;
	_ =	swait.ge [sflag:s17], $0x4000  }
.Ltmp0:
0x29: {  	[sflag:s17] =	ssyncset.done $0x0;
	(pc) =	sbr.rel @p1 .LBB2_2-.Ltmp0, $4  }
0x2a: {  	s22 =	sadd.s32 $0x2800, s23;
	[sflag:s17] =	ssyncadd.s32 $0xFFFFC000  }
0x2b: {  	[spmem:s2] =	stream.indirect.scatter.add.f32 [tilespmem:s16], [sflag:$0x2], $0x80, s22, s15, $0xb8;
	[tilespmem:$0x1CC00] =	vst v63  }
0x2c: {  	_ =	swait.ge [sflag:s11], $0x4000  }
0x2d: {  	s22 =	smov.u32 s24;
	[sflag:s11] =	ssyncset.done $0x0  }
0x2e: {  	s21 =	sshra.s32 s21, $0x2;
	[sflag:s11] =	ssyncadd.s32 $0xFFFFC000  }
0x2f: {  	[tilespmem:s16], [sflag:$0x1] =	stream.indirect.gather [hbm4b:s4+s15], $0x80, s21, s15, $0xb8;
	[tilespmem:$0x1CC00] =	vst v63  }
0x30: {  	_ =	swait.ge [sflag:s17], $0x4000  }
0x31: {  	[sflag:s17] =	ssyncset.done $0x0  }
0x32: {  	s21 =	sadd.s32 $0x2800, s21;
	[sflag:s17] =	ssyncadd.s32 $0xFFFFC000  }
0x33: {  	[spmem:s2] =	stream.indirect.scatter.add.f32 [tilespmem:s16], [sflag:$0x2], $0x80, s21, s15, $0xb8;
	[tilespmem:$0x1CC00] =	vst v63  }
0x34: {  	_ =	swait.ge [sflag:s11], $0x4000  }
0x35: {  	[sflag:s11] =	ssyncset.done $0x0  }
0x36: {  	[sflag:s11] =	ssyncadd.s32 $0xFFFFC000  }
0x37: {  	s21 =	simm.s32 @p0 $0x2;
	[bflag:$0x0] =	sbarrier.arrive $0xFFFF  }
0x38: {  	[hbm:s9], [sflag:s13] =	dma.local @p0 [spmem:s18], $0x2080  }
0x39: {  	s20 =	sadd.s32 $0x1, s20;
	_ =	swait.ge @p0 [sflag:s21], $0x2080  }
0x3a: {  	p1 =	sne.s32 s20, s10;
	[sflag:s21] =	ssyncset.done @p0 $0x0  }
.Ltmp1:
0x3b: {  	[sflag:s21] =	ssyncadd.s32 @p0 $0xFFFFDF80;
	s21 =	simm.s32 @!p0 $0x2;
	(pc) =	sbr.rel @p1 .LBB2_1-.Ltmp1, $4  }
0x3c: {  	[hbm:s8], [sflag:s13] =	dma.local @!p0 [spmem:s19], $0x2780  }
0x3d: {  	_ =	swait.ge @!p0 [sflag:s21], $0x2780  }
0x3e: {  	[sflag:s21] =	ssyncset.done @!p0 $0x0  }
0x3f: {  	[sflag:s21] =	ssyncadd.s32 @!p0 $0xFFFFD880  }
0x40: {  	_ =	sfence.sel $0x180000  }
0x41: {  	[bflag:$0x0] =	sbarrier.arrive $0xFFFF  }
0x42: {  	p0 =	sne.s32 s1, $0x0;
	_ =	strace $0x9000004A  }
0x43: {  	s0 =	sadd.s32 @!p0 $0x100000, s0;
	[bflag:$0x2] =	sbarrier.arrive $0xFFFF  }
0x44: {  	[sflag:s0] =	ssyncadd.tile.s32 @!p0 $0x1;
	_ =	shalt  }
.Lfunc_end2:
_tile_overlayer_lowered:
.L_overlay_start_2:
0x45: {  	(tag) =	ssettag $0x2  }
0x46: {  	s0 =	rddreg [dreg:$0x0];
	s2 =	stileid.u32  }
0x47: {  	s1 =	rddreg [dreg:$0x1];
	p0 =	sne.s32 s2, $0x0  }
0x48: {  	s3 =	rddreg [dreg:$0x2];
	[bflag:$0x3] =	sbarrier.arrive $0xFFFF;
	s2 =	simm.s32 @!p0 $0x1C02  }
0x49: {  	[timem:s3], [sflag:s2] =	dma.local @!p0 [hbm:s0], s1  }
0x4a: {  	s0 =	simm.s32 @!p0 $0x2  }
0x4b: {  	_ =	swait.ge @!p0 [sflag:s0], s1  }
0x4c: {  	s1 =	ssub.s32 @!p0 $0x0, s1;
	[sflag:s0] =	ssyncset.done @!p0 $0x0  }
0x4d: {  	[sflag:s0] =	ssyncadd.s32 @!p0 s1  }
0x4e: {  	[bflag:$0x3] =	sbarrier.arrive $0xFFFF  }
0x4f: {  	_ =	shalt  }

// kernel: kernel.26.cloned.1.call-start
scs
__scs_entry_jumppad:
0x0: {  	(pc) =	sbr.rel $0x88, $3  }
0x1: {  	(tag) =	ssettag $0x0;
	lr =	simm.s32 $0x1  }
0x2: {  	[smem:$0x3F93] =	sst lr;
	_ =	strace $0xD0000000  }
0x3: {  	_ = 	snop  }
0x4: {  	_ = 	snop  }
0x5: {  	_ = 	snop  }
0x6: {  	_ = 	snop  }
0x7: {  	_ = 	snop  }
__scs_overlays_trampoline_lowered:
0x8: {  	[smem:$0x3FA2] =	sst s0  }
0x9: {  	[smem:$0x3FA3] =	sst s1  }
0xa: {  	[smem:$0x3FA4] =	sst s2  }
0xb: {  	[smem:$0x3FA5] =	sst s3  }
0xc: {  	[smem:$0x3FA6] =	sst s4  }
0xd: {  	[smem:$0x3FA7] =	sst s5  }
0xe: {  	[smem:$0x3FA8] =	sst s6  }
0xf: {  	[smem:$0x3FA9] =	sst s7  }
0x10: {  	[smem:$0x3FAA] =	sst s8  }
0x11: {  	[smem:$0x3FAB] =	sst s9;
	s0 =	simm.s32 @!p0 $0x0  }
0x12: {  	s1 =	sld [smem:$0x3F91];
	s0 =	simm.s32 @p0 $0x1  }
0x13: {  	[smem:$0x3FAC] =	sst s0;
	s0 =	simm.s32 @!p1 $0x0  }
0x14: {  	s2 =	sld [smem:$0x3F90];
	s0 =	simm.s32 @p1 $0x1  }
0x15: {  	[smem:$0x3FAD] =	sst s0;
	s0 =	simm.s32 @!p2 $0x0  }
0x16: {  	s3 =	sld [smem:$0x3FDB];
	s0 =	simm.s32 @p2 $0x1  }
0x17: {  	s4 =	simm.s32 $0x1BF5;
	[smem:$0x3FAF] =	sst s0  }
0x18: {  	s0 =	sld [smem:$0x3F92];
	_ =	swait.ge [sflag:s4], $0x0  }
0x19: {  	s7 =	sld [smem:$0x3F93]  }
0x1a: {  	s8 =	sadd.s32 $0xFFFFE003, lr  }
0x1b: {  	s9 =	sadd.s32 $0xFFFFFEF7, lr;
	s5 =	simm.s32 $0xFFFFFFFF;
	p2 =	slt.u32 s8, $0xFFFFF086  }
0x1c: {  	p1 =	slt.u32 s9, $0xF7A;
	s5 =	simm.s32 @!p2 $0x0  }
0x1d: {  	s5 =	simm.s32 @p1 $0x1;
	p0 =	seq.s32 s7, s2  }
0x1e: {  	s7 =	smul.u32 @!p0 $0xF7A, s2;
	p2 =	seq.s32 @!p0 s5, $0x0  }
0x1f: {  	s9 =	smul.u32 $0xF7A, s1;
	s8 =	simm.s32 @!p0 $0x1BF5;
	p2 =	por !p2, p0  }
0x20: {  	[sflag:s8] =	ssyncset.s32 @!p0 $0xFFFFF086;
	s6 =	sadd.s32 @!p0 s3, s7;
	s7 =	simm.s32 @!p0 $0x108  }
0x21: {  	s3 =	sadd.s32 s3, s9;
	s6 =	sadd.s32 @!p0 $0x88, s6;
	s7 =	simm.s32 @p2 $0x1082  }
0x22: {  	[simem:s7], [sflag:s8] =	dma.local @!p0 [hbm:s6], $0xF7A  }
0x23: {  	s9 =	sor.u32 $0xD0000000, s2;
	s6 =	simm.s32 $0x108;
	_ =	swait.ge @!p0 [sflag:s8], $0x0  }
0x24: {  	s3 =	sadd.s32 $0x88, s3;
	s6 =	simm.s32 @!p1 $0x1082;
	[sflag:s4] =	ssyncset.s32 $0xFFFFF086  }
0x25: {  	[simem:s6], [sflag:s4] =	dma.local [hbm:s3], $0xF7A  }
0x26: {  	[smem:$0x3F93] =	sst s1;
	(tag) =	ssettag s2;
	_ =	strace s9  }
0x27: {  	s1 =	sld [smem:$0x3FA3]  }
0x28: {  	s2 =	sld [smem:$0x3FA4]  }
0x29: {  	s4 =	sld [smem:$0x3FA6]  }
0x2a: {  	p0 =	seq.s32 s5, $0x0;
	s5 =	sld [smem:$0x3FA7]  }
0x2b: {  	s6 =	sld [smem:$0x3FA8]  }
0x2c: {  	s7 =	sld [smem:$0x3FA9]  }
0x2d: {  	s3 =	simm.s32 $0x108;
	s8 =	sld [smem:$0x3FAA]  }
0x2e: {  	s3 =	simm.s32 @!p0 $0x1082;
	s9 =	sld [smem:$0x3FAB]  }
0x2f: {  	lr =	sadd.s32 s0, s3;
	s0 =	sld [smem:$0x3FA2]  }
0x30: {  	s3 =	sld [smem:$0x3FA5]  }
0x31: {  	[smem:$0x3FAE] =	sst s10  }
0x32: {  	s10 =	sld [smem:$0x3FAC];
	_ =	sdelay $0x3  }
0x33: {  	p0 =	seq.s32 s10, $0x1;
	s10 =	sld [smem:$0x3FAE];
	_ =	sdelay $0x3  }
0x34: {  	[smem:$0x3FAE] =	sst s10  }
0x35: {  	s10 =	sld [smem:$0x3FAD];
	_ =	sdelay $0x3  }
0x36: {  	p1 =	seq.s32 s10, $0x1;
	s10 =	sld [smem:$0x3FAE];
	_ =	sdelay $0x3  }
0x37: {  	[smem:$0x3FAE] =	sst s10  }
0x38: {  	s10 =	sld [smem:$0x3FAF]  }
0x39: {  	_ = 	snop;
	(pc) =	sbr.ind lr, $3  }
0x3a: {  	_ = 	snop  }
0x3b: {  	_ = 	snop  }
0x3c: {  	p2 =	seq.s32 s10, $0x1;
	s10 =	sld [smem:$0x3FAE]  }
0x3d: {  	_ =	shalt  }
0x3e: {  	_ =	shalt  }
0x3f: {  	_ =	shalt  }
0x40: {  	_ =	shalt  }
0x41: {  	_ =	shalt  }
0x42: {  	_ =	shalt  }
0x43: {  	_ =	shalt  }
0x44: {  	_ =	shalt  }
0x45: {  	_ =	shalt  }
0x46: {  	_ =	shalt  }
0x47: {  	_ =	shalt  }
0x48: {  	_ =	shalt  }
0x49: {  	_ =	shalt  }
0x4a: {  	_ =	shalt  }
0x4b: {  	_ =	shalt  }
0x4c: {  	_ =	shalt  }
0x4d: {  	_ =	shalt  }
0x4e: {  	_ =	shalt  }
0x4f: {  	_ =	shalt  }
0x50: {  	_ =	shalt  }
0x51: {  	_ =	shalt  }
0x52: {  	_ =	shalt  }
0x53: {  	_ =	shalt  }
0x54: {  	_ =	shalt  }
0x55: {  	_ =	shalt  }
0x56: {  	_ =	shalt  }
0x57: {  	_ =	shalt  }
0x58: {  	_ =	shalt  }
0x59: {  	_ =	shalt  }
0x5a: {  	_ =	shalt  }
0x5b: {  	_ =	shalt  }
0x5c: {  	_ =	shalt  }
0x5d: {  	_ =	shalt  }
0x5e: {  	_ =	shalt  }
0x5f: {  	_ =	shalt  }
0x60: {  	_ =	shalt  }
0x61: {  	_ =	shalt  }
0x62: {  	_ =	shalt  }
0x63: {  	_ =	shalt  }
0x64: {  	_ =	shalt  }
0x65: {  	_ =	shalt  }
0x66: {  	_ =	shalt  }
0x67: {  	_ =	shalt  }
0x68: {  	_ =	shalt  }
0x69: {  	_ =	shalt  }
0x6a: {  	_ =	shalt  }
0x6b: {  	_ =	shalt  }
0x6c: {  	_ =	shalt  }
0x6d: {  	_ =	shalt  }
0x6e: {  	_ =	shalt  }
0x6f: {  	_ =	shalt  }
0x70: {  	_ =	shalt  }
0x71: {  	_ =	shalt  }
0x72: {  	_ =	shalt  }
0x73: {  	_ =	shalt  }
0x74: {  	_ =	shalt  }
0x75: {  	_ =	shalt  }
0x76: {  	_ =	shalt  }
0x77: {  	_ =	shalt  }
0x78: {  	_ =	shalt  }
0x79: {  	_ =	shalt  }
0x7a: {  	_ =	shalt  }
0x7b: {  	_ =	shalt  }
0x7c: {  	_ =	shalt  }
0x7d: {  	_ =	shalt  }
0x7e: {  	_ =	shalt  }
0x7f: {  	_ =	shalt  }
0x80: {  	_ =	shalt  }
0x81: {  	_ =	shalt  }
0x82: {  	_ =	shalt  }
0x83: {  	_ =	shalt  }
0x84: {  	_ =	shalt  }
0x85: {  	_ =	shalt  }
0x86: {  	_ =	shalt  }
0x87: {  	_ =	shalt  }
.Lfunc_end0:
.L_simem_size_0:
called_computation.2_lowered:
.L_overlay_start_0:
0x88: {  	s2 =	sld [smem:$0x3FD9]  }
0x89: {  	s3 =	sld [smem:$0x3FFE];
	_ =	sdelay $0x1  }
0x8a: {  	s1 =	srdreg.scid  }
0x8b: {  	s0 =	sand.u32 $0x1, s1  }
0x8c: {  	s16 =	sshll.u32 s0, $0xA;
	s2 =	sadd.s32 s3, s2  }
0x8d: {  	s2 =	sadd.s32 s2, s16  }
0x8e: {  	[smem:$0x3FBA] =	sst s2  }
0x8f: {  	_ = 	snop  }
0x90: {  	(tm) =	ssettm $0x1  }
0x91: {  	s17 =	sld [smem:$0x3FFB];
	_ =	sdelay $0x3  }
0x92: {  	_ =	strace s17  }
0x93: {  	s2 =	sld [smem:$0x3FFC];
	_ =	sdelay $0x3  }
0x94: {  	_ =	strace s2  }
0x95: {  	s2 =	sld [smem:$0x3FFD];
	_ =	sdelay $0x3  }
0x96: {  	_ =	strace s2  }
0x97: {  	_ =	strace $0x8FFFFFFF  }
0x98: {  	s18 =	sld [smem:$0x3FDB];
	_ =	sdelay $0x1  }
0x99: {  	s19 =	simm.s32 $_scs_section_size  }
0x9a: {  	s4 =	simm.s32 $_size__tile_overlayer_lowered;
	s5 =	simm.s32 $_tile_overlayer_lowered  }
0x9b: {  	s22 =	simm.s32 $0x1BFF;
	s21 =	sshll.u32 s5, $0x1;
	s2 =	sadd.s32 s19, s18  }
0x9c: {  	s6 =	simm.s32 $0x0;
	s20 =	sshll.u32 s4, $0x1;
	s4 =	sadd.s32 s21, s2  }
0x9d: {  	[timem:s6], [sflag:s22] =	dma.local [hbm:s4], s20  }
0x9e: {  	_ =	swait.ge [sflag:s22], s20  }
0x9f: {  	s3 =	ssub.s32 $0x0, s20;
	[sflag:s22] =	ssyncset.done $0x0  }
0xa0: {  	[sflag:s22] =	ssyncadd.s32 s3;
	_ =	sdelay $0x1  }
0xa1: {  	s23 =	simm.s32 $0x1B8B  }
0xa2: {  	_ =	swait.ge [sflag:s23], $0x1  }
0xa3: {  	[sflag:s23] =	ssyncset.done $0x0  }
0xa4: {  	s25 =	simm.s32 $0x1B8E;
	s24 =	sld [smem:$0x3FFE];
	[sflag:s23] =	ssyncadd.s32 $0xFFFFFFFF  }
0xa5: {  	s26 =	simm.s32 $execute0_lowered;
	[smem:$0x3FD2] =	sst s25  }
0xa6: {  	s4 =	sshll.u32 s26, $0x1;
	_ =	strace $0x8000004C;
	[dreg:$0x1] =	wrdreg $0xFFFFFFFF  }
0xa7: {  	s28 =	simm.s32 $_size_execute0_lowered;
	s2 =	sadd.s32 s2, s4;
	[dreg:$0x0] =	wrdreg $0x0  }
0xa8: {  	s4 =	sshll.u32 s28, $0x1;
	[dreg:$0x2] =	wrdreg s2  }
0xa9: {  	[dreg:$0x3] =	wrdreg s4  }
0xaa: {  	[dreg:$0x4] =	wrdreg $0xC0  }
0xab: {  	_ =	task [dreg:s6], $0x5FFFF  }
0xac: {  	[dreg:$0x1] =	wrdreg $0xFFFFFFFF  }
0xad: {  	[dreg:$0x0] =	wrdreg $0x60  }
0xae: {  	[dreg:$0x2] =	wrdreg s24  }
0xaf: {  	[dreg:$0x3] =	wrdreg $0x90000  }
0xb0: {  	[dreg:$0x4] =	wrdreg $0x9  }
0xb1: {  	_ =	task.clear_ibuf [dreg:s6], $0x5FFFF;
	_ =	strace $0x9000004C  }
0xb2: {  	s29 =	simm.s32 $0x9;
	_ =	strace $0x8000004E  }
0xb3: {  	_ =	swait.ge [sflag:s29], $0x1  }
0xb4: {  	[sflag:s29] =	ssyncadd.s32 $0xFFFFFFFF  }
0xb5: {  	_ =	strace $0x9000004E  }
0xb6: {  	_ =	sfence  }
0xb7: {  	s30 =	sld [smem:$0x0];
	_ =	sdelay $0x2  }
0xb8: {  	s31 =	sshll.u32 s1, $0xD;
	s1 =	sshrl.u32 s1, $0x2  }
0xb9: {  	s3 =	sand.u32 $0x4000, s31;
	s1 =	sadd.s32 s1, s30  }
0xba: {  	s0 =	sor.u32 s3, s0;
	s1 =	sshll.u32 s1, $0x11  }
0xbb: {  	s0 =	sor.u32 s1, s0  }
0xbc: {  	s0 =	sadd.s32 $0x8F2B, s0  }
0xbd: {  	[sflag:s0] =	ssyncadd.remote.s32 $0x1  }
0xbe: {  	_ =	sfence.sel $0xFFFF  }
0xbf: {  	[dreg:$0x0] =	wrdreg $0xFFFFFFFF;
	(pc) =	sbr.abs _section_cstart, $3  }
0xc0: {  	[dreg:$0x1] =	wrdreg $0xFFFFFFFF  }
0xc1: {  	_ =	task.clear_ibuf [dreg:s6], $0x2FFFF;
	_ =	strace $0x9FFFFFFF  }
0xc2: {  	(tm) =	ssettm $0x7FFFFFFF  }
0xc3: {  	_ =	shalt  }
tec
execute0_lowered:
.L_overlay_start_1:
0x0: {  	(tag) =	ssettag $0x1  }
0x1: {  	s0 =	srdreg.scid;
	s6 =	rddreg [dreg:$0x0]  }
0x2: {  	s2 =	rddreg [dreg:$0x1];
	s1 =	stileid.u32  }
0x3: {  	s3 =	simm.s32 $0x0;
	s15 =	simm.s32 $0x80;
	s16 =	simm.s32 $0x5000  }
0x4: {  	s17 =	simm.s32 $0x1;
	s5 =	sand.u32 $0x1, s0;
	s0 =	rddreg [dreg:$0x2]  }
0x5: {  	s20 =	simm.s32 $0x0;
	[smem:$0x7FF] =	sst s3;
	s11 =	smul.u32 $0x13C00, s1  }
0x6: {  	s12 =	sadd.s32 $0x1C400, s6;
	s31 =	smul.u32 $0x4F000, s1;
	s18 =	sadd.s32 $0x128400, s2  }
0x7: {  	s13 =	sshll.u32 s1, $0x6;
	p0 =	seq.s32 s1, $0xF;
	s4 =	sshll.u32 s5, $0x4  }
0x8: {  	_ =	strace $0x8000004D;
	s8 =	ssub.s32 $0x2, s5;
	s9 =	smul.u32 $0x138800, s5  }
0x9: {  	s5 =	sadd.s32 $0x19C00, s6;
	s13 =	sor.u32 $0x1C02, s13;
	s4 =	sor.u32 s1, s4  }
0xa: {  	s18 =	sshrl.u32 @p0 s18, $0x3;
	s10 =	sshrl.u32 s8, $0x1;
	s7 =	smul.u32 $0x500, s4  }
0xb: {  	s4 =	sadd.s32 $0xB8800, s6;
	s10 =	ssub.s32 s8, s10;
	s11 =	sadd.s32 s11, s9  }
0xc: {  	s8 =	sshrl.u32 s31, $0x2;
	s9 =	sshrl.u32 s9, $0x3;
	s11 =	sshrl.u32 s11, $0x3  }
0xd: {  	s19 =	sadd.s32 s8, s2;
	s9 =	sadd.s32 s12, s9;
	s10 =	smax.u32 s10, $0x1  }
0xe: {  	s7 =	sadd.s32 s7, s6;
	s8 =	sadd.s32 s12, s11;
	s9 =	sadd.s32 $0x25080, s9  }
0xf: {  	s11 =	simm.s32 $0x2;
	s12 =	simm.s32 $0x2800;
	s14 =	sshrl.u32 s19, $0x3  }
0x10: {  	s19 =	sshrl.u32 @!p0 s19, $0x3;
	s6 =	sadd.s32 $0x5C00, s7;
	s7 =	sadd.s32 $0xFC00, s7  }
.LBB2_1:
0x11: {  	[tilespmem:s3], [sflag:$0x2] =	stream.linear.gather [hbm4b:s6+s3], $0x2780, $0x38;
	[tilespmem:$0x1CC00] =	vst v63  }
0x12: {  	_ =	swait.ge [sflag:s11], $0x2780  }
0x13: {  	[sflag:s11] =	ssyncset.done $0x0  }
0x14: {  	[sflag:s11] =	ssyncadd.s32 $0xFFFFD880  }
0x15: {  	[tilespmem:s12], [sflag:$0x2] =	stream.linear.gather [hbm4b:s7+s3], $0x2780, $0x38;
	[tilespmem:$0x1CC00] =	vst v63  }
0x16: {  	_ =	swait.ge [sflag:s11], $0x2780  }
0x17: {  	[sflag:s11] =	ssyncset.done $0x0  }
0x18: {  	[sflag:s11] =	ssyncadd.s32 $0xFFFFD880  }
0x19: {  	[spmem:s14], [sflag:s13] =	dma.local [hbm:s5], $0x2780  }
0x1a: {  	_ =	swait.ge [sflag:s11], $0x2780  }
0x1b: {  	[sflag:s11] =	ssyncset.done $0x0  }
0x1c: {  	[sflag:s11] =	ssyncadd.s32 $0xFFFFD880  }
0x1d: {  	s21 =	simm.s32 $0x0;
	[bflag:$0x0] =	sbarrier.arrive $0xFFFF  }
0x1e: {  	[tilespmem:s16], [sflag:$0x1] =	stream.indirect.gather [hbm4b:s4+s15], $0x80, s21, s15, $0xb8;
	[tilespmem:$0x1CC00] =	vst v63  }
0x1f: {  	_ =	swait.ge [sflag:s17], $0x4000  }
0x20: {  	[sflag:s17] =	ssyncset.done $0x0  }
0x21: {  	s31 =	simm.s32 $0x2800;
	[sflag:s17] =	ssyncadd.s32 $0xFFFFC000  }
0x22: {  	[spmem:s2] =	stream.indirect.scatter.add.f32 [tilespmem:s16], [sflag:$0x2], $0x80, s31, s15, $0xb8;
	[tilespmem:$0x1CC00] =	vst v63  }
0x23: {  	_ =	swait.ge [sflag:s11], $0x4000  }
0x24: {  	s22 =	simm.s32 $0x400;
	s21 =	simm.s32 $0x200;
	[sflag:s11] =	ssyncset.done $0x0  }
.LBB2_2:
0x25: {  	s23 =	sshra.s32 s21, $0x2  }
0x26: {  	[sflag:s11] =	ssyncadd.s32 $0xFFFFC000;
	s21 =	smov.u32 s22;
	s24 =	sadd.s32 $0x200, s22  }
0x27: {  	[tilespmem:s16], [sflag:$0x1] =	stream.indirect.gather [hbm4b:s4+s15], $0x80, s23, s15, $0xb8;
	[tilespmem:$0x1CC00] =	vst v63  }
0x28: {  	p1 =	sne.s32 s22, $0x9C00;
	_ =	swait.ge [sflag:s17], $0x4000  }
.Ltmp0:
0x29: {  	[sflag:s17] =	ssyncset.done $0x0;
	(pc) =	sbr.rel @p1 .LBB2_2-.Ltmp0, $4  }
0x2a: {  	s22 =	sadd.s32 $0x2800, s23;
	[sflag:s17] =	ssyncadd.s32 $0xFFFFC000  }
0x2b: {  	[spmem:s2] =	stream.indirect.scatter.add.f32 [tilespmem:s16], [sflag:$0x2], $0x80, s22, s15, $0xb8;
	[tilespmem:$0x1CC00] =	vst v63  }
0x2c: {  	_ =	swait.ge [sflag:s11], $0x4000  }
0x2d: {  	s22 =	smov.u32 s24;
	[sflag:s11] =	ssyncset.done $0x0  }
0x2e: {  	s21 =	sshra.s32 s21, $0x2;
	[sflag:s11] =	ssyncadd.s32 $0xFFFFC000  }
0x2f: {  	[tilespmem:s16], [sflag:$0x1] =	stream.indirect.gather [hbm4b:s4+s15], $0x80, s21, s15, $0xb8;
	[tilespmem:$0x1CC00] =	vst v63  }
0x30: {  	_ =	swait.ge [sflag:s17], $0x4000  }
0x31: {  	[sflag:s17] =	ssyncset.done $0x0  }
0x32: {  	s21 =	sadd.s32 $0x2800, s21;
	[sflag:s17] =	ssyncadd.s32 $0xFFFFC000  }
0x33: {  	[spmem:s2] =	stream.indirect.scatter.add.f32 [tilespmem:s16], [sflag:$0x2], $0x80, s21, s15, $0xb8;
	[tilespmem:$0x1CC00] =	vst v63  }
0x34: {  	_ =	swait.ge [sflag:s11], $0x4000  }
0x35: {  	[sflag:s11] =	ssyncset.done $0x0  }
0x36: {  	[sflag:s11] =	ssyncadd.s32 $0xFFFFC000  }
0x37: {  	s21 =	simm.s32 @p0 $0x2;
	[bflag:$0x0] =	sbarrier.arrive $0xFFFF  }
0x38: {  	[hbm:s9], [sflag:s13] =	dma.local @p0 [spmem:s18], $0x2080  }
0x39: {  	s20 =	sadd.s32 $0x1, s20;
	_ =	swait.ge @p0 [sflag:s21], $0x2080  }
0x3a: {  	p1 =	sne.s32 s20, s10;
	[sflag:s21] =	ssyncset.done @p0 $0x0  }
.Ltmp1:
0x3b: {  	[sflag:s21] =	ssyncadd.s32 @p0 $0xFFFFDF80;
	s21 =	simm.s32 @!p0 $0x2;
	(pc) =	sbr.rel @p1 .LBB2_1-.Ltmp1, $4  }
0x3c: {  	[hbm:s8], [sflag:s13] =	dma.local @!p0 [spmem:s19], $0x2780  }
0x3d: {  	_ =	swait.ge @!p0 [sflag:s21], $0x2780  }
0x3e: {  	[sflag:s21] =	ssyncset.done @!p0 $0x0  }
0x3f: {  	[sflag:s21] =	ssyncadd.s32 @!p0 $0xFFFFD880  }
0x40: {  	_ =	sfence.sel $0x180000  }
0x41: {  	[bflag:$0x0] =	sbarrier.arrive $0xFFFF  }
0x42: {  	p0 =	sne.s32 s1, $0x0;
	_ =	strace $0x9000004D  }
0x43: {  	s0 =	sadd.s32 @!p0 $0x100000, s0;
	[bflag:$0x2] =	sbarrier.arrive $0xFFFF  }
0x44: {  	[sflag:s0] =	ssyncadd.tile.s32 @!p0 $0x1;
	_ =	shalt  }
.Lfunc_end2:
_tile_overlayer_lowered:
.L_overlay_start_2:
0x45: {  	(tag) =	ssettag $0x2  }
0x46: {  	s0 =	rddreg [dreg:$0x0];
	s2 =	stileid.u32  }
0x47: {  	s1 =	rddreg [dreg:$0x1];
	p0 =	sne.s32 s2, $0x0  }
0x48: {  	s3 =	rddreg [dreg:$0x2];
	[bflag:$0x3] =	sbarrier.arrive $0xFFFF;
	s2 =	simm.s32 @!p0 $0x1C02  }
0x49: {  	[timem:s3], [sflag:s2] =	dma.local @!p0 [hbm:s0], s1  }
0x4a: {  	s0 =	simm.s32 @!p0 $0x2  }
0x4b: {  	_ =	swait.ge @!p0 [sflag:s0], s1  }
0x4c: {  	s1 =	ssub.s32 @!p0 $0x0, s1;
	[sflag:s0] =	ssyncset.done @!p0 $0x0  }
0x4d: {  	[sflag:s0] =	ssyncadd.s32 @!p0 s1  }
0x4e: {  	[bflag:$0x3] =	sbarrier.arrive $0xFFFF  }
0x4f: {  	_ =	shalt  }

// kernel: kernel.29.cloned.1.call-start
scs
__scs_entry_jumppad:
0x0: {  	(pc) =	sbr.rel $0x88, $3  }
0x1: {  	(tag) =	ssettag $0x0;
	lr =	simm.s32 $0x1  }
0x2: {  	[smem:$0x3F93] =	sst lr;
	_ =	strace $0xD0000000  }
0x3: {  	_ = 	snop  }
0x4: {  	_ = 	snop  }
0x5: {  	_ = 	snop  }
0x6: {  	_ = 	snop  }
0x7: {  	_ = 	snop  }
__scs_overlays_trampoline_lowered:
0x8: {  	[smem:$0x3FA2] =	sst s0  }
0x9: {  	[smem:$0x3FA3] =	sst s1  }
0xa: {  	[smem:$0x3FA4] =	sst s2  }
0xb: {  	[smem:$0x3FA5] =	sst s3  }
0xc: {  	[smem:$0x3FA6] =	sst s4  }
0xd: {  	[smem:$0x3FA7] =	sst s5  }
0xe: {  	[smem:$0x3FA8] =	sst s6  }
0xf: {  	[smem:$0x3FA9] =	sst s7  }
0x10: {  	[smem:$0x3FAA] =	sst s8  }
0x11: {  	[smem:$0x3FAB] =	sst s9;
	s0 =	simm.s32 @!p0 $0x0  }
0x12: {  	s1 =	sld [smem:$0x3F91];
	s0 =	simm.s32 @p0 $0x1  }
0x13: {  	[smem:$0x3FAC] =	sst s0;
	s0 =	simm.s32 @!p1 $0x0  }
0x14: {  	s2 =	sld [smem:$0x3F90];
	s0 =	simm.s32 @p1 $0x1  }
0x15: {  	[smem:$0x3FAD] =	sst s0;
	s0 =	simm.s32 @!p2 $0x0  }
0x16: {  	s3 =	sld [smem:$0x3FDB];
	s0 =	simm.s32 @p2 $0x1  }
0x17: {  	s4 =	simm.s32 $0x1BF5;
	[smem:$0x3FAF] =	sst s0  }
0x18: {  	s0 =	sld [smem:$0x3F92];
	_ =	swait.ge [sflag:s4], $0x0  }
0x19: {  	s7 =	sld [smem:$0x3F93]  }
0x1a: {  	s8 =	sadd.s32 $0xFFFFE003, lr  }
0x1b: {  	s9 =	sadd.s32 $0xFFFFFEF7, lr;
	s5 =	simm.s32 $0xFFFFFFFF;
	p2 =	slt.u32 s8, $0xFFFFF086  }
0x1c: {  	p1 =	slt.u32 s9, $0xF7A;
	s5 =	simm.s32 @!p2 $0x0  }
0x1d: {  	s5 =	simm.s32 @p1 $0x1;
	p0 =	seq.s32 s7, s2  }
0x1e: {  	s7 =	smul.u32 @!p0 $0xF7A, s2;
	p2 =	seq.s32 @!p0 s5, $0x0  }
0x1f: {  	s9 =	smul.u32 $0xF7A, s1;
	s8 =	simm.s32 @!p0 $0x1BF5;
	p2 =	por !p2, p0  }
0x20: {  	[sflag:s8] =	ssyncset.s32 @!p0 $0xFFFFF086;
	s6 =	sadd.s32 @!p0 s3, s7;
	s7 =	simm.s32 @!p0 $0x108  }
0x21: {  	s3 =	sadd.s32 s3, s9;
	s6 =	sadd.s32 @!p0 $0x88, s6;
	s7 =	simm.s32 @p2 $0x1082  }
0x22: {  	[simem:s7], [sflag:s8] =	dma.local @!p0 [hbm:s6], $0xF7A  }
0x23: {  	s9 =	sor.u32 $0xD0000000, s2;
	s6 =	simm.s32 $0x108;
	_ =	swait.ge @!p0 [sflag:s8], $0x0  }
0x24: {  	s3 =	sadd.s32 $0x88, s3;
	s6 =	simm.s32 @!p1 $0x1082;
	[sflag:s4] =	ssyncset.s32 $0xFFFFF086  }
0x25: {  	[simem:s6], [sflag:s4] =	dma.local [hbm:s3], $0xF7A  }
0x26: {  	[smem:$0x3F93] =	sst s1;
	(tag) =	ssettag s2;
	_ =	strace s9  }
0x27: {  	s1 =	sld [smem:$0x3FA3]  }
0x28: {  	s2 =	sld [smem:$0x3FA4]  }
0x29: {  	s4 =	sld [smem:$0x3FA6]  }
0x2a: {  	p0 =	seq.s32 s5, $0x0;
	s5 =	sld [smem:$0x3FA7]  }
0x2b: {  	s6 =	sld [smem:$0x3FA8]  }
0x2c: {  	s7 =	sld [smem:$0x3FA9]  }
0x2d: {  	s3 =	simm.s32 $0x108;
	s8 =	sld [smem:$0x3FAA]  }
0x2e: {  	s3 =	simm.s32 @!p0 $0x1082;
	s9 =	sld [smem:$0x3FAB]  }
0x2f: {  	lr =	sadd.s32 s0, s3;
	s0 =	sld [smem:$0x3FA2]  }
0x30: {  	s3 =	sld [smem:$0x3FA5]  }
0x31: {  	[smem:$0x3FAE] =	sst s10  }
0x32: {  	s10 =	sld [smem:$0x3FAC];
	_ =	sdelay $0x3  }
0x33: {  	p0 =	seq.s32 s10, $0x1;
	s10 =	sld [smem:$0x3FAE];
	_ =	sdelay $0x3  }
0x34: {  	[smem:$0x3FAE] =	sst s10  }
0x35: {  	s10 =	sld [smem:$0x3FAD];
	_ =	sdelay $0x3  }
0x36: {  	p1 =	seq.s32 s10, $0x1;
	s10 =	sld [smem:$0x3FAE];
	_ =	sdelay $0x3  }
0x37: {  	[smem:$0x3FAE] =	sst s10  }
0x38: {  	s10 =	sld [smem:$0x3FAF]  }
0x39: {  	_ = 	snop;
	(pc) =	sbr.ind lr, $3  }
0x3a: {  	_ = 	snop  }
0x3b: {  	_ = 	snop  }
0x3c: {  	p2 =	seq.s32 s10, $0x1;
	s10 =	sld [smem:$0x3FAE]  }
0x3d: {  	_ =	shalt  }
0x3e: {  	_ =	shalt  }
0x3f: {  	_ =	shalt  }
0x40: {  	_ =	shalt  }
0x41: {  	_ =	shalt  }
0x42: {  	_ =	shalt  }
0x43: {  	_ =	shalt  }
0x44: {  	_ =	shalt  }
0x45: {  	_ =	shalt  }
0x46: {  	_ =	shalt  }
0x47: {  	_ =	shalt  }
0x48: {  	_ =	shalt  }
0x49: {  	_ =	shalt  }
0x4a: {  	_ =	shalt  }
0x4b: {  	_ =	shalt  }
0x4c: {  	_ =	shalt  }
0x4d: {  	_ =	shalt  }
0x4e: {  	_ =	shalt  }
0x4f: {  	_ =	shalt  }
0x50: {  	_ =	shalt  }
0x51: {  	_ =	shalt  }
0x52: {  	_ =	shalt  }
0x53: {  	_ =	shalt  }
0x54: {  	_ =	shalt  }
0x55: {  	_ =	shalt  }
0x56: {  	_ =	shalt  }
0x57: {  	_ =	shalt  }
0x58: {  	_ =	shalt  }
0x59: {  	_ =	shalt  }
0x5a: {  	_ =	shalt  }
0x5b: {  	_ =	shalt  }
0x5c: {  	_ =	shalt  }
0x5d: {  	_ =	shalt  }
0x5e: {  	_ =	shalt  }
0x5f: {  	_ =	shalt  }
0x60: {  	_ =	shalt  }
0x61: {  	_ =	shalt  }
0x62: {  	_ =	shalt  }
0x63: {  	_ =	shalt  }
0x64: {  	_ =	shalt  }
0x65: {  	_ =	shalt  }
0x66: {  	_ =	shalt  }
0x67: {  	_ =	shalt  }
0x68: {  	_ =	shalt  }
0x69: {  	_ =	shalt  }
0x6a: {  	_ =	shalt  }
0x6b: {  	_ =	shalt  }
0x6c: {  	_ =	shalt  }
0x6d: {  	_ =	shalt  }
0x6e: {  	_ =	shalt  }
0x6f: {  	_ =	shalt  }
0x70: {  	_ =	shalt  }
0x71: {  	_ =	shalt  }
0x72: {  	_ =	shalt  }
0x73: {  	_ =	shalt  }
0x74: {  	_ =	shalt  }
0x75: {  	_ =	shalt  }
0x76: {  	_ =	shalt  }
0x77: {  	_ =	shalt  }
0x78: {  	_ =	shalt  }
0x79: {  	_ =	shalt  }
0x7a: {  	_ =	shalt  }
0x7b: {  	_ =	shalt  }
0x7c: {  	_ =	shalt  }
0x7d: {  	_ =	shalt  }
0x7e: {  	_ =	shalt  }
0x7f: {  	_ =	shalt  }
0x80: {  	_ =	shalt  }
0x81: {  	_ =	shalt  }
0x82: {  	_ =	shalt  }
0x83: {  	_ =	shalt  }
0x84: {  	_ =	shalt  }
0x85: {  	_ =	shalt  }
0x86: {  	_ =	shalt  }
0x87: {  	_ =	shalt  }
.Lfunc_end0:
.L_simem_size_0:
called_computation.3_lowered:
.L_overlay_start_0:
0x88: {  	s2 =	sld [smem:$0x3FD9]  }
0x89: {  	s3 =	sld [smem:$0x3FFE];
	_ =	sdelay $0x1  }
0x8a: {  	s1 =	srdreg.scid  }
0x8b: {  	s0 =	sand.u32 $0x1, s1  }
0x8c: {  	s16 =	sshll.u32 s0, $0xA;
	s2 =	sadd.s32 s3, s2  }
0x8d: {  	s2 =	sadd.s32 s2, s16  }
0x8e: {  	[smem:$0x3FBA] =	sst s2  }
0x8f: {  	_ = 	snop  }
0x90: {  	(tm) =	ssettm $0x1  }
0x91: {  	s17 =	sld [smem:$0x3FFB];
	_ =	sdelay $0x3  }
0x92: {  	_ =	strace s17  }
0x93: {  	s2 =	sld [smem:$0x3FFC];
	_ =	sdelay $0x3  }
0x94: {  	_ =	strace s2  }
0x95: {  	s2 =	sld [smem:$0x3FFD];
	_ =	sdelay $0x3  }
0x96: {  	_ =	strace s2  }
0x97: {  	_ =	strace $0x8FFFFFFF  }
0x98: {  	s18 =	sld [smem:$0x3FDB];
	_ =	sdelay $0x1  }
0x99: {  	s19 =	simm.s32 $_scs_section_size  }
0x9a: {  	s4 =	simm.s32 $_size__tile_overlayer_lowered;
	s5 =	simm.s32 $_tile_overlayer_lowered  }
0x9b: {  	s22 =	simm.s32 $0x1BFF;
	s21 =	sshll.u32 s5, $0x1;
	s2 =	sadd.s32 s19, s18  }
0x9c: {  	s6 =	simm.s32 $0x0;
	s20 =	sshll.u32 s4, $0x1;
	s4 =	sadd.s32 s21, s2  }
0x9d: {  	[timem:s6], [sflag:s22] =	dma.local [hbm:s4], s20  }
0x9e: {  	_ =	swait.ge [sflag:s22], s20  }
0x9f: {  	s3 =	ssub.s32 $0x0, s20;
	[sflag:s22] =	ssyncset.done $0x0  }
0xa0: {  	[sflag:s22] =	ssyncadd.s32 s3;
	_ =	sdelay $0x1  }
0xa1: {  	s23 =	simm.s32 $0x1B8B  }
0xa2: {  	_ =	swait.ge [sflag:s23], $0x1  }
0xa3: {  	[sflag:s23] =	ssyncset.done $0x0  }
0xa4: {  	s25 =	simm.s32 $0x1B8E;
	s24 =	sld [smem:$0x3FFE];
	[sflag:s23] =	ssyncadd.s32 $0xFFFFFFFF  }
0xa5: {  	s26 =	simm.s32 $execute0_lowered;
	[smem:$0x3FD2] =	sst s25  }
0xa6: {  	s4 =	sshll.u32 s26, $0x1;
	_ =	strace $0x8000004F;
	[dreg:$0x1] =	wrdreg $0xFFFFFFFF  }
0xa7: {  	s28 =	simm.s32 $_size_execute0_lowered;
	s2 =	sadd.s32 s2, s4;
	[dreg:$0x0] =	wrdreg $0x0  }
0xa8: {  	s4 =	sshll.u32 s28, $0x1;
	[dreg:$0x2] =	wrdreg s2  }
0xa9: {  	[dreg:$0x3] =	wrdreg s4  }
0xaa: {  	[dreg:$0x4] =	wrdreg $0xC0  }
0xab: {  	_ =	task [dreg:s6], $0x5FFFF  }
0xac: {  	[dreg:$0x1] =	wrdreg $0xFFFFFFFF  }
0xad: {  	[dreg:$0x0] =	wrdreg $0x60  }
0xae: {  	[dreg:$0x2] =	wrdreg s24  }
0xaf: {  	[dreg:$0x3] =	wrdreg $0x90000  }
0xb0: {  	[dreg:$0x4] =	wrdreg $0x9  }
0xb1: {  	_ =	task.clear_ibuf [dreg:s6], $0x5FFFF;
	_ =	strace $0x9000004F  }
0xb2: {  	s29 =	simm.s32 $0x9;
	_ =	strace $0x80000051  }
0xb3: {  	_ =	swait.ge [sflag:s29], $0x1  }
0xb4: {  	[sflag:s29] =	ssyncadd.s32 $0xFFFFFFFF  }
0xb5: {  	_ =	strace $0x90000051  }
0xb6: {  	_ =	sfence  }
0xb7: {  	s30 =	sld [smem:$0x0];
	_ =	sdelay $0x2  }
0xb8: {  	s31 =	sshll.u32 s1, $0xD;
	s1 =	sshrl.u32 s1, $0x2  }
0xb9: {  	s3 =	sand.u32 $0x4000, s31;
	s1 =	sadd.s32 s1, s30  }
0xba: {  	s0 =	sor.u32 s3, s0;
	s1 =	sshll.u32 s1, $0x11  }
0xbb: {  	s0 =	sor.u32 s1, s0  }
0xbc: {  	s0 =	sadd.s32 $0x8F2B, s0  }
0xbd: {  	[sflag:s0] =	ssyncadd.remote.s32 $0x1  }
0xbe: {  	_ =	sfence.sel $0xFFFF  }
0xbf: {  	[dreg:$0x0] =	wrdreg $0xFFFFFFFF;
	(pc) =	sbr.abs _section_cstart, $3  }
0xc0: {  	[dreg:$0x1] =	wrdreg $0xFFFFFFFF  }
0xc1: {  	_ =	task.clear_ibuf [dreg:s6], $0x2FFFF;
	_ =	strace $0x9FFFFFFF  }
0xc2: {  	(tm) =	ssettm $0x7FFFFFFF  }
0xc3: {  	_ =	shalt  }
tec
execute0_lowered:
.L_overlay_start_1:
0x0: {  	(tag) =	ssettag $0x1  }
0x1: {  	s0 =	srdreg.scid;
	s6 =	rddreg [dreg:$0x0]  }
0x2: {  	s2 =	rddreg [dreg:$0x1];
	s1 =	stileid.u32  }
0x3: {  	s3 =	simm.s32 $0x0;
	s15 =	simm.s32 $0x80;
	s16 =	simm.s32 $0x5000  }
0x4: {  	s17 =	simm.s32 $0x1;
	s5 =	sand.u32 $0x1, s0;
	s0 =	rddreg [dreg:$0x2]  }
0x5: {  	s20 =	simm.s32 $0x0;
	[smem:$0x7FF] =	sst s3;
	s11 =	smul.u32 $0x13C00, s1  }
0x6: {  	s12 =	sadd.s32 $0x1C400, s6;
	s31 =	smul.u32 $0x4F000, s1;
	s18 =	sadd.s32 $0x128400, s2  }
0x7: {  	s13 =	sshll.u32 s1, $0x6;
	p0 =	seq.s32 s1, $0xF;
	s4 =	sshll.u32 s5, $0x4  }
0x8: {  	_ =	strace $0x80000050;
	s8 =	ssub.s32 $0x2, s5;
	s9 =	smul.u32 $0x138800, s5  }
0x9: {  	s5 =	sadd.s32 $0x19C00, s6;
	s13 =	sor.u32 $0x1C02, s13;
	s4 =	sor.u32 s1, s4  }
0xa: {  	s18 =	sshrl.u32 @p0 s18, $0x3;
	s10 =	sshrl.u32 s8, $0x1;
	s7 =	smul.u32 $0x500, s4  }
0xb: {  	s4 =	sadd.s32 $0xB8800, s6;
	s10 =	ssub.s32 s8, s10;
	s11 =	sadd.s32 s11, s9  }
0xc: {  	s8 =	sshrl.u32 s31, $0x2;
	s9 =	sshrl.u32 s9, $0x3;
	s11 =	sshrl.u32 s11, $0x3  }
0xd: {  	s19 =	sadd.s32 s8, s2;
	s9 =	sadd.s32 s12, s9;
	s10 =	smax.u32 s10, $0x1  }
0xe: {  	s7 =	sadd.s32 s7, s6;
	s8 =	sadd.s32 s12, s11;
	s9 =	sadd.s32 $0x25080, s9  }
0xf: {  	s11 =	simm.s32 $0x2;
	s12 =	simm.s32 $0x2800;
	s14 =	sshrl.u32 s19, $0x3  }
0x10: {  	s19 =	sshrl.u32 @!p0 s19, $0x3;
	s6 =	sadd.s32 $0x5C00, s7;
	s7 =	sadd.s32 $0xFC00, s7  }
.LBB2_1:
0x11: {  	[tilespmem:s3], [sflag:$0x2] =	stream.linear.gather [hbm4b:s6+s3], $0x2780, $0x38;
	[tilespmem:$0x1CC00] =	vst v63  }
0x12: {  	_ =	swait.ge [sflag:s11], $0x2780  }
0x13: {  	[sflag:s11] =	ssyncset.done $0x0  }
0x14: {  	[sflag:s11] =	ssyncadd.s32 $0xFFFFD880  }
0x15: {  	[tilespmem:s12], [sflag:$0x2] =	stream.linear.gather [hbm4b:s7+s3], $0x2780, $0x38;
	[tilespmem:$0x1CC00] =	vst v63  }
0x16: {  	_ =	swait.ge [sflag:s11], $0x2780  }
0x17: {  	[sflag:s11] =	ssyncset.done $0x0  }
0x18: {  	[sflag:s11] =	ssyncadd.s32 $0xFFFFD880  }
0x19: {  	[spmem:s14], [sflag:s13] =	dma.local [hbm:s5], $0x2780  }
0x1a: {  	_ =	swait.ge [sflag:s11], $0x2780  }
0x1b: {  	[sflag:s11] =	ssyncset.done $0x0  }
0x1c: {  	[sflag:s11] =	ssyncadd.s32 $0xFFFFD880  }
0x1d: {  	s21 =	simm.s32 $0x0;
	[bflag:$0x0] =	sbarrier.arrive $0xFFFF  }
0x1e: {  	[tilespmem:s16], [sflag:$0x1] =	stream.indirect.gather [hbm4b:s4+s15], $0x80, s21, s15, $0xb8;
	[tilespmem:$0x1CC00] =	vst v63  }
0x1f: {  	_ =	swait.ge [sflag:s17], $0x4000  }
0x20: {  	[sflag:s17] =	ssyncset.done $0x0  }
0x21: {  	s31 =	simm.s32 $0x2800;
	[sflag:s17] =	ssyncadd.s32 $0xFFFFC000  }
0x22: {  	[spmem:s2] =	stream.indirect.scatter.add.f32 [tilespmem:s16], [sflag:$0x2], $0x80, s31, s15, $0xb8;
	[tilespmem:$0x1CC00] =	vst v63  }
0x23: {  	_ =	swait.ge [sflag:s11], $0x4000  }
0x24: {  	s22 =	simm.s32 $0x400;
	s21 =	simm.s32 $0x200;
	[sflag:s11] =	ssyncset.done $0x0  }
.LBB2_2:
0x25: {  	s23 =	sshra.s32 s21, $0x2  }
0x26: {  	[sflag:s11] =	ssyncadd.s32 $0xFFFFC000;
	s21 =	smov.u32 s22;
	s24 =	sadd.s32 $0x200, s22  }
0x27: {  	[tilespmem:s16], [sflag:$0x1] =	stream.indirect.gather [hbm4b:s4+s15], $0x80, s23, s15, $0xb8;
	[tilespmem:$0x1CC00] =	vst v63  }
0x28: {  	p1 =	sne.s32 s22, $0x9C00;
	_ =	swait.ge [sflag:s17], $0x4000  }
.Ltmp0:
0x29: {  	[sflag:s17] =	ssyncset.done $0x0;
	(pc) =	sbr.rel @p1 .LBB2_2-.Ltmp0, $4  }
0x2a: {  	s22 =	sadd.s32 $0x2800, s23;
	[sflag:s17] =	ssyncadd.s32 $0xFFFFC000  }
0x2b: {  	[spmem:s2] =	stream.indirect.scatter.add.f32 [tilespmem:s16], [sflag:$0x2], $0x80, s22, s15, $0xb8;
	[tilespmem:$0x1CC00] =	vst v63  }
0x2c: {  	_ =	swait.ge [sflag:s11], $0x4000  }
0x2d: {  	s22 =	smov.u32 s24;
	[sflag:s11] =	ssyncset.done $0x0  }
0x2e: {  	s21 =	sshra.s32 s21, $0x2;
	[sflag:s11] =	ssyncadd.s32 $0xFFFFC000  }
0x2f: {  	[tilespmem:s16], [sflag:$0x1] =	stream.indirect.gather [hbm4b:s4+s15], $0x80, s21, s15, $0xb8;
	[tilespmem:$0x1CC00] =	vst v63  }
0x30: {  	_ =	swait.ge [sflag:s17], $0x4000  }
0x31: {  	[sflag:s17] =	ssyncset.done $0x0  }
0x32: {  	s21 =	sadd.s32 $0x2800, s21;
	[sflag:s17] =	ssyncadd.s32 $0xFFFFC000  }
0x33: {  	[spmem:s2] =	stream.indirect.scatter.add.f32 [tilespmem:s16], [sflag:$0x2], $0x80, s21, s15, $0xb8;
	[tilespmem:$0x1CC00] =	vst v63  }
0x34: {  	_ =	swait.ge [sflag:s11], $0x4000  }
0x35: {  	[sflag:s11] =	ssyncset.done $0x0  }
0x36: {  	[sflag:s11] =	ssyncadd.s32 $0xFFFFC000  }
0x37: {  	s21 =	simm.s32 @p0 $0x2;
	[bflag:$0x0] =	sbarrier.arrive $0xFFFF  }
0x38: {  	[hbm:s9], [sflag:s13] =	dma.local @p0 [spmem:s18], $0x2080  }
0x39: {  	s20 =	sadd.s32 $0x1, s20;
	_ =	swait.ge @p0 [sflag:s21], $0x2080  }
0x3a: {  	p1 =	sne.s32 s20, s10;
	[sflag:s21] =	ssyncset.done @p0 $0x0  }
.Ltmp1:
0x3b: {  	[sflag:s21] =	ssyncadd.s32 @p0 $0xFFFFDF80;
	s21 =	simm.s32 @!p0 $0x2;
	(pc) =	sbr.rel @p1 .LBB2_1-.Ltmp1, $4  }
0x3c: {  	[hbm:s8], [sflag:s13] =	dma.local @!p0 [spmem:s19], $0x2780  }
0x3d: {  	_ =	swait.ge @!p0 [sflag:s21], $0x2780  }
0x3e: {  	[sflag:s21] =	ssyncset.done @!p0 $0x0  }
0x3f: {  	[sflag:s21] =	ssyncadd.s32 @!p0 $0xFFFFD880  }
0x40: {  	_ =	sfence.sel $0x180000  }
0x41: {  	[bflag:$0x0] =	sbarrier.arrive $0xFFFF  }
0x42: {  	p0 =	sne.s32 s1, $0x0;
	_ =	strace $0x90000050  }
0x43: {  	s0 =	sadd.s32 @!p0 $0x100000, s0;
	[bflag:$0x2] =	sbarrier.arrive $0xFFFF  }
0x44: {  	[sflag:s0] =	ssyncadd.tile.s32 @!p0 $0x1;
	_ =	shalt  }
.Lfunc_end2:
_tile_overlayer_lowered:
.L_overlay_start_2:
0x45: {  	(tag) =	ssettag $0x2  }
0x46: {  	s0 =	rddreg [dreg:$0x0];
	s2 =	stileid.u32  }
0x47: {  	s1 =	rddreg [dreg:$0x1];
	p0 =	sne.s32 s2, $0x0  }
0x48: {  	s3 =	rddreg [dreg:$0x2];
	[bflag:$0x3] =	sbarrier.arrive $0xFFFF;
	s2 =	simm.s32 @!p0 $0x1C02  }
0x49: {  	[timem:s3], [sflag:s2] =	dma.local @!p0 [hbm:s0], s1  }
0x4a: {  	s0 =	simm.s32 @!p0 $0x2  }
0x4b: {  	_ =	swait.ge @!p0 [sflag:s0], s1  }
0x4c: {  	s1 =	ssub.s32 @!p0 $0x0, s1;
	[sflag:s0] =	ssyncset.done @!p0 $0x0  }
0x4d: {  	[sflag:s0] =	ssyncadd.s32 @!p0 s1  }
0x4e: {  	[bflag:$0x3] =	sbarrier.arrive $0xFFFF  }
0x4f: {  	_ =	shalt  }

// kernel: kernel.32.cloned.1.call-start
scs
__scs_entry_jumppad:
0x0: {  	(pc) =	sbr.rel $0x88, $3  }
0x1: {  	(tag) =	ssettag $0x0;
	lr =	simm.s32 $0x1  }
0x2: {  	[smem:$0x3F93] =	sst lr;
	_ =	strace $0xD0000000  }
0x3: {  	_ = 	snop  }
0x4: {  	_ = 	snop  }
0x5: {  	_ = 	snop  }
0x6: {  	_ = 	snop  }
0x7: {  	_ = 	snop  }
__scs_overlays_trampoline_lowered:
0x8: {  	[smem:$0x3FA2] =	sst s0  }
0x9: {  	[smem:$0x3FA3] =	sst s1  }
0xa: {  	[smem:$0x3FA4] =	sst s2  }
0xb: {  	[smem:$0x3FA5] =	sst s3  }
0xc: {  	[smem:$0x3FA6] =	sst s4  }
0xd: {  	[smem:$0x3FA7] =	sst s5  }
0xe: {  	[smem:$0x3FA8] =	sst s6  }
0xf: {  	[smem:$0x3FA9] =	sst s7  }
0x10: {  	[smem:$0x3FAA] =	sst s8  }
0x11: {  	[smem:$0x3FAB] =	sst s9;
	s0 =	simm.s32 @!p0 $0x0  }
0x12: {  	s1 =	sld [smem:$0x3F91];
	s0 =	simm.s32 @p0 $0x1  }
0x13: {  	[smem:$0x3FAC] =	sst s0;
	s0 =	simm.s32 @!p1 $0x0  }
0x14: {  	s2 =	sld [smem:$0x3F90];
	s0 =	simm.s32 @p1 $0x1  }
0x15: {  	[smem:$0x3FAD] =	sst s0;
	s0 =	simm.s32 @!p2 $0x0  }
0x16: {  	s3 =	sld [smem:$0x3FDB];
	s0 =	simm.s32 @p2 $0x1  }
0x17: {  	s4 =	simm.s32 $0x1BF5;
	[smem:$0x3FAF] =	sst s0  }
0x18: {  	s0 =	sld [smem:$0x3F92];
	_ =	swait.ge [sflag:s4], $0x0  }
0x19: {  	s7 =	sld [smem:$0x3F93]  }
0x1a: {  	s8 =	sadd.s32 $0xFFFFE003, lr  }
0x1b: {  	s9 =	sadd.s32 $0xFFFFFEF7, lr;
	s5 =	simm.s32 $0xFFFFFFFF;
	p2 =	slt.u32 s8, $0xFFFFF086  }
0x1c: {  	p1 =	slt.u32 s9, $0xF7A;
	s5 =	simm.s32 @!p2 $0x0  }
0x1d: {  	s5 =	simm.s32 @p1 $0x1;
	p0 =	seq.s32 s7, s2  }
0x1e: {  	s7 =	smul.u32 @!p0 $0xF7A, s2;
	p2 =	seq.s32 @!p0 s5, $0x0  }
0x1f: {  	s9 =	smul.u32 $0xF7A, s1;
	s8 =	simm.s32 @!p0 $0x1BF5;
	p2 =	por !p2, p0  }
0x20: {  	[sflag:s8] =	ssyncset.s32 @!p0 $0xFFFFF086;
	s6 =	sadd.s32 @!p0 s3, s7;
	s7 =	simm.s32 @!p0 $0x108  }
0x21: {  	s3 =	sadd.s32 s3, s9;
	s6 =	sadd.s32 @!p0 $0x88, s6;
	s7 =	simm.s32 @p2 $0x1082  }
0x22: {  	[simem:s7], [sflag:s8] =	dma.local @!p0 [hbm:s6], $0xF7A  }
0x23: {  	s9 =	sor.u32 $0xD0000000, s2;
	s6 =	simm.s32 $0x108;
	_ =	swait.ge @!p0 [sflag:s8], $0x0  }
0x24: {  	s3 =	sadd.s32 $0x88, s3;
	s6 =	simm.s32 @!p1 $0x1082;
	[sflag:s4] =	ssyncset.s32 $0xFFFFF086  }
0x25: {  	[simem:s6], [sflag:s4] =	dma.local [hbm:s3], $0xF7A  }
0x26: {  	[smem:$0x3F93] =	sst s1;
	(tag) =	ssettag s2;
	_ =	strace s9  }
0x27: {  	s1 =	sld [smem:$0x3FA3]  }
0x28: {  	s2 =	sld [smem:$0x3FA4]  }
0x29: {  	s4 =	sld [smem:$0x3FA6]  }
0x2a: {  	p0 =	seq.s32 s5, $0x0;
	s5 =	sld [smem:$0x3FA7]  }
0x2b: {  	s6 =	sld [smem:$0x3FA8]  }
0x2c: {  	s7 =	sld [smem:$0x3FA9]  }
0x2d: {  	s3 =	simm.s32 $0x108;
	s8 =	sld [smem:$0x3FAA]  }
0x2e: {  	s3 =	simm.s32 @!p0 $0x1082;
	s9 =	sld [smem:$0x3FAB]  }
0x2f: {  	lr =	sadd.s32 s0, s3;
	s0 =	sld [smem:$0x3FA2]  }
0x30: {  	s3 =	sld [smem:$0x3FA5]  }
0x31: {  	[smem:$0x3FAE] =	sst s10  }
0x32: {  	s10 =	sld [smem:$0x3FAC];
	_ =	sdelay $0x3  }
0x33: {  	p0 =	seq.s32 s10, $0x1;
	s10 =	sld [smem:$0x3FAE];
	_ =	sdelay $0x3  }
0x34: {  	[smem:$0x3FAE] =	sst s10  }
0x35: {  	s10 =	sld [smem:$0x3FAD];
	_ =	sdelay $0x3  }
0x36: {  	p1 =	seq.s32 s10, $0x1;
	s10 =	sld [smem:$0x3FAE];
	_ =	sdelay $0x3  }
0x37: {  	[smem:$0x3FAE] =	sst s10  }
0x38: {  	s10 =	sld [smem:$0x3FAF]  }
0x39: {  	_ = 	snop;
	(pc) =	sbr.ind lr, $3  }
0x3a: {  	_ = 	snop  }
0x3b: {  	_ = 	snop  }
0x3c: {  	p2 =	seq.s32 s10, $0x1;
	s10 =	sld [smem:$0x3FAE]  }
0x3d: {  	_ =	shalt  }
0x3e: {  	_ =	shalt  }
0x3f: {  	_ =	shalt  }
0x40: {  	_ =	shalt  }
0x41: {  	_ =	shalt  }
0x42: {  	_ =	shalt  }
0x43: {  	_ =	shalt  }
0x44: {  	_ =	shalt  }
0x45: {  	_ =	shalt  }
0x46: {  	_ =	shalt  }
0x47: {  	_ =	shalt  }
0x48: {  	_ =	shalt  }
0x49: {  	_ =	shalt  }
0x4a: {  	_ =	shalt  }
0x4b: {  	_ =	shalt  }
0x4c: {  	_ =	shalt  }
0x4d: {  	_ =	shalt  }
0x4e: {  	_ =	shalt  }
0x4f: {  	_ =	shalt  }
0x50: {  	_ =	shalt  }
0x51: {  	_ =	shalt  }
0x52: {  	_ =	shalt  }
0x53: {  	_ =	shalt  }
0x54: {  	_ =	shalt  }
0x55: {  	_ =	shalt  }
0x56: {  	_ =	shalt  }
0x57: {  	_ =	shalt  }
0x58: {  	_ =	shalt  }
0x59: {  	_ =	shalt  }
0x5a: {  	_ =	shalt  }
0x5b: {  	_ =	shalt  }
0x5c: {  	_ =	shalt  }
0x5d: {  	_ =	shalt  }
0x5e: {  	_ =	shalt  }
0x5f: {  	_ =	shalt  }
0x60: {  	_ =	shalt  }
0x61: {  	_ =	shalt  }
0x62: {  	_ =	shalt  }
0x63: {  	_ =	shalt  }
0x64: {  	_ =	shalt  }
0x65: {  	_ =	shalt  }
0x66: {  	_ =	shalt  }
0x67: {  	_ =	shalt  }
0x68: {  	_ =	shalt  }
0x69: {  	_ =	shalt  }
0x6a: {  	_ =	shalt  }
0x6b: {  	_ =	shalt  }
0x6c: {  	_ =	shalt  }
0x6d: {  	_ =	shalt  }
0x6e: {  	_ =	shalt  }
0x6f: {  	_ =	shalt  }
0x70: {  	_ =	shalt  }
0x71: {  	_ =	shalt  }
0x72: {  	_ =	shalt  }
0x73: {  	_ =	shalt  }
0x74: {  	_ =	shalt  }
0x75: {  	_ =	shalt  }
0x76: {  	_ =	shalt  }
0x77: {  	_ =	shalt  }
0x78: {  	_ =	shalt  }
0x79: {  	_ =	shalt  }
0x7a: {  	_ =	shalt  }
0x7b: {  	_ =	shalt  }
0x7c: {  	_ =	shalt  }
0x7d: {  	_ =	shalt  }
0x7e: {  	_ =	shalt  }
0x7f: {  	_ =	shalt  }
0x80: {  	_ =	shalt  }
0x81: {  	_ =	shalt  }
0x82: {  	_ =	shalt  }
0x83: {  	_ =	shalt  }
0x84: {  	_ =	shalt  }
0x85: {  	_ =	shalt  }
0x86: {  	_ =	shalt  }
0x87: {  	_ =	shalt  }
.Lfunc_end0:
.L_simem_size_0:
called_computation.4_lowered:
.L_overlay_start_0:
0x88: {  	s2 =	sld [smem:$0x3FD9]  }
0x89: {  	s3 =	sld [smem:$0x3FFE];
	_ =	sdelay $0x1  }
0x8a: {  	s1 =	srdreg.scid  }
0x8b: {  	s0 =	sand.u32 $0x1, s1  }
0x8c: {  	s16 =	sshll.u32 s0, $0xA;
	s2 =	sadd.s32 s3, s2  }
0x8d: {  	s2 =	sadd.s32 s2, s16  }
0x8e: {  	[smem:$0x3FBA] =	sst s2  }
0x8f: {  	_ = 	snop  }
0x90: {  	(tm) =	ssettm $0x1  }
0x91: {  	s17 =	sld [smem:$0x3FFB];
	_ =	sdelay $0x3  }
0x92: {  	_ =	strace s17  }
0x93: {  	s2 =	sld [smem:$0x3FFC];
	_ =	sdelay $0x3  }
0x94: {  	_ =	strace s2  }
0x95: {  	s2 =	sld [smem:$0x3FFD];
	_ =	sdelay $0x3  }
0x96: {  	_ =	strace s2  }
0x97: {  	_ =	strace $0x8FFFFFFF  }
0x98: {  	s18 =	sld [smem:$0x3FDB];
	_ =	sdelay $0x1  }
0x99: {  	s19 =	simm.s32 $_scs_section_size  }
0x9a: {  	s4 =	simm.s32 $_size__tile_overlayer_lowered;
	s5 =	simm.s32 $_tile_overlayer_lowered  }
0x9b: {  	s22 =	simm.s32 $0x1BFF;
	s21 =	sshll.u32 s5, $0x1;
	s2 =	sadd.s32 s19, s18  }
0x9c: {  	s6 =	simm.s32 $0x0;
	s20 =	sshll.u32 s4, $0x1;
	s4 =	sadd.s32 s21, s2  }
0x9d: {  	[timem:s6], [sflag:s22] =	dma.local [hbm:s4], s20  }
0x9e: {  	_ =	swait.ge [sflag:s22], s20  }
0x9f: {  	s3 =	ssub.s32 $0x0, s20;
	[sflag:s22] =	ssyncset.done $0x0  }
0xa0: {  	[sflag:s22] =	ssyncadd.s32 s3;
	_ =	sdelay $0x1  }
0xa1: {  	s23 =	simm.s32 $0x1B8B  }
0xa2: {  	_ =	swait.ge [sflag:s23], $0x1  }
0xa3: {  	[sflag:s23] =	ssyncset.done $0x0  }
0xa4: {  	s25 =	simm.s32 $0x1B8E;
	s24 =	sld [smem:$0x3FFE];
	[sflag:s23] =	ssyncadd.s32 $0xFFFFFFFF  }
0xa5: {  	s26 =	simm.s32 $execute0_lowered;
	[smem:$0x3FD2] =	sst s25  }
0xa6: {  	s4 =	sshll.u32 s26, $0x1;
	_ =	strace $0x80000052;
	[dreg:$0x1] =	wrdreg $0xFFFFFFFF  }
0xa7: {  	s28 =	simm.s32 $_size_execute0_lowered;
	s2 =	sadd.s32 s2, s4;
	[dreg:$0x0] =	wrdreg $0x0  }
0xa8: {  	s4 =	sshll.u32 s28, $0x1;
	[dreg:$0x2] =	wrdreg s2  }
0xa9: {  	[dreg:$0x3] =	wrdreg s4  }
0xaa: {  	[dreg:$0x4] =	wrdreg $0xC0  }
0xab: {  	_ =	task [dreg:s6], $0x5FFFF  }
0xac: {  	[dreg:$0x1] =	wrdreg $0xFFFFFFFF  }
0xad: {  	[dreg:$0x0] =	wrdreg $0x60  }
0xae: {  	[dreg:$0x2] =	wrdreg s24  }
0xaf: {  	[dreg:$0x3] =	wrdreg $0x90000  }
0xb0: {  	[dreg:$0x4] =	wrdreg $0x9  }
0xb1: {  	_ =	task.clear_ibuf [dreg:s6], $0x5FFFF;
	_ =	strace $0x90000052  }
0xb2: {  	s29 =	simm.s32 $0x9;
	_ =	strace $0x80000054  }
0xb3: {  	_ =	swait.ge [sflag:s29], $0x1  }
0xb4: {  	[sflag:s29] =	ssyncadd.s32 $0xFFFFFFFF  }
0xb5: {  	_ =	strace $0x90000054  }
0xb6: {  	_ =	sfence  }
0xb7: {  	s30 =	sld [smem:$0x0];
	_ =	sdelay $0x2  }
0xb8: {  	s31 =	sshll.u32 s1, $0xD;
	s1 =	sshrl.u32 s1, $0x2  }
0xb9: {  	s3 =	sand.u32 $0x4000, s31;
	s1 =	sadd.s32 s1, s30  }
0xba: {  	s0 =	sor.u32 s3, s0;
	s1 =	sshll.u32 s1, $0x11  }
0xbb: {  	s0 =	sor.u32 s1, s0  }
0xbc: {  	s0 =	sadd.s32 $0x8F2B, s0  }
0xbd: {  	[sflag:s0] =	ssyncadd.remote.s32 $0x1  }
0xbe: {  	_ =	sfence.sel $0xFFFF  }
0xbf: {  	[dreg:$0x0] =	wrdreg $0xFFFFFFFF;
	(pc) =	sbr.abs _section_cstart, $3  }
0xc0: {  	[dreg:$0x1] =	wrdreg $0xFFFFFFFF  }
0xc1: {  	_ =	task.clear_ibuf [dreg:s6], $0x2FFFF;
	_ =	strace $0x9FFFFFFF  }
0xc2: {  	(tm) =	ssettm $0x7FFFFFFF  }
0xc3: {  	_ =	shalt  }
tec
execute0_lowered:
.L_overlay_start_1:
0x0: {  	(tag) =	ssettag $0x1  }
0x1: {  	s0 =	srdreg.scid;
	s6 =	rddreg [dreg:$0x0]  }
0x2: {  	s2 =	rddreg [dreg:$0x1];
	s1 =	stileid.u32  }
0x3: {  	s3 =	simm.s32 $0x0;
	s15 =	simm.s32 $0x80;
	s16 =	simm.s32 $0x5000  }
0x4: {  	s17 =	simm.s32 $0x1;
	s5 =	sand.u32 $0x1, s0;
	s0 =	rddreg [dreg:$0x2]  }
0x5: {  	s20 =	simm.s32 $0x0;
	[smem:$0x7FF] =	sst s3;
	s11 =	smul.u32 $0x13C00, s1  }
0x6: {  	s12 =	sadd.s32 $0x1C400, s6;
	s31 =	smul.u32 $0x4F000, s1;
	s18 =	sadd.s32 $0x128400, s2  }
0x7: {  	s13 =	sshll.u32 s1, $0x6;
	p0 =	seq.s32 s1, $0xF;
	s4 =	sshll.u32 s5, $0x4  }
0x8: {  	_ =	strace $0x80000053;
	s8 =	ssub.s32 $0x2, s5;
	s9 =	smul.u32 $0x138800, s5  }
0x9: {  	s5 =	sadd.s32 $0x19C00, s6;
	s13 =	sor.u32 $0x1C02, s13;
	s4 =	sor.u32 s1, s4  }
0xa: {  	s18 =	sshrl.u32 @p0 s18, $0x3;
	s10 =	sshrl.u32 s8, $0x1;
	s7 =	smul.u32 $0x500, s4  }
0xb: {  	s4 =	sadd.s32 $0xB8800, s6;
	s10 =	ssub.s32 s8, s10;
	s11 =	sadd.s32 s11, s9  }
0xc: {  	s8 =	sshrl.u32 s31, $0x2;
	s9 =	sshrl.u32 s9, $0x3;
	s11 =	sshrl.u32 s11, $0x3  }
0xd: {  	s19 =	sadd.s32 s8, s2;
	s9 =	sadd.s32 s12, s9;
	s10 =	smax.u32 s10, $0x1  }
0xe: {  	s7 =	sadd.s32 s7, s6;
	s8 =	sadd.s32 s12, s11;
	s9 =	sadd.s32 $0x25080, s9  }
0xf: {  	s11 =	simm.s32 $0x2;
	s12 =	simm.s32 $0x2800;
	s14 =	sshrl.u32 s19, $0x3  }
0x10: {  	s19 =	sshrl.u32 @!p0 s19, $0x3;
	s6 =	sadd.s32 $0x5C00, s7;
	s7 =	sadd.s32 $0xFC00, s7  }
.LBB2_1:
0x11: {  	[tilespmem:s3], [sflag:$0x2] =	stream.linear.gather [hbm4b:s6+s3], $0x2780, $0x38;
	[tilespmem:$0x1CC00] =	vst v63  }
0x12: {  	_ =	swait.ge [sflag:s11], $0x2780  }
0x13: {  	[sflag:s11] =	ssyncset.done $0x0  }
0x14: {  	[sflag:s11] =	ssyncadd.s32 $0xFFFFD880  }
0x15: {  	[tilespmem:s12], [sflag:$0x2] =	stream.linear.gather [hbm4b:s7+s3], $0x2780, $0x38;
	[tilespmem:$0x1CC00] =	vst v63  }
0x16: {  	_ =	swait.ge [sflag:s11], $0x2780  }
0x17: {  	[sflag:s11] =	ssyncset.done $0x0  }
0x18: {  	[sflag:s11] =	ssyncadd.s32 $0xFFFFD880  }
0x19: {  	[spmem:s14], [sflag:s13] =	dma.local [hbm:s5], $0x2780  }
0x1a: {  	_ =	swait.ge [sflag:s11], $0x2780  }
0x1b: {  	[sflag:s11] =	ssyncset.done $0x0  }
0x1c: {  	[sflag:s11] =	ssyncadd.s32 $0xFFFFD880  }
0x1d: {  	s21 =	simm.s32 $0x0;
	[bflag:$0x0] =	sbarrier.arrive $0xFFFF  }
0x1e: {  	[tilespmem:s16], [sflag:$0x1] =	stream.indirect.gather [hbm4b:s4+s15], $0x80, s21, s15, $0xb8;
	[tilespmem:$0x1CC00] =	vst v63  }
0x1f: {  	_ =	swait.ge [sflag:s17], $0x4000  }
0x20: {  	[sflag:s17] =	ssyncset.done $0x0  }
0x21: {  	s31 =	simm.s32 $0x2800;
	[sflag:s17] =	ssyncadd.s32 $0xFFFFC000  }
0x22: {  	[spmem:s2] =	stream.indirect.scatter.add.f32 [tilespmem:s16], [sflag:$0x2], $0x80, s31, s15, $0xb8;
	[tilespmem:$0x1CC00] =	vst v63  }
0x23: {  	_ =	swait.ge [sflag:s11], $0x4000  }
0x24: {  	s22 =	simm.s32 $0x400;
	s21 =	simm.s32 $0x200;
	[sflag:s11] =	ssyncset.done $0x0  }
.LBB2_2:
0x25: {  	s23 =	sshra.s32 s21, $0x2  }
0x26: {  	[sflag:s11] =	ssyncadd.s32 $0xFFFFC000;
	s21 =	smov.u32 s22;
	s24 =	sadd.s32 $0x200, s22  }
0x27: {  	[tilespmem:s16], [sflag:$0x1] =	stream.indirect.gather [hbm4b:s4+s15], $0x80, s23, s15, $0xb8;
	[tilespmem:$0x1CC00] =	vst v63  }
0x28: {  	p1 =	sne.s32 s22, $0x9C00;
	_ =	swait.ge [sflag:s17], $0x4000  }
.Ltmp0:
0x29: {  	[sflag:s17] =	ssyncset.done $0x0;
	(pc) =	sbr.rel @p1 .LBB2_2-.Ltmp0, $4  }
0x2a: {  	s22 =	sadd.s32 $0x2800, s23;
	[sflag:s17] =	ssyncadd.s32 $0xFFFFC000  }
0x2b: {  	[spmem:s2] =	stream.indirect.scatter.add.f32 [tilespmem:s16], [sflag:$0x2], $0x80, s22, s15, $0xb8;
	[tilespmem:$0x1CC00] =	vst v63  }
0x2c: {  	_ =	swait.ge [sflag:s11], $0x4000  }
0x2d: {  	s22 =	smov.u32 s24;
	[sflag:s11] =	ssyncset.done $0x0  }
0x2e: {  	s21 =	sshra.s32 s21, $0x2;
	[sflag:s11] =	ssyncadd.s32 $0xFFFFC000  }
0x2f: {  	[tilespmem:s16], [sflag:$0x1] =	stream.indirect.gather [hbm4b:s4+s15], $0x80, s21, s15, $0xb8;
	[tilespmem:$0x1CC00] =	vst v63  }
0x30: {  	_ =	swait.ge [sflag:s17], $0x4000  }
0x31: {  	[sflag:s17] =	ssyncset.done $0x0  }
0x32: {  	s21 =	sadd.s32 $0x2800, s21;
	[sflag:s17] =	ssyncadd.s32 $0xFFFFC000  }
0x33: {  	[spmem:s2] =	stream.indirect.scatter.add.f32 [tilespmem:s16], [sflag:$0x2], $0x80, s21, s15, $0xb8;
	[tilespmem:$0x1CC00] =	vst v63  }
0x34: {  	_ =	swait.ge [sflag:s11], $0x4000  }
0x35: {  	[sflag:s11] =	ssyncset.done $0x0  }
0x36: {  	[sflag:s11] =	ssyncadd.s32 $0xFFFFC000  }
0x37: {  	s21 =	simm.s32 @p0 $0x2;
	[bflag:$0x0] =	sbarrier.arrive $0xFFFF  }
0x38: {  	[hbm:s9], [sflag:s13] =	dma.local @p0 [spmem:s18], $0x2080  }
0x39: {  	s20 =	sadd.s32 $0x1, s20;
	_ =	swait.ge @p0 [sflag:s21], $0x2080  }
0x3a: {  	p1 =	sne.s32 s20, s10;
	[sflag:s21] =	ssyncset.done @p0 $0x0  }
.Ltmp1:
0x3b: {  	[sflag:s21] =	ssyncadd.s32 @p0 $0xFFFFDF80;
	s21 =	simm.s32 @!p0 $0x2;
	(pc) =	sbr.rel @p1 .LBB2_1-.Ltmp1, $4  }
0x3c: {  	[hbm:s8], [sflag:s13] =	dma.local @!p0 [spmem:s19], $0x2780  }
0x3d: {  	_ =	swait.ge @!p0 [sflag:s21], $0x2780  }
0x3e: {  	[sflag:s21] =	ssyncset.done @!p0 $0x0  }
0x3f: {  	[sflag:s21] =	ssyncadd.s32 @!p0 $0xFFFFD880  }
0x40: {  	_ =	sfence.sel $0x180000  }
0x41: {  	[bflag:$0x0] =	sbarrier.arrive $0xFFFF  }
0x42: {  	p0 =	sne.s32 s1, $0x0;
	_ =	strace $0x90000053  }
0x43: {  	s0 =	sadd.s32 @!p0 $0x100000, s0;
	[bflag:$0x2] =	sbarrier.arrive $0xFFFF  }
0x44: {  	[sflag:s0] =	ssyncadd.tile.s32 @!p0 $0x1;
	_ =	shalt  }
.Lfunc_end2:
_tile_overlayer_lowered:
.L_overlay_start_2:
0x45: {  	(tag) =	ssettag $0x2  }
0x46: {  	s0 =	rddreg [dreg:$0x0];
	s2 =	stileid.u32  }
0x47: {  	s1 =	rddreg [dreg:$0x1];
	p0 =	sne.s32 s2, $0x0  }
0x48: {  	s3 =	rddreg [dreg:$0x2];
	[bflag:$0x3] =	sbarrier.arrive $0xFFFF;
	s2 =	simm.s32 @!p0 $0x1C02  }
0x49: {  	[timem:s3], [sflag:s2] =	dma.local @!p0 [hbm:s0], s1  }
0x4a: {  	s0 =	simm.s32 @!p0 $0x2  }
0x4b: {  	_ =	swait.ge @!p0 [sflag:s0], s1  }
0x4c: {  	s1 =	ssub.s32 @!p0 $0x0, s1;
	[sflag:s0] =	ssyncset.done @!p0 $0x0  }
0x4d: {  	[sflag:s0] =	ssyncadd.s32 @!p0 s1  }
0x4e: {  	[bflag:$0x3] =	sbarrier.arrive $0xFFFF  }
0x4f: {  	_ =	shalt  }

// kernel: kernel.35.cloned.1.call-start
scs
__scs_entry_jumppad:
0x0: {  	(pc) =	sbr.rel $0x88, $3  }
0x1: {  	(tag) =	ssettag $0x0;
	lr =	simm.s32 $0x1  }
0x2: {  	[smem:$0x3F93] =	sst lr;
	_ =	strace $0xD0000000  }
0x3: {  	_ = 	snop  }
0x4: {  	_ = 	snop  }
0x5: {  	_ = 	snop  }
0x6: {  	_ = 	snop  }
0x7: {  	_ = 	snop  }
__scs_overlays_trampoline_lowered:
0x8: {  	[smem:$0x3FA2] =	sst s0  }
0x9: {  	[smem:$0x3FA3] =	sst s1  }
0xa: {  	[smem:$0x3FA4] =	sst s2  }
0xb: {  	[smem:$0x3FA5] =	sst s3  }
0xc: {  	[smem:$0x3FA6] =	sst s4  }
0xd: {  	[smem:$0x3FA7] =	sst s5  }
0xe: {  	[smem:$0x3FA8] =	sst s6  }
0xf: {  	[smem:$0x3FA9] =	sst s7  }
0x10: {  	[smem:$0x3FAA] =	sst s8  }
0x11: {  	[smem:$0x3FAB] =	sst s9;
	s0 =	simm.s32 @!p0 $0x0  }
0x12: {  	s1 =	sld [smem:$0x3F91];
	s0 =	simm.s32 @p0 $0x1  }
0x13: {  	[smem:$0x3FAC] =	sst s0;
	s0 =	simm.s32 @!p1 $0x0  }
0x14: {  	s2 =	sld [smem:$0x3F90];
	s0 =	simm.s32 @p1 $0x1  }
0x15: {  	[smem:$0x3FAD] =	sst s0;
	s0 =	simm.s32 @!p2 $0x0  }
0x16: {  	s3 =	sld [smem:$0x3FDB];
	s0 =	simm.s32 @p2 $0x1  }
0x17: {  	s4 =	simm.s32 $0x1BF5;
	[smem:$0x3FAF] =	sst s0  }
0x18: {  	s0 =	sld [smem:$0x3F92];
	_ =	swait.ge [sflag:s4], $0x0  }
0x19: {  	s7 =	sld [smem:$0x3F93]  }
0x1a: {  	s8 =	sadd.s32 $0xFFFFE003, lr  }
0x1b: {  	s9 =	sadd.s32 $0xFFFFFEF7, lr;
	s5 =	simm.s32 $0xFFFFFFFF;
	p2 =	slt.u32 s8, $0xFFFFF086  }
0x1c: {  	p1 =	slt.u32 s9, $0xF7A;
	s5 =	simm.s32 @!p2 $0x0  }
0x1d: {  	s5 =	simm.s32 @p1 $0x1;
	p0 =	seq.s32 s7, s2  }
0x1e: {  	s7 =	smul.u32 @!p0 $0xF7A, s2;
	p2 =	seq.s32 @!p0 s5, $0x0  }
0x1f: {  	s9 =	smul.u32 $0xF7A, s1;
	s8 =	simm.s32 @!p0 $0x1BF5;
	p2 =	por !p2, p0  }
0x20: {  	[sflag:s8] =	ssyncset.s32 @!p0 $0xFFFFF086;
	s6 =	sadd.s32 @!p0 s3, s7;
	s7 =	simm.s32 @!p0 $0x108  }
0x21: {  	s3 =	sadd.s32 s3, s9;
	s6 =	sadd.s32 @!p0 $0x88, s6;
	s7 =	simm.s32 @p2 $0x1082  }
0x22: {  	[simem:s7], [sflag:s8] =	dma.local @!p0 [hbm:s6], $0xF7A  }
0x23: {  	s9 =	sor.u32 $0xD0000000, s2;
	s6 =	simm.s32 $0x108;
	_ =	swait.ge @!p0 [sflag:s8], $0x0  }
0x24: {  	s3 =	sadd.s32 $0x88, s3;
	s6 =	simm.s32 @!p1 $0x1082;
	[sflag:s4] =	ssyncset.s32 $0xFFFFF086  }
0x25: {  	[simem:s6], [sflag:s4] =	dma.local [hbm:s3], $0xF7A  }
0x26: {  	[smem:$0x3F93] =	sst s1;
	(tag) =	ssettag s2;
	_ =	strace s9  }
0x27: {  	s1 =	sld [smem:$0x3FA3]  }
0x28: {  	s2 =	sld [smem:$0x3FA4]  }
0x29: {  	s4 =	sld [smem:$0x3FA6]  }
0x2a: {  	p0 =	seq.s32 s5, $0x0;
	s5 =	sld [smem:$0x3FA7]  }
0x2b: {  	s6 =	sld [smem:$0x3FA8]  }
0x2c: {  	s7 =	sld [smem:$0x3FA9]  }
0x2d: {  	s3 =	simm.s32 $0x108;
	s8 =	sld [smem:$0x3FAA]  }
0x2e: {  	s3 =	simm.s32 @!p0 $0x1082;
	s9 =	sld [smem:$0x3FAB]  }
0x2f: {  	lr =	sadd.s32 s0, s3;
	s0 =	sld [smem:$0x3FA2]  }
0x30: {  	s3 =	sld [smem:$0x3FA5]  }
0x31: {  	[smem:$0x3FAE] =	sst s10  }
0x32: {  	s10 =	sld [smem:$0x3FAC];
	_ =	sdelay $0x3  }
0x33: {  	p0 =	seq.s32 s10, $0x1;
	s10 =	sld [smem:$0x3FAE];
	_ =	sdelay $0x3  }
0x34: {  	[smem:$0x3FAE] =	sst s10  }
0x35: {  	s10 =	sld [smem:$0x3FAD];
	_ =	sdelay $0x3  }
0x36: {  	p1 =	seq.s32 s10, $0x1;
	s10 =	sld [smem:$0x3FAE];
	_ =	sdelay $0x3  }
0x37: {  	[smem:$0x3FAE] =	sst s10  }
0x38: {  	s10 =	sld [smem:$0x3FAF]  }
0x39: {  	_ = 	snop;
	(pc) =	sbr.ind lr, $3  }
0x3a: {  	_ = 	snop  }
0x3b: {  	_ = 	snop  }
0x3c: {  	p2 =	seq.s32 s10, $0x1;
	s10 =	sld [smem:$0x3FAE]  }
0x3d: {  	_ =	shalt  }
0x3e: {  	_ =	shalt  }
0x3f: {  	_ =	shalt  }
0x40: {  	_ =	shalt  }
0x41: {  	_ =	shalt  }
0x42: {  	_ =	shalt  }
0x43: {  	_ =	shalt  }
0x44: {  	_ =	shalt  }
0x45: {  	_ =	shalt  }
0x46: {  	_ =	shalt  }
0x47: {  	_ =	shalt  }
0x48: {  	_ =	shalt  }
0x49: {  	_ =	shalt  }
0x4a: {  	_ =	shalt  }
0x4b: {  	_ =	shalt  }
0x4c: {  	_ =	shalt  }
0x4d: {  	_ =	shalt  }
0x4e: {  	_ =	shalt  }
0x4f: {  	_ =	shalt  }
0x50: {  	_ =	shalt  }
0x51: {  	_ =	shalt  }
0x52: {  	_ =	shalt  }
0x53: {  	_ =	shalt  }
0x54: {  	_ =	shalt  }
0x55: {  	_ =	shalt  }
0x56: {  	_ =	shalt  }
0x57: {  	_ =	shalt  }
0x58: {  	_ =	shalt  }
0x59: {  	_ =	shalt  }
0x5a: {  	_ =	shalt  }
0x5b: {  	_ =	shalt  }
0x5c: {  	_ =	shalt  }
0x5d: {  	_ =	shalt  }
0x5e: {  	_ =	shalt  }
0x5f: {  	_ =	shalt  }
0x60: {  	_ =	shalt  }
0x61: {  	_ =	shalt  }
0x62: {  	_ =	shalt  }
0x63: {  	_ =	shalt  }
0x64: {  	_ =	shalt  }
0x65: {  	_ =	shalt  }
0x66: {  	_ =	shalt  }
0x67: {  	_ =	shalt  }
0x68: {  	_ =	shalt  }
0x69: {  	_ =	shalt  }
0x6a: {  	_ =	shalt  }
0x6b: {  	_ =	shalt  }
0x6c: {  	_ =	shalt  }
0x6d: {  	_ =	shalt  }
0x6e: {  	_ =	shalt  }
0x6f: {  	_ =	shalt  }
0x70: {  	_ =	shalt  }
0x71: {  	_ =	shalt  }
0x72: {  	_ =	shalt  }
0x73: {  	_ =	shalt  }
0x74: {  	_ =	shalt  }
0x75: {  	_ =	shalt  }
0x76: {  	_ =	shalt  }
0x77: {  	_ =	shalt  }
0x78: {  	_ =	shalt  }
0x79: {  	_ =	shalt  }
0x7a: {  	_ =	shalt  }
0x7b: {  	_ =	shalt  }
0x7c: {  	_ =	shalt  }
0x7d: {  	_ =	shalt  }
0x7e: {  	_ =	shalt  }
0x7f: {  	_ =	shalt  }
0x80: {  	_ =	shalt  }
0x81: {  	_ =	shalt  }
0x82: {  	_ =	shalt  }
0x83: {  	_ =	shalt  }
0x84: {  	_ =	shalt  }
0x85: {  	_ =	shalt  }
0x86: {  	_ =	shalt  }
0x87: {  	_ =	shalt  }
.Lfunc_end0:
.L_simem_size_0:
called_computation.5_lowered:
.L_overlay_start_0:
0x88: {  	s2 =	sld [smem:$0x3FD9]  }
0x89: {  	s3 =	sld [smem:$0x3FFE];
	_ =	sdelay $0x1  }
0x8a: {  	s1 =	srdreg.scid  }
0x8b: {  	s0 =	sand.u32 $0x1, s1  }
0x8c: {  	s16 =	sshll.u32 s0, $0xA;
	s2 =	sadd.s32 s3, s2  }
0x8d: {  	s2 =	sadd.s32 s2, s16  }
0x8e: {  	[smem:$0x3FBA] =	sst s2  }
0x8f: {  	_ = 	snop  }
0x90: {  	(tm) =	ssettm $0x1  }
0x91: {  	s17 =	sld [smem:$0x3FFB];
	_ =	sdelay $0x3  }
0x92: {  	_ =	strace s17  }
0x93: {  	s2 =	sld [smem:$0x3FFC];
	_ =	sdelay $0x3  }
0x94: {  	_ =	strace s2  }
0x95: {  	s2 =	sld [smem:$0x3FFD];
	_ =	sdelay $0x3  }
0x96: {  	_ =	strace s2  }
0x97: {  	_ =	strace $0x8FFFFFFF  }
0x98: {  	s18 =	sld [smem:$0x3FDB];
	_ =	sdelay $0x1  }
0x99: {  	s19 =	simm.s32 $_scs_section_size  }
0x9a: {  	s4 =	simm.s32 $_size__tile_overlayer_lowered;
	s5 =	simm.s32 $_tile_overlayer_lowered  }
0x9b: {  	s22 =	simm.s32 $0x1BFF;
	s21 =	sshll.u32 s5, $0x1;
	s2 =	sadd.s32 s19, s18  }
0x9c: {  	s6 =	simm.s32 $0x0;
	s20 =	sshll.u32 s4, $0x1;
	s4 =	sadd.s32 s21, s2  }
0x9d: {  	[timem:s6], [sflag:s22] =	dma.local [hbm:s4], s20  }
0x9e: {  	_ =	swait.ge [sflag:s22], s20  }
0x9f: {  	s3 =	ssub.s32 $0x0, s20;
	[sflag:s22] =	ssyncset.done $0x0  }
0xa0: {  	[sflag:s22] =	ssyncadd.s32 s3;
	_ =	sdelay $0x1  }
0xa1: {  	s23 =	simm.s32 $0x1B8B  }
0xa2: {  	_ =	swait.ge [sflag:s23], $0x1  }
0xa3: {  	[sflag:s23] =	ssyncset.done $0x0  }
0xa4: {  	s25 =	simm.s32 $0x1B8E;
	s24 =	sld [smem:$0x3FFE];
	[sflag:s23] =	ssyncadd.s32 $0xFFFFFFFF  }
0xa5: {  	s26 =	simm.s32 $execute0_lowered;
	[smem:$0x3FD2] =	sst s25  }
0xa6: {  	s4 =	sshll.u32 s26, $0x1;
	_ =	strace $0x80000055;
	[dreg:$0x1] =	wrdreg $0xFFFFFFFF  }
0xa7: {  	s28 =	simm.s32 $_size_execute0_lowered;
	s2 =	sadd.s32 s2, s4;
	[dreg:$0x0] =	wrdreg $0x0  }
0xa8: {  	s4 =	sshll.u32 s28, $0x1;
	[dreg:$0x2] =	wrdreg s2  }
0xa9: {  	[dreg:$0x3] =	wrdreg s4  }
0xaa: {  	[dreg:$0x4] =	wrdreg $0xC0  }
0xab: {  	_ =	task [dreg:s6], $0x5FFFF  }
0xac: {  	[dreg:$0x1] =	wrdreg $0xFFFFFFFF  }
0xad: {  	[dreg:$0x0] =	wrdreg $0x60  }
0xae: {  	[dreg:$0x2] =	wrdreg s24  }
0xaf: {  	[dreg:$0x3] =	wrdreg $0x90000  }
0xb0: {  	[dreg:$0x4] =	wrdreg $0x9  }
0xb1: {  	_ =	task.clear_ibuf [dreg:s6], $0x5FFFF;
	_ =	strace $0x90000055  }
0xb2: {  	s29 =	simm.s32 $0x9;
	_ =	strace $0x80000057  }
0xb3: {  	_ =	swait.ge [sflag:s29], $0x1  }
0xb4: {  	[sflag:s29] =	ssyncadd.s32 $0xFFFFFFFF  }
0xb5: {  	_ =	strace $0x90000057  }
0xb6: {  	_ =	sfence  }
0xb7: {  	s30 =	sld [smem:$0x0];
	_ =	sdelay $0x2  }
0xb8: {  	s31 =	sshll.u32 s1, $0xD;
	s1 =	sshrl.u32 s1, $0x2  }
0xb9: {  	s3 =	sand.u32 $0x4000, s31;
	s1 =	sadd.s32 s1, s30  }
0xba: {  	s0 =	sor.u32 s3, s0;
	s1 =	sshll.u32 s1, $0x11  }
0xbb: {  	s0 =	sor.u32 s1, s0  }
0xbc: {  	s0 =	sadd.s32 $0x8F2B, s0  }
0xbd: {  	[sflag:s0] =	ssyncadd.remote.s32 $0x1  }
0xbe: {  	_ =	sfence.sel $0xFFFF  }
0xbf: {  	[dreg:$0x0] =	wrdreg $0xFFFFFFFF;
	(pc) =	sbr.abs _section_cstart, $3  }
0xc0: {  	[dreg:$0x1] =	wrdreg $0xFFFFFFFF  }
0xc1: {  	_ =	task.clear_ibuf [dreg:s6], $0x2FFFF;
	_ =	strace $0x9FFFFFFF  }
0xc2: {  	(tm) =	ssettm $0x7FFFFFFF  }
0xc3: {  	_ =	shalt  }
tec
execute0_lowered:
.L_overlay_start_1:
0x0: {  	(tag) =	ssettag $0x1  }
0x1: {  	s0 =	srdreg.scid;
	s6 =	rddreg [dreg:$0x0]  }
0x2: {  	s2 =	rddreg [dreg:$0x1];
	s1 =	stileid.u32  }
0x3: {  	s3 =	simm.s32 $0x0;
	s15 =	simm.s32 $0x80;
	s16 =	simm.s32 $0x5000  }
0x4: {  	s17 =	simm.s32 $0x1;
	s5 =	sand.u32 $0x1, s0;
	s0 =	rddreg [dreg:$0x2]  }
0x5: {  	s20 =	simm.s32 $0x0;
	[smem:$0x7FF] =	sst s3;
	s11 =	smul.u32 $0x13C00, s1  }
0x6: {  	s12 =	sadd.s32 $0x1C400, s6;
	s31 =	smul.u32 $0x4F000, s1;
	s18 =	sadd.s32 $0x128400, s2  }
0x7: {  	s13 =	sshll.u32 s1, $0x6;
	p0 =	seq.s32 s1, $0xF;
	s4 =	sshll.u32 s5, $0x4  }
0x8: {  	_ =	strace $0x80000056;
	s8 =	ssub.s32 $0x2, s5;
	s9 =	smul.u32 $0x138800, s5  }
0x9: {  	s5 =	sadd.s32 $0x19C00, s6;
	s13 =	sor.u32 $0x1C02, s13;
	s4 =	sor.u32 s1, s4  }
0xa: {  	s18 =	sshrl.u32 @p0 s18, $0x3;
	s10 =	sshrl.u32 s8, $0x1;
	s7 =	smul.u32 $0x500, s4  }
0xb: {  	s4 =	sadd.s32 $0xB8800, s6;
	s10 =	ssub.s32 s8, s10;
	s11 =	sadd.s32 s11, s9  }
0xc: {  	s8 =	sshrl.u32 s31, $0x2;
	s9 =	sshrl.u32 s9, $0x3;
	s11 =	sshrl.u32 s11, $0x3  }
0xd: {  	s19 =	sadd.s32 s8, s2;
	s9 =	sadd.s32 s12, s9;
	s10 =	smax.u32 s10, $0x1  }
0xe: {  	s7 =	sadd.s32 s7, s6;
	s8 =	sadd.s32 s12, s11;
	s9 =	sadd.s32 $0x25080, s9  }
0xf: {  	s11 =	simm.s32 $0x2;
	s12 =	simm.s32 $0x2800;
	s14 =	sshrl.u32 s19, $0x3  }
0x10: {  	s19 =	sshrl.u32 @!p0 s19, $0x3;
	s6 =	sadd.s32 $0x5C00, s7;
	s7 =	sadd.s32 $0xFC00, s7  }
.LBB2_1:
0x11: {  	[tilespmem:s3], [sflag:$0x2] =	stream.linear.gather [hbm4b:s6+s3], $0x2780, $0x38;
	[tilespmem:$0x1CC00] =	vst v63  }
0x12: {  	_ =	swait.ge [sflag:s11], $0x2780  }
0x13: {  	[sflag:s11] =	ssyncset.done $0x0  }
0x14: {  	[sflag:s11] =	ssyncadd.s32 $0xFFFFD880  }
0x15: {  	[tilespmem:s12], [sflag:$0x2] =	stream.linear.gather [hbm4b:s7+s3], $0x2780, $0x38;
	[tilespmem:$0x1CC00] =	vst v63  }
0x16: {  	_ =	swait.ge [sflag:s11], $0x2780  }
0x17: {  	[sflag:s11] =	ssyncset.done $0x0  }
0x18: {  	[sflag:s11] =	ssyncadd.s32 $0xFFFFD880  }
0x19: {  	[spmem:s14], [sflag:s13] =	dma.local [hbm:s5], $0x2780  }
0x1a: {  	_ =	swait.ge [sflag:s11], $0x2780  }
0x1b: {  	[sflag:s11] =	ssyncset.done $0x0  }
0x1c: {  	[sflag:s11] =	ssyncadd.s32 $0xFFFFD880  }
0x1d: {  	s21 =	simm.s32 $0x0;
	[bflag:$0x0] =	sbarrier.arrive $0xFFFF  }
0x1e: {  	[tilespmem:s16], [sflag:$0x1] =	stream.indirect.gather [hbm4b:s4+s15], $0x80, s21, s15, $0xb8;
	[tilespmem:$0x1CC00] =	vst v63  }
0x1f: {  	_ =	swait.ge [sflag:s17], $0x4000  }
0x20: {  	[sflag:s17] =	ssyncset.done $0x0  }
0x21: {  	s31 =	simm.s32 $0x2800;
	[sflag:s17] =	ssyncadd.s32 $0xFFFFC000  }
0x22: {  	[spmem:s2] =	stream.indirect.scatter.add.f32 [tilespmem:s16], [sflag:$0x2], $0x80, s31, s15, $0xb8;
	[tilespmem:$0x1CC00] =	vst v63  }
0x23: {  	_ =	swait.ge [sflag:s11], $0x4000  }
0x24: {  	s22 =	simm.s32 $0x400;
	s21 =	simm.s32 $0x200;
	[sflag:s11] =	ssyncset.done $0x0  }
.LBB2_2:
0x25: {  	s23 =	sshra.s32 s21, $0x2  }
0x26: {  	[sflag:s11] =	ssyncadd.s32 $0xFFFFC000;
	s21 =	smov.u32 s22;
	s24 =	sadd.s32 $0x200, s22  }
0x27: {  	[tilespmem:s16], [sflag:$0x1] =	stream.indirect.gather [hbm4b:s4+s15], $0x80, s23, s15, $0xb8;
	[tilespmem:$0x1CC00] =	vst v63  }
0x28: {  	p1 =	sne.s32 s22, $0x9C00;
	_ =	swait.ge [sflag:s17], $0x4000  }
.Ltmp0:
0x29: {  	[sflag:s17] =	ssyncset.done $0x0;
	(pc) =	sbr.rel @p1 .LBB2_2-.Ltmp0, $4  }
0x2a: {  	s22 =	sadd.s32 $0x2800, s23;
	[sflag:s17] =	ssyncadd.s32 $0xFFFFC000  }
0x2b: {  	[spmem:s2] =	stream.indirect.scatter.add.f32 [tilespmem:s16], [sflag:$0x2], $0x80, s22, s15, $0xb8;
	[tilespmem:$0x1CC00] =	vst v63  }
0x2c: {  	_ =	swait.ge [sflag:s11], $0x4000  }
0x2d: {  	s22 =	smov.u32 s24;
	[sflag:s11] =	ssyncset.done $0x0  }
0x2e: {  	s21 =	sshra.s32 s21, $0x2;
	[sflag:s11] =	ssyncadd.s32 $0xFFFFC000  }
0x2f: {  	[tilespmem:s16], [sflag:$0x1] =	stream.indirect.gather [hbm4b:s4+s15], $0x80, s21, s15, $0xb8;
	[tilespmem:$0x1CC00] =	vst v63  }
0x30: {  	_ =	swait.ge [sflag:s17], $0x4000  }
0x31: {  	[sflag:s17] =	ssyncset.done $0x0  }
0x32: {  	s21 =	sadd.s32 $0x2800, s21;
	[sflag:s17] =	ssyncadd.s32 $0xFFFFC000  }
0x33: {  	[spmem:s2] =	stream.indirect.scatter.add.f32 [tilespmem:s16], [sflag:$0x2], $0x80, s21, s15, $0xb8;
	[tilespmem:$0x1CC00] =	vst v63  }
0x34: {  	_ =	swait.ge [sflag:s11], $0x4000  }
0x35: {  	[sflag:s11] =	ssyncset.done $0x0  }
0x36: {  	[sflag:s11] =	ssyncadd.s32 $0xFFFFC000  }
0x37: {  	s21 =	simm.s32 @p0 $0x2;
	[bflag:$0x0] =	sbarrier.arrive $0xFFFF  }
0x38: {  	[hbm:s9], [sflag:s13] =	dma.local @p0 [spmem:s18], $0x2080  }
0x39: {  	s20 =	sadd.s32 $0x1, s20;
	_ =	swait.ge @p0 [sflag:s21], $0x2080  }
0x3a: {  	p1 =	sne.s32 s20, s10;
	[sflag:s21] =	ssyncset.done @p0 $0x0  }
.Ltmp1:
0x3b: {  	[sflag:s21] =	ssyncadd.s32 @p0 $0xFFFFDF80;
	s21 =	simm.s32 @!p0 $0x2;
	(pc) =	sbr.rel @p1 .LBB2_1-.Ltmp1, $4  }
0x3c: {  	[hbm:s8], [sflag:s13] =	dma.local @!p0 [spmem:s19], $0x2780  }
0x3d: {  	_ =	swait.ge @!p0 [sflag:s21], $0x2780  }
0x3e: {  	[sflag:s21] =	ssyncset.done @!p0 $0x0  }
0x3f: {  	[sflag:s21] =	ssyncadd.s32 @!p0 $0xFFFFD880  }
0x40: {  	_ =	sfence.sel $0x180000  }
0x41: {  	[bflag:$0x0] =	sbarrier.arrive $0xFFFF  }
0x42: {  	p0 =	sne.s32 s1, $0x0;
	_ =	strace $0x90000056  }
0x43: {  	s0 =	sadd.s32 @!p0 $0x100000, s0;
	[bflag:$0x2] =	sbarrier.arrive $0xFFFF  }
0x44: {  	[sflag:s0] =	ssyncadd.tile.s32 @!p0 $0x1;
	_ =	shalt  }
.Lfunc_end2:
_tile_overlayer_lowered:
.L_overlay_start_2:
0x45: {  	(tag) =	ssettag $0x2  }
0x46: {  	s0 =	rddreg [dreg:$0x0];
	s2 =	stileid.u32  }
0x47: {  	s1 =	rddreg [dreg:$0x1];
	p0 =	sne.s32 s2, $0x0  }
0x48: {  	s3 =	rddreg [dreg:$0x2];
	[bflag:$0x3] =	sbarrier.arrive $0xFFFF;
	s2 =	simm.s32 @!p0 $0x1C02  }
0x49: {  	[timem:s3], [sflag:s2] =	dma.local @!p0 [hbm:s0], s1  }
0x4a: {  	s0 =	simm.s32 @!p0 $0x2  }
0x4b: {  	_ =	swait.ge @!p0 [sflag:s0], s1  }
0x4c: {  	s1 =	ssub.s32 @!p0 $0x0, s1;
	[sflag:s0] =	ssyncset.done @!p0 $0x0  }
0x4d: {  	[sflag:s0] =	ssyncadd.s32 @!p0 s1  }
0x4e: {  	[bflag:$0x3] =	sbarrier.arrive $0xFFFF  }
0x4f: {  	_ =	shalt  }

// kernel: kernel.38.cloned.1.call-start
scs
__scs_entry_jumppad:
0x0: {  	(pc) =	sbr.rel $0x88, $3  }
0x1: {  	(tag) =	ssettag $0x0;
	lr =	simm.s32 $0x1  }
0x2: {  	[smem:$0x3F93] =	sst lr;
	_ =	strace $0xD0000000  }
0x3: {  	_ = 	snop  }
0x4: {  	_ = 	snop  }
0x5: {  	_ = 	snop  }
0x6: {  	_ = 	snop  }
0x7: {  	_ = 	snop  }
__scs_overlays_trampoline_lowered:
0x8: {  	[smem:$0x3FA2] =	sst s0  }
0x9: {  	[smem:$0x3FA3] =	sst s1  }
0xa: {  	[smem:$0x3FA4] =	sst s2  }
0xb: {  	[smem:$0x3FA5] =	sst s3  }
0xc: {  	[smem:$0x3FA6] =	sst s4  }
0xd: {  	[smem:$0x3FA7] =	sst s5  }
0xe: {  	[smem:$0x3FA8] =	sst s6  }
0xf: {  	[smem:$0x3FA9] =	sst s7  }
0x10: {  	[smem:$0x3FAA] =	sst s8  }
0x11: {  	[smem:$0x3FAB] =	sst s9;
	s0 =	simm.s32 @!p0 $0x0  }
0x12: {  	s1 =	sld [smem:$0x3F91];
	s0 =	simm.s32 @p0 $0x1  }
0x13: {  	[smem:$0x3FAC] =	sst s0;
	s0 =	simm.s32 @!p1 $0x0  }
0x14: {  	s2 =	sld [smem:$0x3F90];
	s0 =	simm.s32 @p1 $0x1  }
0x15: {  	[smem:$0x3FAD] =	sst s0;
	s0 =	simm.s32 @!p2 $0x0  }
0x16: {  	s3 =	sld [smem:$0x3FDB];
	s0 =	simm.s32 @p2 $0x1  }
0x17: {  	s4 =	simm.s32 $0x1BF5;
	[smem:$0x3FAF] =	sst s0  }
0x18: {  	s0 =	sld [smem:$0x3F92];
	_ =	swait.ge [sflag:s4], $0x0  }
0x19: {  	s7 =	sld [smem:$0x3F93]  }
0x1a: {  	s8 =	sadd.s32 $0xFFFFE003, lr  }
0x1b: {  	s9 =	sadd.s32 $0xFFFFFEF7, lr;
	s5 =	simm.s32 $0xFFFFFFFF;
	p2 =	slt.u32 s8, $0xFFFFF086  }
0x1c: {  	p1 =	slt.u32 s9, $0xF7A;
	s5 =	simm.s32 @!p2 $0x0  }
0x1d: {  	s5 =	simm.s32 @p1 $0x1;
	p0 =	seq.s32 s7, s2  }
0x1e: {  	s7 =	smul.u32 @!p0 $0xF7A, s2;
	p2 =	seq.s32 @!p0 s5, $0x0  }
0x1f: {  	s9 =	smul.u32 $0xF7A, s1;
	s8 =	simm.s32 @!p0 $0x1BF5;
	p2 =	por !p2, p0  }
0x20: {  	[sflag:s8] =	ssyncset.s32 @!p0 $0xFFFFF086;
	s6 =	sadd.s32 @!p0 s3, s7;
	s7 =	simm.s32 @!p0 $0x108  }
0x21: {  	s3 =	sadd.s32 s3, s9;
	s6 =	sadd.s32 @!p0 $0x88, s6;
	s7 =	simm.s32 @p2 $0x1082  }
0x22: {  	[simem:s7], [sflag:s8] =	dma.local @!p0 [hbm:s6], $0xF7A  }
0x23: {  	s9 =	sor.u32 $0xD0000000, s2;
	s6 =	simm.s32 $0x108;
	_ =	swait.ge @!p0 [sflag:s8], $0x0  }
0x24: {  	s3 =	sadd.s32 $0x88, s3;
	s6 =	simm.s32 @!p1 $0x1082;
	[sflag:s4] =	ssyncset.s32 $0xFFFFF086  }
0x25: {  	[simem:s6], [sflag:s4] =	dma.local [hbm:s3], $0xF7A  }
0x26: {  	[smem:$0x3F93] =	sst s1;
	(tag) =	ssettag s2;
	_ =	strace s9  }
0x27: {  	s1 =	sld [smem:$0x3FA3]  }
0x28: {  	s2 =	sld [smem:$0x3FA4]  }
0x29: {  	s4 =	sld [smem:$0x3FA6]  }
0x2a: {  	p0 =	seq.s32 s5, $0x0;
	s5 =	sld [smem:$0x3FA7]  }
0x2b: {  	s6 =	sld [smem:$0x3FA8]  }
0x2c: {  	s7 =	sld [smem:$0x3FA9]  }
0x2d: {  	s3 =	simm.s32 $0x108;
	s8 =	sld [smem:$0x3FAA]  }
0x2e: {  	s3 =	simm.s32 @!p0 $0x1082;
	s9 =	sld [smem:$0x3FAB]  }
0x2f: {  	lr =	sadd.s32 s0, s3;
	s0 =	sld [smem:$0x3FA2]  }
0x30: {  	s3 =	sld [smem:$0x3FA5]  }
0x31: {  	[smem:$0x3FAE] =	sst s10  }
0x32: {  	s10 =	sld [smem:$0x3FAC];
	_ =	sdelay $0x3  }
0x33: {  	p0 =	seq.s32 s10, $0x1;
	s10 =	sld [smem:$0x3FAE];
	_ =	sdelay $0x3  }
0x34: {  	[smem:$0x3FAE] =	sst s10  }
0x35: {  	s10 =	sld [smem:$0x3FAD];
	_ =	sdelay $0x3  }
0x36: {  	p1 =	seq.s32 s10, $0x1;
	s10 =	sld [smem:$0x3FAE];
	_ =	sdelay $0x3  }
0x37: {  	[smem:$0x3FAE] =	sst s10  }
0x38: {  	s10 =	sld [smem:$0x3FAF]  }
0x39: {  	_ = 	snop;
	(pc) =	sbr.ind lr, $3  }
0x3a: {  	_ = 	snop  }
0x3b: {  	_ = 	snop  }
0x3c: {  	p2 =	seq.s32 s10, $0x1;
	s10 =	sld [smem:$0x3FAE]  }
0x3d: {  	_ =	shalt  }
0x3e: {  	_ =	shalt  }
0x3f: {  	_ =	shalt  }
0x40: {  	_ =	shalt  }
0x41: {  	_ =	shalt  }
0x42: {  	_ =	shalt  }
0x43: {  	_ =	shalt  }
0x44: {  	_ =	shalt  }
0x45: {  	_ =	shalt  }
0x46: {  	_ =	shalt  }
0x47: {  	_ =	shalt  }
0x48: {  	_ =	shalt  }
0x49: {  	_ =	shalt  }
0x4a: {  	_ =	shalt  }
0x4b: {  	_ =	shalt  }
0x4c: {  	_ =	shalt  }
0x4d: {  	_ =	shalt  }
0x4e: {  	_ =	shalt  }
0x4f: {  	_ =	shalt  }
0x50: {  	_ =	shalt  }
0x51: {  	_ =	shalt  }
0x52: {  	_ =	shalt  }
0x53: {  	_ =	shalt  }
0x54: {  	_ =	shalt  }
0x55: {  	_ =	shalt  }
0x56: {  	_ =	shalt  }
0x57: {  	_ =	shalt  }
0x58: {  	_ =	shalt  }
0x59: {  	_ =	shalt  }
0x5a: {  	_ =	shalt  }
0x5b: {  	_ =	shalt  }
0x5c: {  	_ =	shalt  }
0x5d: {  	_ =	shalt  }
0x5e: {  	_ =	shalt  }
0x5f: {  	_ =	shalt  }
0x60: {  	_ =	shalt  }
0x61: {  	_ =	shalt  }
0x62: {  	_ =	shalt  }
0x63: {  	_ =	shalt  }
0x64: {  	_ =	shalt  }
0x65: {  	_ =	shalt  }
0x66: {  	_ =	shalt  }
0x67: {  	_ =	shalt  }
0x68: {  	_ =	shalt  }
0x69: {  	_ =	shalt  }
0x6a: {  	_ =	shalt  }
0x6b: {  	_ =	shalt  }
0x6c: {  	_ =	shalt  }
0x6d: {  	_ =	shalt  }
0x6e: {  	_ =	shalt  }
0x6f: {  	_ =	shalt  }
0x70: {  	_ =	shalt  }
0x71: {  	_ =	shalt  }
0x72: {  	_ =	shalt  }
0x73: {  	_ =	shalt  }
0x74: {  	_ =	shalt  }
0x75: {  	_ =	shalt  }
0x76: {  	_ =	shalt  }
0x77: {  	_ =	shalt  }
0x78: {  	_ =	shalt  }
0x79: {  	_ =	shalt  }
0x7a: {  	_ =	shalt  }
0x7b: {  	_ =	shalt  }
0x7c: {  	_ =	shalt  }
0x7d: {  	_ =	shalt  }
0x7e: {  	_ =	shalt  }
0x7f: {  	_ =	shalt  }
0x80: {  	_ =	shalt  }
0x81: {  	_ =	shalt  }
0x82: {  	_ =	shalt  }
0x83: {  	_ =	shalt  }
0x84: {  	_ =	shalt  }
0x85: {  	_ =	shalt  }
0x86: {  	_ =	shalt  }
0x87: {  	_ =	shalt  }
.Lfunc_end0:
.L_simem_size_0:
called_computation.6_lowered:
.L_overlay_start_0:
0x88: {  	s2 =	sld [smem:$0x3FD9]  }
0x89: {  	s3 =	sld [smem:$0x3FFE];
	_ =	sdelay $0x1  }
0x8a: {  	s1 =	srdreg.scid  }
0x8b: {  	s0 =	sand.u32 $0x1, s1  }
0x8c: {  	s16 =	sshll.u32 s0, $0xA;
	s2 =	sadd.s32 s3, s2  }
0x8d: {  	s2 =	sadd.s32 s2, s16  }
0x8e: {  	[smem:$0x3FBA] =	sst s2  }
0x8f: {  	_ = 	snop  }
0x90: {  	(tm) =	ssettm $0x1  }
0x91: {  	s17 =	sld [smem:$0x3FFB];
	_ =	sdelay $0x3  }
0x92: {  	_ =	strace s17  }
0x93: {  	s2 =	sld [smem:$0x3FFC];
	_ =	sdelay $0x3  }
0x94: {  	_ =	strace s2  }
0x95: {  	s2 =	sld [smem:$0x3FFD];
	_ =	sdelay $0x3  }
0x96: {  	_ =	strace s2  }
0x97: {  	_ =	strace $0x8FFFFFFF  }
0x98: {  	s18 =	sld [smem:$0x3FDB];
	_ =	sdelay $0x1  }
0x99: {  	s19 =	simm.s32 $_scs_section_size  }
0x9a: {  	s4 =	simm.s32 $_size__tile_overlayer_lowered;
	s5 =	simm.s32 $_tile_overlayer_lowered  }
0x9b: {  	s22 =	simm.s32 $0x1BFF;
	s21 =	sshll.u32 s5, $0x1;
	s2 =	sadd.s32 s19, s18  }
0x9c: {  	s6 =	simm.s32 $0x0;
	s20 =	sshll.u32 s4, $0x1;
	s4 =	sadd.s32 s21, s2  }
0x9d: {  	[timem:s6], [sflag:s22] =	dma.local [hbm:s4], s20  }
0x9e: {  	_ =	swait.ge [sflag:s22], s20  }
0x9f: {  	s3 =	ssub.s32 $0x0, s20;
	[sflag:s22] =	ssyncset.done $0x0  }
0xa0: {  	[sflag:s22] =	ssyncadd.s32 s3;
	_ =	sdelay $0x1  }
0xa1: {  	s23 =	simm.s32 $0x1B8B  }
0xa2: {  	_ =	swait.ge [sflag:s23], $0x1  }
0xa3: {  	[sflag:s23] =	ssyncset.done $0x0  }
0xa4: {  	s25 =	simm.s32 $0x1B8E;
	s24 =	sld [smem:$0x3FFE];
	[sflag:s23] =	ssyncadd.s32 $0xFFFFFFFF  }
0xa5: {  	s26 =	simm.s32 $execute0_lowered;
	[smem:$0x3FD2] =	sst s25  }
0xa6: {  	s4 =	sshll.u32 s26, $0x1;
	_ =	strace $0x80000058;
	[dreg:$0x1] =	wrdreg $0xFFFFFFFF  }
0xa7: {  	s28 =	simm.s32 $_size_execute0_lowered;
	s2 =	sadd.s32 s2, s4;
	[dreg:$0x0] =	wrdreg $0x0  }
0xa8: {  	s4 =	sshll.u32 s28, $0x1;
	[dreg:$0x2] =	wrdreg s2  }
0xa9: {  	[dreg:$0x3] =	wrdreg s4  }
0xaa: {  	[dreg:$0x4] =	wrdreg $0xC0  }
0xab: {  	_ =	task [dreg:s6], $0x5FFFF  }
0xac: {  	[dreg:$0x1] =	wrdreg $0xFFFFFFFF  }
0xad: {  	[dreg:$0x0] =	wrdreg $0x60  }
0xae: {  	[dreg:$0x2] =	wrdreg s24  }
0xaf: {  	[dreg:$0x3] =	wrdreg $0x90000  }
0xb0: {  	[dreg:$0x4] =	wrdreg $0x9  }
0xb1: {  	_ =	task.clear_ibuf [dreg:s6], $0x5FFFF;
	_ =	strace $0x90000058  }
0xb2: {  	s29 =	simm.s32 $0x9;
	_ =	strace $0x8000005A  }
0xb3: {  	_ =	swait.ge [sflag:s29], $0x1  }
0xb4: {  	[sflag:s29] =	ssyncadd.s32 $0xFFFFFFFF  }
0xb5: {  	_ =	strace $0x9000005A  }
0xb6: {  	_ =	sfence  }
0xb7: {  	s30 =	sld [smem:$0x0];
	_ =	sdelay $0x2  }
0xb8: {  	s31 =	sshll.u32 s1, $0xD;
	s1 =	sshrl.u32 s1, $0x2  }
0xb9: {  	s3 =	sand.u32 $0x4000, s31;
	s1 =	sadd.s32 s1, s30  }
0xba: {  	s0 =	sor.u32 s3, s0;
	s1 =	sshll.u32 s1, $0x11  }
0xbb: {  	s0 =	sor.u32 s1, s0  }
0xbc: {  	s0 =	sadd.s32 $0x8F2B, s0  }
0xbd: {  	[sflag:s0] =	ssyncadd.remote.s32 $0x1  }
0xbe: {  	_ =	sfence.sel $0xFFFF  }
0xbf: {  	[dreg:$0x0] =	wrdreg $0xFFFFFFFF;
	(pc) =	sbr.abs _section_cstart, $3  }
0xc0: {  	[dreg:$0x1] =	wrdreg $0xFFFFFFFF  }
0xc1: {  	_ =	task.clear_ibuf [dreg:s6], $0x2FFFF;
	_ =	strace $0x9FFFFFFF  }
0xc2: {  	(tm) =	ssettm $0x7FFFFFFF  }
0xc3: {  	_ =	shalt  }
tec
execute0_lowered:
.L_overlay_start_1:
0x0: {  	(tag) =	ssettag $0x1  }
0x1: {  	s0 =	srdreg.scid;
	s6 =	rddreg [dreg:$0x0]  }
0x2: {  	s2 =	rddreg [dreg:$0x1];
	s1 =	stileid.u32  }
0x3: {  	s3 =	simm.s32 $0x0;
	s15 =	simm.s32 $0x80;
	s16 =	simm.s32 $0x5000  }
0x4: {  	s17 =	simm.s32 $0x1;
	s5 =	sand.u32 $0x1, s0;
	s0 =	rddreg [dreg:$0x2]  }
0x5: {  	s20 =	simm.s32 $0x0;
	[smem:$0x7FF] =	sst s3;
	s11 =	smul.u32 $0x13C00, s1  }
0x6: {  	s12 =	sadd.s32 $0x1C400, s6;
	s31 =	smul.u32 $0x4F000, s1;
	s18 =	sadd.s32 $0x128400, s2  }
0x7: {  	s13 =	sshll.u32 s1, $0x6;
	p0 =	seq.s32 s1, $0xF;
	s4 =	sshll.u32 s5, $0x4  }
0x8: {  	_ =	strace $0x80000059;
	s8 =	ssub.s32 $0x2, s5;
	s9 =	smul.u32 $0x138800, s5  }
0x9: {  	s5 =	sadd.s32 $0x19C00, s6;
	s13 =	sor.u32 $0x1C02, s13;
	s4 =	sor.u32 s1, s4  }
0xa: {  	s18 =	sshrl.u32 @p0 s18, $0x3;
	s10 =	sshrl.u32 s8, $0x1;
	s7 =	smul.u32 $0x500, s4  }
0xb: {  	s4 =	sadd.s32 $0xB8800, s6;
	s10 =	ssub.s32 s8, s10;
	s11 =	sadd.s32 s11, s9  }
0xc: {  	s8 =	sshrl.u32 s31, $0x2;
	s9 =	sshrl.u32 s9, $0x3;
	s11 =	sshrl.u32 s11, $0x3  }
0xd: {  	s19 =	sadd.s32 s8, s2;
	s9 =	sadd.s32 s12, s9;
	s10 =	smax.u32 s10, $0x1  }
0xe: {  	s7 =	sadd.s32 s7, s6;
	s8 =	sadd.s32 s12, s11;
	s9 =	sadd.s32 $0x25080, s9  }
0xf: {  	s11 =	simm.s32 $0x2;
	s12 =	simm.s32 $0x2800;
	s14 =	sshrl.u32 s19, $0x3  }
0x10: {  	s19 =	sshrl.u32 @!p0 s19, $0x3;
	s6 =	sadd.s32 $0x5C00, s7;
	s7 =	sadd.s32 $0xFC00, s7  }
.LBB2_1:
0x11: {  	[tilespmem:s3], [sflag:$0x2] =	stream.linear.gather [hbm4b:s6+s3], $0x2780, $0x38;
	[tilespmem:$0x1CC00] =	vst v63  }
0x12: {  	_ =	swait.ge [sflag:s11], $0x2780  }
0x13: {  	[sflag:s11] =	ssyncset.done $0x0  }
0x14: {  	[sflag:s11] =	ssyncadd.s32 $0xFFFFD880  }
0x15: {  	[tilespmem:s12], [sflag:$0x2] =	stream.linear.gather [hbm4b:s7+s3], $0x2780, $0x38;
	[tilespmem:$0x1CC00] =	vst v63  }
0x16: {  	_ =	swait.ge [sflag:s11], $0x2780  }
0x17: {  	[sflag:s11] =	ssyncset.done $0x0  }
0x18: {  	[sflag:s11] =	ssyncadd.s32 $0xFFFFD880  }
0x19: {  	[spmem:s14], [sflag:s13] =	dma.local [hbm:s5], $0x2780  }
0x1a: {  	_ =	swait.ge [sflag:s11], $0x2780  }
0x1b: {  	[sflag:s11] =	ssyncset.done $0x0  }
0x1c: {  	[sflag:s11] =	ssyncadd.s32 $0xFFFFD880  }
0x1d: {  	s21 =	simm.s32 $0x0;
	[bflag:$0x0] =	sbarrier.arrive $0xFFFF  }
0x1e: {  	[tilespmem:s16], [sflag:$0x1] =	stream.indirect.gather [hbm4b:s4+s15], $0x80, s21, s15, $0xb8;
	[tilespmem:$0x1CC00] =	vst v63  }
0x1f: {  	_ =	swait.ge [sflag:s17], $0x4000  }
0x20: {  	[sflag:s17] =	ssyncset.done $0x0  }
0x21: {  	s31 =	simm.s32 $0x2800;
	[sflag:s17] =	ssyncadd.s32 $0xFFFFC000  }
0x22: {  	[spmem:s2] =	stream.indirect.scatter.add.f32 [tilespmem:s16], [sflag:$0x2], $0x80, s31, s15, $0xb8;
	[tilespmem:$0x1CC00] =	vst v63  }
0x23: {  	_ =	swait.ge [sflag:s11], $0x4000  }
0x24: {  	s22 =	simm.s32 $0x400;
	s21 =	simm.s32 $0x200;
	[sflag:s11] =	ssyncset.done $0x0  }
.LBB2_2:
0x25: {  	s23 =	sshra.s32 s21, $0x2  }
0x26: {  	[sflag:s11] =	ssyncadd.s32 $0xFFFFC000;
	s21 =	smov.u32 s22;
	s24 =	sadd.s32 $0x200, s22  }
0x27: {  	[tilespmem:s16], [sflag:$0x1] =	stream.indirect.gather [hbm4b:s4+s15], $0x80, s23, s15, $0xb8;
	[tilespmem:$0x1CC00] =	vst v63  }
0x28: {  	p1 =	sne.s32 s22, $0x9C00;
	_ =	swait.ge [sflag:s17], $0x4000  }
.Ltmp0:
0x29: {  	[sflag:s17] =	ssyncset.done $0x0;
	(pc) =	sbr.rel @p1 .LBB2_2-.Ltmp0, $4  }
0x2a: {  	s22 =	sadd.s32 $0x2800, s23;
	[sflag:s17] =	ssyncadd.s32 $0xFFFFC000  }
0x2b: {  	[spmem:s2] =	stream.indirect.scatter.add.f32 [tilespmem:s16], [sflag:$0x2], $0x80, s22, s15, $0xb8;
	[tilespmem:$0x1CC00] =	vst v63  }
0x2c: {  	_ =	swait.ge [sflag:s11], $0x4000  }
0x2d: {  	s22 =	smov.u32 s24;
	[sflag:s11] =	ssyncset.done $0x0  }
0x2e: {  	s21 =	sshra.s32 s21, $0x2;
	[sflag:s11] =	ssyncadd.s32 $0xFFFFC000  }
0x2f: {  	[tilespmem:s16], [sflag:$0x1] =	stream.indirect.gather [hbm4b:s4+s15], $0x80, s21, s15, $0xb8;
	[tilespmem:$0x1CC00] =	vst v63  }
0x30: {  	_ =	swait.ge [sflag:s17], $0x4000  }
0x31: {  	[sflag:s17] =	ssyncset.done $0x0  }
0x32: {  	s21 =	sadd.s32 $0x2800, s21;
	[sflag:s17] =	ssyncadd.s32 $0xFFFFC000  }
0x33: {  	[spmem:s2] =	stream.indirect.scatter.add.f32 [tilespmem:s16], [sflag:$0x2], $0x80, s21, s15, $0xb8;
	[tilespmem:$0x1CC00] =	vst v63  }
0x34: {  	_ =	swait.ge [sflag:s11], $0x4000  }
0x35: {  	[sflag:s11] =	ssyncset.done $0x0  }
0x36: {  	[sflag:s11] =	ssyncadd.s32 $0xFFFFC000  }
0x37: {  	s21 =	simm.s32 @p0 $0x2;
	[bflag:$0x0] =	sbarrier.arrive $0xFFFF  }
0x38: {  	[hbm:s9], [sflag:s13] =	dma.local @p0 [spmem:s18], $0x2080  }
0x39: {  	s20 =	sadd.s32 $0x1, s20;
	_ =	swait.ge @p0 [sflag:s21], $0x2080  }
0x3a: {  	p1 =	sne.s32 s20, s10;
	[sflag:s21] =	ssyncset.done @p0 $0x0  }
.Ltmp1:
0x3b: {  	[sflag:s21] =	ssyncadd.s32 @p0 $0xFFFFDF80;
	s21 =	simm.s32 @!p0 $0x2;
	(pc) =	sbr.rel @p1 .LBB2_1-.Ltmp1, $4  }
0x3c: {  	[hbm:s8], [sflag:s13] =	dma.local @!p0 [spmem:s19], $0x2780  }
0x3d: {  	_ =	swait.ge @!p0 [sflag:s21], $0x2780  }
0x3e: {  	[sflag:s21] =	ssyncset.done @!p0 $0x0  }
0x3f: {  	[sflag:s21] =	ssyncadd.s32 @!p0 $0xFFFFD880  }
0x40: {  	_ =	sfence.sel $0x180000  }
0x41: {  	[bflag:$0x0] =	sbarrier.arrive $0xFFFF  }
0x42: {  	p0 =	sne.s32 s1, $0x0;
	_ =	strace $0x90000059  }
0x43: {  	s0 =	sadd.s32 @!p0 $0x100000, s0;
	[bflag:$0x2] =	sbarrier.arrive $0xFFFF  }
0x44: {  	[sflag:s0] =	ssyncadd.tile.s32 @!p0 $0x1;
	_ =	shalt  }
.Lfunc_end2:
_tile_overlayer_lowered:
.L_overlay_start_2:
0x45: {  	(tag) =	ssettag $0x2  }
0x46: {  	s0 =	rddreg [dreg:$0x0];
	s2 =	stileid.u32  }
0x47: {  	s1 =	rddreg [dreg:$0x1];
	p0 =	sne.s32 s2, $0x0  }
0x48: {  	s3 =	rddreg [dreg:$0x2];
	[bflag:$0x3] =	sbarrier.arrive $0xFFFF;
	s2 =	simm.s32 @!p0 $0x1C02  }
0x49: {  	[timem:s3], [sflag:s2] =	dma.local @!p0 [hbm:s0], s1  }
0x4a: {  	s0 =	simm.s32 @!p0 $0x2  }
0x4b: {  	_ =	swait.ge @!p0 [sflag:s0], s1  }
0x4c: {  	s1 =	ssub.s32 @!p0 $0x0, s1;
	[sflag:s0] =	ssyncset.done @!p0 $0x0  }
0x4d: {  	[sflag:s0] =	ssyncadd.s32 @!p0 s1  }
0x4e: {  	[bflag:$0x3] =	sbarrier.arrive $0xFFFF  }
0x4f: {  	_ =	shalt  }

// kernel: kernel.41.cloned.1.call-start
scs
__scs_entry_jumppad:
0x0: {  	(pc) =	sbr.rel $0x88, $3  }
0x1: {  	(tag) =	ssettag $0x0;
	lr =	simm.s32 $0x1  }
0x2: {  	[smem:$0x3F93] =	sst lr;
	_ =	strace $0xD0000000  }
0x3: {  	_ = 	snop  }
0x4: {  	_ = 	snop  }
0x5: {  	_ = 	snop  }
0x6: {  	_ = 	snop  }
0x7: {  	_ = 	snop  }
__scs_overlays_trampoline_lowered:
0x8: {  	[smem:$0x3FA2] =	sst s0  }
0x9: {  	[smem:$0x3FA3] =	sst s1  }
0xa: {  	[smem:$0x3FA4] =	sst s2  }
0xb: {  	[smem:$0x3FA5] =	sst s3  }
0xc: {  	[smem:$0x3FA6] =	sst s4  }
0xd: {  	[smem:$0x3FA7] =	sst s5  }
0xe: {  	[smem:$0x3FA8] =	sst s6  }
0xf: {  	[smem:$0x3FA9] =	sst s7  }
0x10: {  	[smem:$0x3FAA] =	sst s8  }
0x11: {  	[smem:$0x3FAB] =	sst s9;
	s0 =	simm.s32 @!p0 $0x0  }
0x12: {  	s1 =	sld [smem:$0x3F91];
	s0 =	simm.s32 @p0 $0x1  }
0x13: {  	[smem:$0x3FAC] =	sst s0;
	s0 =	simm.s32 @!p1 $0x0  }
0x14: {  	s2 =	sld [smem:$0x3F90];
	s0 =	simm.s32 @p1 $0x1  }
0x15: {  	[smem:$0x3FAD] =	sst s0;
	s0 =	simm.s32 @!p2 $0x0  }
0x16: {  	s3 =	sld [smem:$0x3FDB];
	s0 =	simm.s32 @p2 $0x1  }
0x17: {  	s4 =	simm.s32 $0x1BF5;
	[smem:$0x3FAF] =	sst s0  }
0x18: {  	s0 =	sld [smem:$0x3F92];
	_ =	swait.ge [sflag:s4], $0x0  }
0x19: {  	s7 =	sld [smem:$0x3F93]  }
0x1a: {  	s8 =	sadd.s32 $0xFFFFE003, lr  }
0x1b: {  	s9 =	sadd.s32 $0xFFFFFEF7, lr;
	s5 =	simm.s32 $0xFFFFFFFF;
	p2 =	slt.u32 s8, $0xFFFFF086  }
0x1c: {  	p1 =	slt.u32 s9, $0xF7A;
	s5 =	simm.s32 @!p2 $0x0  }
0x1d: {  	s5 =	simm.s32 @p1 $0x1;
	p0 =	seq.s32 s7, s2  }
0x1e: {  	s7 =	smul.u32 @!p0 $0xF7A, s2;
	p2 =	seq.s32 @!p0 s5, $0x0  }
0x1f: {  	s9 =	smul.u32 $0xF7A, s1;
	s8 =	simm.s32 @!p0 $0x1BF5;
	p2 =	por !p2, p0  }
0x20: {  	[sflag:s8] =	ssyncset.s32 @!p0 $0xFFFFF086;
	s6 =	sadd.s32 @!p0 s3, s7;
	s7 =	simm.s32 @!p0 $0x108  }
0x21: {  	s3 =	sadd.s32 s3, s9;
	s6 =	sadd.s32 @!p0 $0x88, s6;
	s7 =	simm.s32 @p2 $0x1082  }
0x22: {  	[simem:s7], [sflag:s8] =	dma.local @!p0 [hbm:s6], $0xF7A  }
0x23: {  	s9 =	sor.u32 $0xD0000000, s2;
	s6 =	simm.s32 $0x108;
	_ =	swait.ge @!p0 [sflag:s8], $0x0  }
0x24: {  	s3 =	sadd.s32 $0x88, s3;
	s6 =	simm.s32 @!p1 $0x1082;
	[sflag:s4] =	ssyncset.s32 $0xFFFFF086  }
0x25: {  	[simem:s6], [sflag:s4] =	dma.local [hbm:s3], $0xF7A  }
0x26: {  	[smem:$0x3F93] =	sst s1;
	(tag) =	ssettag s2;
	_ =	strace s9  }
0x27: {  	s1 =	sld [smem:$0x3FA3]  }
0x28: {  	s2 =	sld [smem:$0x3FA4]  }
0x29: {  	s4 =	sld [smem:$0x3FA6]  }
0x2a: {  	p0 =	seq.s32 s5, $0x0;
	s5 =	sld [smem:$0x3FA7]  }
0x2b: {  	s6 =	sld [smem:$0x3FA8]  }
0x2c: {  	s7 =	sld [smem:$0x3FA9]  }
0x2d: {  	s3 =	simm.s32 $0x108;
	s8 =	sld [smem:$0x3FAA]  }
0x2e: {  	s3 =	simm.s32 @!p0 $0x1082;
	s9 =	sld [smem:$0x3FAB]  }
0x2f: {  	lr =	sadd.s32 s0, s3;
	s0 =	sld [smem:$0x3FA2]  }
0x30: {  	s3 =	sld [smem:$0x3FA5]  }
0x31: {  	[smem:$0x3FAE] =	sst s10  }
0x32: {  	s10 =	sld [smem:$0x3FAC];
	_ =	sdelay $0x3  }
0x33: {  	p0 =	seq.s32 s10, $0x1;
	s10 =	sld [smem:$0x3FAE];
	_ =	sdelay $0x3  }
0x34: {  	[smem:$0x3FAE] =	sst s10  }
0x35: {  	s10 =	sld [smem:$0x3FAD];
	_ =	sdelay $0x3  }
0x36: {  	p1 =	seq.s32 s10, $0x1;
	s10 =	sld [smem:$0x3FAE];
	_ =	sdelay $0x3  }
0x37: {  	[smem:$0x3FAE] =	sst s10  }
0x38: {  	s10 =	sld [smem:$0x3FAF]  }
0x39: {  	_ = 	snop;
	(pc) =	sbr.ind lr, $3  }
0x3a: {  	_ = 	snop  }
0x3b: {  	_ = 	snop  }
0x3c: {  	p2 =	seq.s32 s10, $0x1;
	s10 =	sld [smem:$0x3FAE]  }
0x3d: {  	_ =	shalt  }
0x3e: {  	_ =	shalt  }
0x3f: {  	_ =	shalt  }
0x40: {  	_ =	shalt  }
0x41: {  	_ =	shalt  }
0x42: {  	_ =	shalt  }
0x43: {  	_ =	shalt  }
0x44: {  	_ =	shalt  }
0x45: {  	_ =	shalt  }
0x46: {  	_ =	shalt  }
0x47: {  	_ =	shalt  }
0x48: {  	_ =	shalt  }
0x49: {  	_ =	shalt  }
0x4a: {  	_ =	shalt  }
0x4b: {  	_ =	shalt  }
0x4c: {  	_ =	shalt  }
0x4d: {  	_ =	shalt  }
0x4e: {  	_ =	shalt  }
0x4f: {  	_ =	shalt  }
0x50: {  	_ =	shalt  }
0x51: {  	_ =	shalt  }
0x52: {  	_ =	shalt  }
0x53: {  	_ =	shalt  }
0x54: {  	_ =	shalt  }
0x55: {  	_ =	shalt  }
0x56: {  	_ =	shalt  }
0x57: {  	_ =	shalt  }
0x58: {  	_ =	shalt  }
0x59: {  	_ =	shalt  }
0x5a: {  	_ =	shalt  }
0x5b: {  	_ =	shalt  }
0x5c: {  	_ =	shalt  }
0x5d: {  	_ =	shalt  }
0x5e: {  	_ =	shalt  }
0x5f: {  	_ =	shalt  }
0x60: {  	_ =	shalt  }
0x61: {  	_ =	shalt  }
0x62: {  	_ =	shalt  }
0x63: {  	_ =	shalt  }
0x64: {  	_ =	shalt  }
0x65: {  	_ =	shalt  }
0x66: {  	_ =	shalt  }
0x67: {  	_ =	shalt  }
0x68: {  	_ =	shalt  }
0x69: {  	_ =	shalt  }
0x6a: {  	_ =	shalt  }
0x6b: {  	_ =	shalt  }
0x6c: {  	_ =	shalt  }
0x6d: {  	_ =	shalt  }
0x6e: {  	_ =	shalt  }
0x6f: {  	_ =	shalt  }
0x70: {  	_ =	shalt  }
0x71: {  	_ =	shalt  }
0x72: {  	_ =	shalt  }
0x73: {  	_ =	shalt  }
0x74: {  	_ =	shalt  }
0x75: {  	_ =	shalt  }
0x76: {  	_ =	shalt  }
0x77: {  	_ =	shalt  }
0x78: {  	_ =	shalt  }
0x79: {  	_ =	shalt  }
0x7a: {  	_ =	shalt  }
0x7b: {  	_ =	shalt  }
0x7c: {  	_ =	shalt  }
0x7d: {  	_ =	shalt  }
0x7e: {  	_ =	shalt  }
0x7f: {  	_ =	shalt  }
0x80: {  	_ =	shalt  }
0x81: {  	_ =	shalt  }
0x82: {  	_ =	shalt  }
0x83: {  	_ =	shalt  }
0x84: {  	_ =	shalt  }
0x85: {  	_ =	shalt  }
0x86: {  	_ =	shalt  }
0x87: {  	_ =	shalt  }
.Lfunc_end0:
.L_simem_size_0:
called_computation.7_lowered:
.L_overlay_start_0:
0x88: {  	s2 =	sld [smem:$0x3FD9]  }
0x89: {  	s3 =	sld [smem:$0x3FFE];
	_ =	sdelay $0x1  }
0x8a: {  	s1 =	srdreg.scid  }
0x8b: {  	s0 =	sand.u32 $0x1, s1  }
0x8c: {  	s16 =	sshll.u32 s0, $0xA;
	s2 =	sadd.s32 s3, s2  }
0x8d: {  	s2 =	sadd.s32 s2, s16  }
0x8e: {  	[smem:$0x3FBA] =	sst s2  }
0x8f: {  	_ = 	snop  }
0x90: {  	(tm) =	ssettm $0x1  }
0x91: {  	s17 =	sld [smem:$0x3FFB];
	_ =	sdelay $0x3  }
0x92: {  	_ =	strace s17  }
0x93: {  	s2 =	sld [smem:$0x3FFC];
	_ =	sdelay $0x3  }
0x94: {  	_ =	strace s2  }
0x95: {  	s2 =	sld [smem:$0x3FFD];
	_ =	sdelay $0x3  }
0x96: {  	_ =	strace s2  }
0x97: {  	_ =	strace $0x8FFFFFFF  }
0x98: {  	s18 =	sld [smem:$0x3FDB];
	_ =	sdelay $0x1  }
0x99: {  	s19 =	simm.s32 $_scs_section_size  }
0x9a: {  	s4 =	simm.s32 $_size__tile_overlayer_lowered;
	s5 =	simm.s32 $_tile_overlayer_lowered  }
0x9b: {  	s22 =	simm.s32 $0x1BFF;
	s21 =	sshll.u32 s5, $0x1;
	s2 =	sadd.s32 s19, s18  }
0x9c: {  	s6 =	simm.s32 $0x0;
	s20 =	sshll.u32 s4, $0x1;
	s4 =	sadd.s32 s21, s2  }
0x9d: {  	[timem:s6], [sflag:s22] =	dma.local [hbm:s4], s20  }
0x9e: {  	_ =	swait.ge [sflag:s22], s20  }
0x9f: {  	s3 =	ssub.s32 $0x0, s20;
	[sflag:s22] =	ssyncset.done $0x0  }
0xa0: {  	[sflag:s22] =	ssyncadd.s32 s3;
	_ =	sdelay $0x1  }
0xa1: {  	s23 =	simm.s32 $0x1B8B  }
0xa2: {  	_ =	swait.ge [sflag:s23], $0x1  }
0xa3: {  	[sflag:s23] =	ssyncset.done $0x0  }
0xa4: {  	s25 =	simm.s32 $0x1B8E;
	s24 =	sld [smem:$0x3FFE];
	[sflag:s23] =	ssyncadd.s32 $0xFFFFFFFF  }
0xa5: {  	s26 =	simm.s32 $execute0_lowered;
	[smem:$0x3FD2] =	sst s25  }
0xa6: {  	s4 =	sshll.u32 s26, $0x1;
	_ =	strace $0x8000005B;
	[dreg:$0x1] =	wrdreg $0xFFFFFFFF  }
0xa7: {  	s28 =	simm.s32 $_size_execute0_lowered;
	s2 =	sadd.s32 s2, s4;
	[dreg:$0x0] =	wrdreg $0x0  }
0xa8: {  	s4 =	sshll.u32 s28, $0x1;
	[dreg:$0x2] =	wrdreg s2  }
0xa9: {  	[dreg:$0x3] =	wrdreg s4  }
0xaa: {  	[dreg:$0x4] =	wrdreg $0xC0  }
0xab: {  	_ =	task [dreg:s6], $0x5FFFF  }
0xac: {  	[dreg:$0x1] =	wrdreg $0xFFFFFFFF  }
0xad: {  	[dreg:$0x0] =	wrdreg $0x60  }
0xae: {  	[dreg:$0x2] =	wrdreg s24  }
0xaf: {  	[dreg:$0x3] =	wrdreg $0x90000  }
0xb0: {  	[dreg:$0x4] =	wrdreg $0x9  }
0xb1: {  	_ =	task.clear_ibuf [dreg:s6], $0x5FFFF;
	_ =	strace $0x9000005B  }
0xb2: {  	s29 =	simm.s32 $0x9;
	_ =	strace $0x8000005D  }
0xb3: {  	_ =	swait.ge [sflag:s29], $0x1  }
0xb4: {  	[sflag:s29] =	ssyncadd.s32 $0xFFFFFFFF  }
0xb5: {  	_ =	strace $0x9000005D  }
0xb6: {  	_ =	sfence  }
0xb7: {  	s30 =	sld [smem:$0x0];
	_ =	sdelay $0x2  }
0xb8: {  	s31 =	sshll.u32 s1, $0xD;
	s1 =	sshrl.u32 s1, $0x2  }
0xb9: {  	s3 =	sand.u32 $0x4000, s31;
	s1 =	sadd.s32 s1, s30  }
0xba: {  	s0 =	sor.u32 s3, s0;
	s1 =	sshll.u32 s1, $0x11  }
0xbb: {  	s0 =	sor.u32 s1, s0  }
0xbc: {  	s0 =	sadd.s32 $0x8F2B, s0  }
0xbd: {  	[sflag:s0] =	ssyncadd.remote.s32 $0x1  }
0xbe: {  	_ =	sfence.sel $0xFFFF  }
0xbf: {  	[dreg:$0x0] =	wrdreg $0xFFFFFFFF;
	(pc) =	sbr.abs _section_cstart, $3  }
0xc0: {  	[dreg:$0x1] =	wrdreg $0xFFFFFFFF  }
0xc1: {  	_ =	task.clear_ibuf [dreg:s6], $0x2FFFF;
	_ =	strace $0x9FFFFFFF  }
0xc2: {  	(tm) =	ssettm $0x7FFFFFFF  }
0xc3: {  	_ =	shalt  }
tec
execute0_lowered:
.L_overlay_start_1:
0x0: {  	(tag) =	ssettag $0x1  }
0x1: {  	s0 =	srdreg.scid;
	s6 =	rddreg [dreg:$0x0]  }
0x2: {  	s2 =	rddreg [dreg:$0x1];
	s1 =	stileid.u32  }
0x3: {  	s3 =	simm.s32 $0x0;
	s15 =	simm.s32 $0x80;
	s16 =	simm.s32 $0x5000  }
0x4: {  	s17 =	simm.s32 $0x1;
	s5 =	sand.u32 $0x1, s0;
	s0 =	rddreg [dreg:$0x2]  }
0x5: {  	s20 =	simm.s32 $0x0;
	[smem:$0x7FF] =	sst s3;
	s11 =	smul.u32 $0x13C00, s1  }
0x6: {  	s12 =	sadd.s32 $0x1C400, s6;
	s31 =	smul.u32 $0x4F000, s1;
	s18 =	sadd.s32 $0x128400, s2  }
0x7: {  	s13 =	sshll.u32 s1, $0x6;
	p0 =	seq.s32 s1, $0xF;
	s4 =	sshll.u32 s5, $0x4  }
0x8: {  	_ =	strace $0x8000005C;
	s8 =	ssub.s32 $0x2, s5;
	s9 =	smul.u32 $0x138800, s5  }
0x9: {  	s5 =	sadd.s32 $0x19C00, s6;
	s13 =	sor.u32 $0x1C02, s13;
	s4 =	sor.u32 s1, s4  }
0xa: {  	s18 =	sshrl.u32 @p0 s18, $0x3;
	s10 =	sshrl.u32 s8, $0x1;
	s7 =	smul.u32 $0x500, s4  }
0xb: {  	s4 =	sadd.s32 $0xDFA00, s6;
	s10 =	ssub.s32 s8, s10;
	s11 =	sadd.s32 s11, s9  }
0xc: {  	s8 =	sshrl.u32 s31, $0x2;
	s9 =	sshrl.u32 s9, $0x3;
	s11 =	sshrl.u32 s11, $0x3  }
0xd: {  	s19 =	sadd.s32 s8, s2;
	s9 =	sadd.s32 s12, s9;
	s10 =	smax.u32 s10, $0x1  }
0xe: {  	s7 =	sadd.s32 s7, s6;
	s8 =	sadd.s32 s12, s11;
	s9 =	sadd.s32 $0x25080, s9  }
0xf: {  	s11 =	simm.s32 $0x2;
	s12 =	simm.s32 $0x2800;
	s14 =	sshrl.u32 s19, $0x3  }
0x10: {  	s19 =	sshrl.u32 @!p0 s19, $0x3;
	s6 =	sadd.s32 $0x5C00, s7;
	s7 =	sadd.s32 $0xFC00, s7  }
.LBB2_1:
0x11: {  	[tilespmem:s3], [sflag:$0x2] =	stream.linear.gather [hbm4b:s6+s3], $0x2780, $0x38;
	[tilespmem:$0x1CC00] =	vst v63  }
0x12: {  	_ =	swait.ge [sflag:s11], $0x2780  }
0x13: {  	[sflag:s11] =	ssyncset.done $0x0  }
0x14: {  	[sflag:s11] =	ssyncadd.s32 $0xFFFFD880  }
0x15: {  	[tilespmem:s12], [sflag:$0x2] =	stream.linear.gather [hbm4b:s7+s3], $0x2780, $0x38;
	[tilespmem:$0x1CC00] =	vst v63  }
0x16: {  	_ =	swait.ge [sflag:s11], $0x2780  }
0x17: {  	[sflag:s11] =	ssyncset.done $0x0  }
0x18: {  	[sflag:s11] =	ssyncadd.s32 $0xFFFFD880  }
0x19: {  	[spmem:s14], [sflag:s13] =	dma.local [hbm:s5], $0x2780  }
0x1a: {  	_ =	swait.ge [sflag:s11], $0x2780  }
0x1b: {  	[sflag:s11] =	ssyncset.done $0x0  }
0x1c: {  	[sflag:s11] =	ssyncadd.s32 $0xFFFFD880  }
0x1d: {  	s21 =	simm.s32 $0x0;
	[bflag:$0x0] =	sbarrier.arrive $0xFFFF  }
0x1e: {  	[tilespmem:s16], [sflag:$0x1] =	stream.indirect.gather [hbm4b:s4+s15], $0x80, s21, s15, $0xb8;
	[tilespmem:$0x1CC00] =	vst v63  }
0x1f: {  	_ =	swait.ge [sflag:s17], $0x4000  }
0x20: {  	[sflag:s17] =	ssyncset.done $0x0  }
0x21: {  	s31 =	simm.s32 $0x2800;
	[sflag:s17] =	ssyncadd.s32 $0xFFFFC000  }
0x22: {  	[spmem:s2] =	stream.indirect.scatter.add.f32 [tilespmem:s16], [sflag:$0x2], $0x80, s31, s15, $0xb8;
	[tilespmem:$0x1CC00] =	vst v63  }
0x23: {  	_ =	swait.ge [sflag:s11], $0x4000  }
0x24: {  	s22 =	simm.s32 $0x400;
	s21 =	simm.s32 $0x200;
	[sflag:s11] =	ssyncset.done $0x0  }
.LBB2_2:
0x25: {  	s23 =	sshra.s32 s21, $0x2  }
0x26: {  	[sflag:s11] =	ssyncadd.s32 $0xFFFFC000;
	s21 =	smov.u32 s22;
	s24 =	sadd.s32 $0x200, s22  }
0x27: {  	[tilespmem:s16], [sflag:$0x1] =	stream.indirect.gather [hbm4b:s4+s15], $0x80, s23, s15, $0xb8;
	[tilespmem:$0x1CC00] =	vst v63  }
0x28: {  	p1 =	sne.s32 s22, $0x9C00;
	_ =	swait.ge [sflag:s17], $0x4000  }
.Ltmp0:
0x29: {  	[sflag:s17] =	ssyncset.done $0x0;
	(pc) =	sbr.rel @p1 .LBB2_2-.Ltmp0, $4  }
0x2a: {  	s22 =	sadd.s32 $0x2800, s23;
	[sflag:s17] =	ssyncadd.s32 $0xFFFFC000  }
0x2b: {  	[spmem:s2] =	stream.indirect.scatter.add.f32 [tilespmem:s16], [sflag:$0x2], $0x80, s22, s15, $0xb8;
	[tilespmem:$0x1CC00] =	vst v63  }
0x2c: {  	_ =	swait.ge [sflag:s11], $0x4000  }
0x2d: {  	s22 =	smov.u32 s24;
	[sflag:s11] =	ssyncset.done $0x0  }
0x2e: {  	s21 =	sshra.s32 s21, $0x2;
	[sflag:s11] =	ssyncadd.s32 $0xFFFFC000  }
0x2f: {  	[tilespmem:s16], [sflag:$0x1] =	stream.indirect.gather [hbm4b:s4+s15], $0x80, s21, s15, $0xb8;
	[tilespmem:$0x1CC00] =	vst v63  }
0x30: {  	_ =	swait.ge [sflag:s17], $0x4000  }
0x31: {  	[sflag:s17] =	ssyncset.done $0x0  }
0x32: {  	s21 =	sadd.s32 $0x2800, s21;
	[sflag:s17] =	ssyncadd.s32 $0xFFFFC000  }
0x33: {  	[spmem:s2] =	stream.indirect.scatter.add.f32 [tilespmem:s16], [sflag:$0x2], $0x80, s21, s15, $0xb8;
	[tilespmem:$0x1CC00] =	vst v63  }
0x34: {  	_ =	swait.ge [sflag:s11], $0x4000  }
0x35: {  	[sflag:s11] =	ssyncset.done $0x0  }
0x36: {  	[sflag:s11] =	ssyncadd.s32 $0xFFFFC000  }
0x37: {  	s21 =	simm.s32 @p0 $0x2;
	[bflag:$0x0] =	sbarrier.arrive $0xFFFF  }
0x38: {  	[hbm:s9], [sflag:s13] =	dma.local @p0 [spmem:s18], $0x2080  }
0x39: {  	s20 =	sadd.s32 $0x1, s20;
	_ =	swait.ge @p0 [sflag:s21], $0x2080  }
0x3a: {  	p1 =	sne.s32 s20, s10;
	[sflag:s21] =	ssyncset.done @p0 $0x0  }
.Ltmp1:
0x3b: {  	[sflag:s21] =	ssyncadd.s32 @p0 $0xFFFFDF80;
	s21 =	simm.s32 @!p0 $0x2;
	(pc) =	sbr.rel @p1 .LBB2_1-.Ltmp1, $4  }
0x3c: {  	[hbm:s8], [sflag:s13] =	dma.local @!p0 [spmem:s19], $0x2780  }
0x3d: {  	_ =	swait.ge @!p0 [sflag:s21], $0x2780  }
0x3e: {  	[sflag:s21] =	ssyncset.done @!p0 $0x0  }
0x3f: {  	[sflag:s21] =	ssyncadd.s32 @!p0 $0xFFFFD880  }
0x40: {  	_ =	sfence.sel $0x180000  }
0x41: {  	[bflag:$0x0] =	sbarrier.arrive $0xFFFF  }
0x42: {  	p0 =	sne.s32 s1, $0x0;
	_ =	strace $0x9000005C  }
0x43: {  	s0 =	sadd.s32 @!p0 $0x100000, s0;
	[bflag:$0x2] =	sbarrier.arrive $0xFFFF  }
0x44: {  	[sflag:s0] =	ssyncadd.tile.s32 @!p0 $0x1;
	_ =	shalt  }
.Lfunc_end2:
_tile_overlayer_lowered:
.L_overlay_start_2:
0x45: {  	(tag) =	ssettag $0x2  }
0x46: {  	s0 =	rddreg [dreg:$0x0];
	s2 =	stileid.u32  }
0x47: {  	s1 =	rddreg [dreg:$0x1];
	p0 =	sne.s32 s2, $0x0  }
0x48: {  	s3 =	rddreg [dreg:$0x2];
	[bflag:$0x3] =	sbarrier.arrive $0xFFFF;
	s2 =	simm.s32 @!p0 $0x1C02  }
0x49: {  	[timem:s3], [sflag:s2] =	dma.local @!p0 [hbm:s0], s1  }
0x4a: {  	s0 =	simm.s32 @!p0 $0x2  }
0x4b: {  	_ =	swait.ge @!p0 [sflag:s0], s1  }
0x4c: {  	s1 =	ssub.s32 @!p0 $0x0, s1;
	[sflag:s0] =	ssyncset.done @!p0 $0x0  }
0x4d: {  	[sflag:s0] =	ssyncadd.s32 @!p0 s1  }
0x4e: {  	[bflag:$0x3] =	sbarrier.arrive $0xFFFF  }
0x4f: {  	_ =	shalt  }

</sc_bundles>
